<compile_context>
chip_gen: v7x
topology: tpu7x:2x2x1
jax: 0.10.2.dev20260603
libtpu: 0.0.44.dev20260713+nightly
codegen_flags: <defaults>
</compile_context>

<pallas_src>
import jax
import jax.numpy as jnp
from jax import lax
from jax.experimental import pallas as pl
from jax.experimental.pallas import tpu as pltpu
from jax.experimental.pallas import tpu_sc as plsc

_NC = 2
_NS = 16
_NW = _NC * _NS
_CHUNK = 128
_KC = 5

_D = 16
_NB = 5
_S = 8
_NF = 21
_H = 64
_RPG = 128 // _D


def _gather_body(idx_hbm, locs_hbm, lsc_hbm, out_l, out_s,
                 idx_v, gv, blk_l, blk_s, pk_l, pk_s, sem):
    wid = lax.axis_index("s") * _NC + lax.axis_index("c")
    pltpu.sync_copy(idx_hbm.at[wid], idx_v)
    for c in range(_KC):
        for j in range(_CHUNK // 16):
            off = c * _CHUNK + j * 16
            gv[c, pl.ds(j * 16, 16)] = idx_v[pl.ds(off, 16)] >> (_RPG.bit_length() - 1)

    def fire(c, buf):
        cl = pltpu.async_copy(locs_hbm.at[gv.at[c]], blk_l.at[buf], sem)
        cs = pltpu.async_copy(lsc_hbm.at[gv.at[c]], blk_s.at[buf], sem)
        return cl, cs

    lanes = lax.iota(jnp.int32, 16)
    cps = {0: fire(0, 0)}
    for c in range(_KC):
        if c + 1 < _KC:
            cps[c + 1] = fire(c + 1, (c + 1) % 2)
        cps[c][0].wait()
        cps[c][1].wait()
        buf = c % 2

        @pl.loop(0, _CHUNK, unroll=8)
        def select(r):
            g = c * _CHUNK + r
            iv = plsc.load_gather(idx_v, [jnp.full((16,), g, jnp.int32)])
            col = (iv & (_RPG - 1)) * _D + lanes
            row_i = jnp.full((16,), r, jnp.int32)
            o_c = jnp.full((16,), g, jnp.int32)
            vl = plsc.load_gather(blk_l.at[buf], [row_i, col])
            plsc.store_scatter(pk_l, [lanes, o_c], vl)
            vs = plsc.load_gather(blk_s.at[buf], [row_i, col])
            plsc.store_scatter(pk_s, [lanes, o_c], vs)
    npw = _KC * _CHUNK
    pltpu.sync_copy(pk_l, out_l.at[:, pl.ds(wid * npw, npw)])
    pltpu.sync_copy(pk_s, out_s.at[:, pl.ds(wid * npw, npw)])


def _sc_gather(idx2, locs128, lsc128, n_rows):
    npw = n_rows // _NW
    f = pl.kernel(
        _gather_body,
        out_type=[
            jax.ShapeDtypeStruct((_D, n_rows), jnp.float32),
            jax.ShapeDtypeStruct((_D, n_rows), jnp.float32),
        ],
        mesh=plsc.VectorSubcoreMesh(core_axis_name="c", subcore_axis_name="s"),
        scratch_types=[
            pltpu.VMEM((_KC * _CHUNK,), jnp.int32),
            pltpu.VMEM((_KC, _CHUNK), jnp.int32),
            pltpu.VMEM((2, _CHUNK, 128), jnp.float32),
            pltpu.VMEM((2, _CHUNK, 128), jnp.float32),
            pltpu.VMEM((_D, npw), jnp.float32),
            pltpu.VMEM((_D, npw), jnp.float32),
            pltpu.SemaphoreType.DMA,
        ],
        compiler_params=pltpu.CompilerParams(needs_layout_passes=False),
    )
    return f(idx2, locs128, lsc128)


def _dense_body(towers_ref, eps_ref, locs_ref, lsc_ref, w1aT_ref, w1bT_ref,
                b1_ref, w2T_ref, b2_ref, out_ref):
    j = pl.program_id(1)
    t = towers_ref[0]
    lr = locs_ref[:, 0, 0, :]
    sc = jnp.exp(lsc_ref[:, 0, 0, :])
    w1aT = w1aT_ref[...]
    w1bT = w1bT_ref[...]
    b1c = b1_ref[...]
    w2T = w2T_ref[...]
    qx = t[17:18, :]; qy = t[18:19, :]; qz = t[19:20, :]; qw = t[20:21, :]
    s2 = 2.0 / (qx * qx + qy * qy + qz * qz + qw * qw)
    xx = qx * qx * s2; yy = qy * qy * s2; zz = qz * qz * s2
    xy = qx * qy * s2; xz = qx * qz * s2; yz = qy * qz * s2
    xw = qx * qw * s2; yw = qy * qw * s2; zw = qz * qw * s2
    r00 = 1.0 - yy - zz; r01 = xy - zw; r02 = xz + yw
    r10 = xy + zw; r11 = 1.0 - xx - zz; r12 = yz - xw
    r20 = xz - yw; r21 = yz + xw; r22 = 1.0 - xx - yy
    w13 = w1aT[:, 13:14]; w14 = w1aT[:, 14:15]; w15 = w1aT[:, 15:16]
    V0 = w13 * r00 + w14 * r10 + w15 * r20 - w13
    V1 = w13 * r01 + w14 * r11 + w15 * r21 - w14
    V2 = w13 * r02 + w14 * r12 + w15 * r22 - w15
    pre = (jnp.dot(w1bT, t, preferred_element_type=jnp.float32)
           + jnp.dot(w1aT, lr, preferred_element_type=jnp.float32) + b1c
           + lr[13:14, :] * V0 + lr[14:15, :] * V1 + lr[15:16, :] * V2)
    ys = []
    for s in range(_S):
        es = eps_ref[s, 0] * sc
        g = jnp.dot(w1aT, es, preferred_element_type=jnp.float32)
        h = jnp.maximum(
            g + es[13:14, :] * V0 + es[14:15, :] * V1 + es[15:16, :] * V2 + pre,
            0.0)
        ys.append(jnp.dot(w2T, h, preferred_element_type=jnp.float32))
    y = jnp.concatenate(ys, axis=0)

    @pl.when(j == 0)
    def _():
        out_ref[...] = y

    @pl.when(j > 0)
    def _():
        out_ref[...] = out_ref[...] + y

    @pl.when(j == _NB - 1)
    def _():
        out_ref[...] = jax.nn.sigmoid(out_ref[...] * (1.0 / _NB) + b2_ref[...])


def _dense(towers_v, eps_v, locsT, lscT, w1aT, w1bT, b1c, w2T, b2, bb):
    B = towers_v.shape[2]
    return pl.pallas_call(
        _dense_body,
        grid=(B // bb, _NB),
        in_specs=[
            pl.BlockSpec((1, _NF, bb), lambda i, j: (j, 0, i)),
            pl.BlockSpec((_S, 1, _D, bb), lambda i, j: (0, j, 0, i)),
            pl.BlockSpec((_D, 1, 1, bb), lambda i, j: (0, j, 0, i)),
            pl.BlockSpec((_D, 1, 1, bb), lambda i, j: (0, j, 0, i)),
            pl.BlockSpec((_H, _D), lambda i, j: (0, 0)),
            pl.BlockSpec((_H, _NF), lambda i, j: (0, 0)),
            pl.BlockSpec((_H, 1), lambda i, j: (0, 0)),
            pl.BlockSpec((1, _H), lambda i, j: (0, 0)),
            pl.BlockSpec((1, 1), lambda i, j: (0, 0)),
        ],
        out_specs=pl.BlockSpec((_S, bb), lambda i, j: (0, i)),
        out_shape=jax.ShapeDtypeStruct((_S, B), jnp.float32),
    )(towers_v, eps_v, locsT, lscT, w1aT, w1bT, b1c, w2T, b2)


def kernel(towers, block_ids, N_samples, eps, latent_locs, latent_logscales,
           W1, b1, W2, b2):
    B, Nb, Nf = towers.shape
    S = eps.shape[1]
    idx2 = block_ids.T.reshape(_NW, -1)
    locs_rows, lsc_rows = _sc_gather(idx2, latent_locs.reshape(-1, 128),
                                     latent_logscales.reshape(-1, 128), B * Nb)
    locsT = locs_rows.reshape(_D, Nb, 1, B)
    lscT = lsc_rows.reshape(_D, Nb, 1, B)
    y = _dense(towers.transpose(1, 2, 0), eps.transpose(1, 2, 3, 0),
               locsT, lscT, W1[:_D].T, W1[_D:].T,
               b1.reshape(-1, 1), W2.T, b2.reshape(1, 1), bb=1024)
    return y.T[:, None, :]

# --- scband reference (transcript-rebuilt; emitter-appended) ---
"""Pipeline reference for scband-latent-ensemble-54090818126204 (READ-ONLY COPY).

The authoritative reference and input builder live on the scoring server;
editing this copy changes nothing except your own understanding.
"""

import jax, jax.numpy as jnp
import numpy as np

N_LATENTS = 1000000
D_LATENTS = 16
N_BATCH = 4096
N_BLOCKS = 5
N_FEATS = 21
N_SAMPLES = 8
HIDDEN = 64
TOTAL_DIM = N_FEATS + D_LATENTS


def quat_to_matrix(q):
    # scipy Rotation.from_quat convention: (x, y, z, w), normalized internally
    q = q / jnp.linalg.norm(q, axis=-1, keepdims=True)
    x, y, z, w = q[..., 0], q[..., 1], q[..., 2], q[..., 3]
    r00 = 1.0 - 2.0 * (y * y + z * z); r01 = 2.0 * (x * y - z * w); r02 = 2.0 * (x * z + y * w)
    r10 = 2.0 * (x * y + z * w); r11 = 1.0 - 2.0 * (x * x + z * z); r12 = 2.0 * (y * z - x * w)
    r20 = 2.0 * (x * z - y * w); r21 = 2.0 * (y * z + x * w); r22 = 1.0 - 2.0 * (x * x + y * y)
    row0 = jnp.stack([r00, r01, r02], axis=-1)
    row1 = jnp.stack([r10, r11, r12], axis=-1)
    row2 = jnp.stack([r20, r21, r22], axis=-1)
    return jnp.stack([row0, row1, row2], axis=-2)


def setup_inputs(seed: int = 0):
    key = jax.random.key(seed)
    ks = jax.random.split(key, 9)
    towers = jax.random.normal(ks[0], (N_BATCH, N_BLOCKS, N_FEATS), dtype=jnp.float32)
    block_ids = jax.random.randint(ks[1], (N_BATCH, N_BLOCKS), 0, N_LATENTS, dtype=jnp.int32)
    # learned variational parameters (module initializes to zeros; perturb slightly for non-degenerate math)
    latent_locs = 0.01 * jax.random.normal(ks[2], (N_LATENTS, D_LATENTS), dtype=jnp.float32)
    latent_logscales = 0.01 * jax.random.normal(ks[3], (N_LATENTS, D_LATENTS), dtype=jnp.float32)
    # reparameterization noise for q_z.rsample(sample_shape=[N_samples]).permute(1,0,2,3)
    eps = jax.random.normal(ks[4], (N_BATCH, N_SAMPLES, N_BLOCKS, D_LATENTS), dtype=jnp.float32)
    # simple feasibility-ensemble stand-in: per-block MLP -> mean over blocks -> sigmoid
    W1 = 0.05 * jax.random.normal(ks[5], (TOTAL_DIM, HIDDEN), dtype=jnp.float32)
    b1 = jnp.zeros((HIDDEN,), dtype=jnp.float32)
    W2 = 0.05 * jax.random.normal(ks[6], (HIDDEN, 1), dtype=jnp.float32)
    b2 = jnp.zeros((1,), dtype=jnp.float32)
    return {"towers": towers, "block_ids": block_ids, "N_samples": N_SAMPLES,
            "eps": eps, "latent_locs": latent_locs, "latent_logscales": latent_logscales,
            "W1": W1, "b1": b1, "W2": W2, "b2": b2}


def reference(towers, block_ids, N_samples, eps, latent_locs, latent_logscales, W1, b1, W2, b2):
    B, Nb, Nf = towers.shape
    S = eps.shape[1]
    # embedding-style gathers: latent_locs[block_ids], latent_logscales[block_ids]
    locs = jnp.take(latent_locs, block_ids, axis=0)            # [B, Nb, d]
    scales = jnp.exp(jnp.take(latent_logscales, block_ids, axis=0))  # [B, Nb, d]
    # rsample + permute(1,0,2,3) -> [B, S, Nb, d]
    samples = locs[:, None, :, :] + eps * scales[:, None, :, :]
    # prerotate_latent_samples: rotate last 3 latent dims by tower quaternion (last 4 feats)
    quats = towers[..., -4:]                                   # [B, Nb, 4]
    R = quat_to_matrix(quats)                                  # [B, Nb, 3, 3]
    tail = jnp.einsum('boij,bsoj->bsoi', R, samples[..., -3:])
    samples = jnp.concatenate([samples[..., :-3], tail], axis=-1)
    # concat_samples
    obs = jnp.broadcast_to(towers[:, None, :, :], (B, S, Nb, Nf))
    towers_with_latents = jnp.concatenate([samples, obs], axis=-1)  # [B, S, Nb, total]
    flat = towers_with_latents.reshape(B * S, Nb, Nf + samples.shape[-1])
    # ensemble.forward (average over ensemble modeled as single MLP head)
    h = jax.nn.relu(jnp.einsum('bnd,dh->bnh', flat, W1) + b1)
    per_block = jnp.einsum('bnh,ho->bno', h, W2) + b2          # [B*S, Nb, 1]
    labels = jax.nn.sigmoid(jnp.mean(per_block, axis=1))       # [B*S, 1]
    labels = labels.reshape(B, S, -1).transpose(0, 2, 1)       # [B, 1, S]
    return labels

if __name__ == "__main__":
    import jax
    _d = setup_inputs()
    print(jax.jit(kernel)(*tuple(_d.values())))

</pallas_src>

<mosaic_0001>
#map = affine_map<(d0, d1) -> (0, 0)>
module attributes {stable_mosaic.version = 14 : i64} {
  func.func @_gather_body(%arg0: i32, %arg1: i32, %arg2: memref<32x640xi32, #tpu.memory_space<hbm>>, %arg3: memref<125000x128xf32, #tpu.memory_space<hbm>>, %arg4: memref<125000x128xf32, #tpu.memory_space<hbm>>, %arg5: memref<16x20480xf32, #tpu.memory_space<hbm>>, %arg6: memref<16x20480xf32, #tpu.memory_space<hbm>>, %arg7: memref<640xi32, #tpu.memory_space<vmem>>, %arg8: memref<5x128xi32, #tpu.memory_space<vmem>>, %arg9: memref<2x128x128xf32, #tpu.memory_space<vmem>>, %arg10: memref<2x128x128xf32, #tpu.memory_space<vmem>>, %arg11: memref<16x640xf32, #tpu.memory_space<vmem>>, %arg12: memref<16x640xf32, #tpu.memory_space<vmem>>, %arg13: memref<!tpu.dma_semaphore, #tpu.memory_space<semaphore_mem>>) attributes {dimension_semantics = [#tpu.dimension_semantics<core_parallel>, #tpu.dimension_semantics<subcore_parallel>], iteration_bounds = array<i64: 2, 16>, scalar_prefetch = 0 : i64, scratch_operands = 7 : i64, tpu.core_type = #tpu.core_type<sc_vector_subcore>, window_params = [{transform_indices = #map}, {transform_indices = #map}, {transform_indices = #map}, {transform_indices = #map}, {transform_indices = #map}]} {
    %mul3A = arith.constant 2 : i32
    %mul3A_0 = arith.muli %arg1, %mul3A : i32
    %add3A = arith.addi %mul3A_0, %arg0 : i32
    "tpu.region"() ({
      %run_scoped3A = tpu.sem_alloc : memref<!tpu.dma_semaphore, #tpu.memory_space<semaphore_mem>>
      %dma_start3A_624 = arith.constant 0 : i32
      %dma_start3A_625 = tpu.memref_slice %arg2[%add3A, %dma_start3A_624] : memref<32x640xi32, #tpu.memory_space<hbm>> -> memref<1x640xi32, #tpu.memory_space<hbm>>
      %dma_start3A_626 = tpu.memref_squeeze %dma_start3A_625 : memref<1x640xi32, #tpu.memory_space<hbm>> -> memref<640xi32, #tpu.memory_space<hbm>>
      %dma_start3A_627 = arith.constant 0 : i32
      %dma_start3A_628 = tpu.memref_slice %arg2[%add3A, %dma_start3A_627] : memref<32x640xi32, #tpu.memory_space<hbm>> -> memref<1x640xi32, #tpu.memory_space<hbm>>
      %dma_start3A_629 = tpu.memref_squeeze %dma_start3A_628 : memref<1x640xi32, #tpu.memory_space<hbm>> -> memref<640xi32, #tpu.memory_space<hbm>>
      tpu.enqueue_dma source(%dma_start3A_629 : memref<640xi32, #tpu.memory_space<hbm>>) target(%arg7 : memref<640xi32, #tpu.memory_space<vmem>>) target_semaphore(%run_scoped3A : memref<!tpu.dma_semaphore, #tpu.memory_space<semaphore_mem>>)
      %dma_wait3A_630 = arith.constant 0 : i32
      %dma_wait3A_631 = tpu.memref_slice %arg2[%add3A, %dma_wait3A_630] : memref<32x640xi32, #tpu.memory_space<hbm>> -> memref<1x640xi32, #tpu.memory_space<hbm>>
      %dma_wait3A_632 = tpu.memref_squeeze %dma_wait3A_631 : memref<1x640xi32, #tpu.memory_space<hbm>> -> memref<640xi32, #tpu.memory_space<hbm>>
      %dma_wait3A_633 = arith.constant 0 : i32
      %dma_wait3A_634 = tpu.memref_slice %arg2[%add3A, %dma_wait3A_633] : memref<32x640xi32, #tpu.memory_space<hbm>> -> memref<1x640xi32, #tpu.memory_space<hbm>>
      %dma_wait3A_635 = tpu.memref_squeeze %dma_wait3A_634 : memref<1x640xi32, #tpu.memory_space<hbm>> -> memref<640xi32, #tpu.memory_space<hbm>>
      tpu.wait_dma2 semaphore(%run_scoped3A : memref<!tpu.dma_semaphore, #tpu.memory_space<semaphore_mem>>) src(%dma_wait3A_635 : memref<640xi32, #tpu.memory_space<hbm>>) dst(%arg7 : memref<640xi32, #tpu.memory_space<vmem>>)
      tpu.yield
    }) : () -> ()
    %get3A = arith.constant 0 : index
    %get3A_1 = tpu.vector_load %arg7[%get3A] {strides = array<i32>} : memref<640xi32, #tpu.memory_space<vmem>>, vector<16xi32>,
    %shift_right_arithmetic3A = arith.constant 3 : i32
    %shift_right_arithmetic3A_2 = vector.broadcast %shift_right_arithmetic3A : i32 to vector<16xi32>
    %shift_right_arithmetic3A_3 = arith.shrsi %get3A_1, %shift_right_arithmetic3A_2 : vector<16xi32>
    %swap3A = arith.constant 0 : i32
    %swap3A_4 = arith.index_cast %swap3A : i32 to index
    %swap3A_5 = arith.constant 0 : index
    %swap3A_6 = tpu.vector_load %arg8[%swap3A_4, %swap3A_5] {strides = array<i32>} : memref<5x128xi32, #tpu.memory_space<vmem>>, vector<16xi32>,
    tpu.vector_store %arg8[%swap3A_4, %swap3A_5], %shift_right_arithmetic3A_3 {strides = array<i32>} : memref<5x128xi32, #tpu.memory_space<vmem>>, vector<16xi32>,
    %get3A_7 = arith.constant 16 : index
    %get3A_8 = tpu.vector_load %arg7[%get3A_7] {strides = array<i32>} : memref<640xi32, #tpu.memory_space<vmem>>, vector<16xi32>,
    %shift_right_arithmetic3A_9 = arith.constant 3 : i32
    %shift_right_arithmetic3A_10 = vector.broadcast %shift_right_arithmetic3A_9 : i32 to vector<16xi32>
    %shift_right_arithmetic3A_11 = arith.shrsi %get3A_8, %shift_right_arithmetic3A_10 : vector<16xi32>
    %swap3A_12 = arith.constant 0 : i32
    %swap3A_13 = arith.index_cast %swap3A_12 : i32 to index
    %swap3A_14 = arith.constant 16 : index
    %swap3A_15 = tpu.vector_load %arg8[%swap3A_13, %swap3A_14] {strides = array<i32>} : memref<5x128xi32, #tpu.memory_space<vmem>>, vector<16xi32>,
    tpu.vector_store %arg8[%swap3A_13, %swap3A_14], %shift_right_arithmetic3A_11 {strides = array<i32>} : memref<5x128xi32, #tpu.memory_space<vmem>>, vector<16xi32>,
    %get3A_16 = arith.constant 32 : index
    %get3A_17 = tpu.vector_load %arg7[%get3A_16] {strides = array<i32>} : memref<640xi32, #tpu.memory_space<vmem>>, vector<16xi32>,
    %shift_right_arithmetic3A_18 = arith.constant 3 : i32
    %shift_right_arithmetic3A_19 = vector.broadcast %shift_right_arithmetic3A_18 : i32 to vector<16xi32>
    %shift_right_arithmetic3A_20 = arith.shrsi %get3A_17, %shift_right_arithmetic3A_19 : vector<16xi32>
    %swap3A_21 = arith.constant 0 : i32
    %swap3A_22 = arith.index_cast %swap3A_21 : i32 to index
    %swap3A_23 = arith.constant 32 : index
    %swap3A_24 = tpu.vector_load %arg8[%swap3A_22, %swap3A_23] {strides = array<i32>} : memref<5x128xi32, #tpu.memory_space<vmem>>, vector<16xi32>,
    tpu.vector_store %arg8[%swap3A_22, %swap3A_23], %shift_right_arithmetic3A_20 {strides = array<i32>} : memref<5x128xi32, #tpu.memory_space<vmem>>, vector<16xi32>,
    %get3A_25 = arith.constant 48 : index
    %get3A_26 = tpu.vector_load %arg7[%get3A_25] {strides = array<i32>} : memref<640xi32, #tpu.memory_space<vmem>>, vector<16xi32>,
    %shift_right_arithmetic3A_27 = arith.constant 3 : i32
    %shift_right_arithmetic3A_28 = vector.broadcast %shift_right_arithmetic3A_27 : i32 to vector<16xi32>
    %shift_right_arithmetic3A_29 = arith.shrsi %get3A_26, %shift_right_arithmetic3A_28 : vector<16xi32>
    %swap3A_30 = arith.constant 0 : i32
    %swap3A_31 = arith.index_cast %swap3A_30 : i32 to index
    %swap3A_32 = arith.constant 48 : index
    %swap3A_33 = tpu.vector_load %arg8[%swap3A_31, %swap3A_32] {strides = array<i32>} : memref<5x128xi32, #tpu.memory_space<vmem>>, vector<16xi32>,
    tpu.vector_store %arg8[%swap3A_31, %swap3A_32], %shift_right_arithmetic3A_29 {strides = array<i32>} : memref<5x128xi32, #tpu.memory_space<vmem>>, vector<16xi32>,
    %get3A_34 = arith.constant 64 : index
    %get3A_35 = tpu.vector_load %arg7[%get3A_34] {strides = array<i32>} : memref<640xi32, #tpu.memory_space<vmem>>, vector<16xi32>,
    %shift_right_arithmetic3A_36 = arith.constant 3 : i32
    %shift_right_arithmetic3A_37 = vector.broadcast %shift_right_arithmetic3A_36 : i32 to vector<16xi32>
    %shift_right_arithmetic3A_38 = arith.shrsi %get3A_35, %shift_right_arithmetic3A_37 : vector<16xi32>
    %swap3A_39 = arith.constant 0 : i32
    %swap3A_40 = arith.index_cast %swap3A_39 : i32 to index
    %swap3A_41 = arith.constant 64 : index
    %swap3A_42 = tpu.vector_load %arg8[%swap3A_40, %swap3A_41] {strides = array<i32>} : memref<5x128xi32, #tpu.memory_space<vmem>>, vector<16xi32>,
    tpu.vector_store %arg8[%swap3A_40, %swap3A_41], %shift_right_arithmetic3A_38 {strides = array<i32>} : memref<5x128xi32, #tpu.memory_space<vmem>>, vector<16xi32>,
    %get3A_43 = arith.constant 80 : index
    %get3A_44 = tpu.vector_load %arg7[%get3A_43] {strides = array<i32>} : memref<640xi32, #tpu.memory_space<vmem>>, vector<16xi32>,
    %shift_right_arithmetic3A_45 = arith.constant 3 : i32
    %shift_right_arithmetic3A_46 = vector.broadcast %shift_right_arithmetic3A_45 : i32 to vector<16xi32>
    %shift_right_arithmetic3A_47 = arith.shrsi %get3A_44, %shift_right_arithmetic3A_46 : vector<16xi32>
    %swap3A_48 = arith.constant 0 : i32
    %swap3A_49 = arith.index_cast %swap3A_48 : i32 to index
    %swap3A_50 = arith.constant 80 : index
    %swap3A_51 = tpu.vector_load %arg8[%swap3A_49, %swap3A_50] {strides = array<i32>} : memref<5x128xi32, #tpu.memory_space<vmem>>, vector<16xi32>,
    tpu.vector_store %arg8[%swap3A_49, %swap3A_50], %shift_right_arithmetic3A_47 {strides = array<i32>} : memref<5x128xi32, #tpu.memory_space<vmem>>, vector<16xi32>,
    %get3A_52 = arith.constant 96 : index
    %get3A_53 = tpu.vector_load %arg7[%get3A_52] {strides = array<i32>} : memref<640xi32, #tpu.memory_space<vmem>>, vector<16xi32>,
    %shift_right_arithmetic3A_54 = arith.constant 3 : i32
    %shift_right_arithmetic3A_55 = vector.broadcast %shift_right_arithmetic3A_54 : i32 to vector<16xi32>
    %shift_right_arithmetic3A_56 = arith.shrsi %get3A_53, %shift_right_arithmetic3A_55 : vector<16xi32>
    %swap3A_57 = arith.constant 0 : i32
    %swap3A_58 = arith.index_cast %swap3A_57 : i32 to index
    %swap3A_59 = arith.constant 96 : index
    %swap3A_60 = tpu.vector_load %arg8[%swap3A_58, %swap3A_59] {strides = array<i32>} : memref<5x128xi32, #tpu.memory_space<vmem>>, vector<16xi32>,
    tpu.vector_store %arg8[%swap3A_58, %swap3A_59], %shift_right_arithmetic3A_56 {strides = array<i32>} : memref<5x128xi32, #tpu.memory_space<vmem>>, vector<16xi32>,
    %get3A_61 = arith.constant 112 : index
    %get3A_62 = tpu.vector_load %arg7[%get3A_61] {strides = array<i32>} : memref<640xi32, #tpu.memory_space<vmem>>, vector<16xi32>,
    %shift_right_arithmetic3A_63 = arith.constant 3 : i32
    %shift_right_arithmetic3A_64 = vector.broadcast %shift_right_arithmetic3A_63 : i32 to vector<16xi32>
    %shift_right_arithmetic3A_65 = arith.shrsi %get3A_62, %shift_right_arithmetic3A_64 : vector<16xi32>
    %swap3A_66 = arith.constant 0 : i32
    %swap3A_67 = arith.index_cast %swap3A_66 : i32 to index
    %swap3A_68 = arith.constant 112 : index
    %swap3A_69 = tpu.vector_load %arg8[%swap3A_67, %swap3A_68] {strides = array<i32>} : memref<5x128xi32, #tpu.memory_space<vmem>>, vector<16xi32>,
    tpu.vector_store %arg8[%swap3A_67, %swap3A_68], %shift_right_arithmetic3A_65 {strides = array<i32>} : memref<5x128xi32, #tpu.memory_space<vmem>>, vector<16xi32>,
    %get3A_70 = arith.constant 128 : index
    %get3A_71 = tpu.vector_load %arg7[%get3A_70] {strides = array<i32>} : memref<640xi32, #tpu.memory_space<vmem>>, vector<16xi32>,
    %shift_right_arithmetic3A_72 = arith.constant 3 : i32
    %shift_right_arithmetic3A_73 = vector.broadcast %shift_right_arithmetic3A_72 : i32 to vector<16xi32>
    %shift_right_arithmetic3A_74 = arith.shrsi %get3A_71, %shift_right_arithmetic3A_73 : vector<16xi32>
    %swap3A_75 = arith.constant 1 : i32
    %swap3A_76 = arith.index_cast %swap3A_75 : i32 to index
    %swap3A_77 = arith.constant 0 : index
    %swap3A_78 = tpu.vector_load %arg8[%swap3A_76, %swap3A_77] {strides = array<i32>} : memref<5x128xi32, #tpu.memory_space<vmem>>, vector<16xi32>,
    tpu.vector_store %arg8[%swap3A_76, %swap3A_77], %shift_right_arithmetic3A_74 {strides = array<i32>} : memref<5x128xi32, #tpu.memory_space<vmem>>, vector<16xi32>,
    %get3A_79 = arith.constant 144 : index
    %get3A_80 = tpu.vector_load %arg7[%get3A_79] {strides = array<i32>} : memref<640xi32, #tpu.memory_space<vmem>>, vector<16xi32>,
    %shift_right_arithmetic3A_81 = arith.constant 3 : i32
    %shift_right_arithmetic3A_82 = vector.broadcast %shift_right_arithmetic3A_81 : i32 to vector<16xi32>
    %shift_right_arithmetic3A_83 = arith.shrsi %get3A_80, %shift_right_arithmetic3A_82 : vector<16xi32>
    %swap3A_84 = arith.constant 1 : i32
    %swap3A_85 = arith.index_cast %swap3A_84 : i32 to index
    %swap3A_86 = arith.constant 16 : index
    %swap3A_87 = tpu.vector_load %arg8[%swap3A_85, %swap3A_86] {strides = array<i32>} : memref<5x128xi32, #tpu.memory_space<vmem>>, vector<16xi32>,
    tpu.vector_store %arg8[%swap3A_85, %swap3A_86], %shift_right_arithmetic3A_83 {strides = array<i32>} : memref<5x128xi32, #tpu.memory_space<vmem>>, vector<16xi32>,
    %get3A_88 = arith.constant 160 : index
    %get3A_89 = tpu.vector_load %arg7[%get3A_88] {strides = array<i32>} : memref<640xi32, #tpu.memory_space<vmem>>, vector<16xi32>,
    %shift_right_arithmetic3A_90 = arith.constant 3 : i32
    %shift_right_arithmetic3A_91 = vector.broadcast %shift_right_arithmetic3A_90 : i32 to vector<16xi32>
    %shift_right_arithmetic3A_92 = arith.shrsi %get3A_89, %shift_right_arithmetic3A_91 : vector<16xi32>
    %swap3A_93 = arith.constant 1 : i32
    %swap3A_94 = arith.index_cast %swap3A_93 : i32 to index
    %swap3A_95 = arith.constant 32 : index
    %swap3A_96 = tpu.vector_load %arg8[%swap3A_94, %swap3A_95] {strides = array<i32>} : memref<5x128xi32, #tpu.memory_space<vmem>>, vector<16xi32>,
    tpu.vector_store %arg8[%swap3A_94, %swap3A_95], %shift_right_arithmetic3A_92 {strides = array<i32>} : memref<5x128xi32, #tpu.memory_space<vmem>>, vector<16xi32>,
    %get3A_97 = arith.constant 176 : index
    %get3A_98 = tpu.vector_load %arg7[%get3A_97] {strides = array<i32>} : memref<640xi32, #tpu.memory_space<vmem>>, vector<16xi32>,
    %shift_right_arithmetic3A_99 = arith.constant 3 : i32
    %shift_right_arithmetic3A_100 = vector.broadcast %shift_right_arithmetic3A_99 : i32 to vector<16xi32>
    %shift_right_arithmetic3A_101 = arith.shrsi %get3A_98, %shift_right_arithmetic3A_100 : vector<16xi32>
    %swap3A_102 = arith.constant 1 : i32
    %swap3A_103 = arith.index_cast %swap3A_102 : i32 to index
    %swap3A_104 = arith.constant 48 : index
    %swap3A_105 = tpu.vector_load %arg8[%swap3A_103, %swap3A_104] {strides = array<i32>} : memref<5x128xi32, #tpu.memory_space<vmem>>, vector<16xi32>,
    tpu.vector_store %arg8[%swap3A_103, %swap3A_104], %shift_right_arithmetic3A_101 {strides = array<i32>} : memref<5x128xi32, #tpu.memory_space<vmem>>, vector<16xi32>,
    %get3A_106 = arith.constant 192 : index
    %get3A_107 = tpu.vector_load %arg7[%get3A_106] {strides = array<i32>} : memref<640xi32, #tpu.memory_space<vmem>>, vector<16xi32>,
    %shift_right_arithmetic3A_108 = arith.constant 3 : i32
    %shift_right_arithmetic3A_109 = vector.broadcast %shift_right_arithmetic3A_108 : i32 to vector<16xi32>
    %shift_right_arithmetic3A_110 = arith.shrsi %get3A_107, %shift_right_arithmetic3A_109 : vector<16xi32>
    %swap3A_111 = arith.constant 1 : i32
    %swap3A_112 = arith.index_cast %swap3A_111 : i32 to index
    %swap3A_113 = arith.constant 64 : index
    %swap3A_114 = tpu.vector_load %arg8[%swap3A_112, %swap3A_113] {strides = array<i32>} : memref<5x128xi32, #tpu.memory_space<vmem>>, vector<16xi32>,
    tpu.vector_store %arg8[%swap3A_112, %swap3A_113], %shift_right_arithmetic3A_110 {strides = array<i32>} : memref<5x128xi32, #tpu.memory_space<vmem>>, vector<16xi32>,
    %get3A_115 = arith.constant 208 : index
    %get3A_116 = tpu.vector_load %arg7[%get3A_115] {strides = array<i32>} : memref<640xi32, #tpu.memory_space<vmem>>, vector<16xi32>,
    %shift_right_arithmetic3A_117 = arith.constant 3 : i32
    %shift_right_arithmetic3A_118 = vector.broadcast %shift_right_arithmetic3A_117 : i32 to vector<16xi32>
    %shift_right_arithmetic3A_119 = arith.shrsi %get3A_116, %shift_right_arithmetic3A_118 : vector<16xi32>
    %swap3A_120 = arith.constant 1 : i32
    %swap3A_121 = arith.index_cast %swap3A_120 : i32 to index
    %swap3A_122 = arith.constant 80 : index
    %swap3A_123 = tpu.vector_load %arg8[%swap3A_121, %swap3A_122] {strides = array<i32>} : memref<5x128xi32, #tpu.memory_space<vmem>>, vector<16xi32>,
    tpu.vector_store %arg8[%swap3A_121, %swap3A_122], %shift_right_arithmetic3A_119 {strides = array<i32>} : memref<5x128xi32, #tpu.memory_space<vmem>>, vector<16xi32>,
    %get3A_124 = arith.constant 224 : index
    %get3A_125 = tpu.vector_load %arg7[%get3A_124] {strides = array<i32>} : memref<640xi32, #tpu.memory_space<vmem>>, vector<16xi32>,
    %shift_right_arithmetic3A_126 = arith.constant 3 : i32
    %shift_right_arithmetic3A_127 = vector.broadcast %shift_right_arithmetic3A_126 : i32 to vector<16xi32>
    %shift_right_arithmetic3A_128 = arith.shrsi %get3A_125, %shift_right_arithmetic3A_127 : vector<16xi32>
    %swap3A_129 = arith.constant 1 : i32
    %swap3A_130 = arith.index_cast %swap3A_129 : i32 to index
    %swap3A_131 = arith.constant 96 : index
    %swap3A_132 = tpu.vector_load %arg8[%swap3A_130, %swap3A_131] {strides = array<i32>} : memref<5x128xi32, #tpu.memory_space<vmem>>, vector<16xi32>,
    tpu.vector_store %arg8[%swap3A_130, %swap3A_131], %shift_right_arithmetic3A_128 {strides = array<i32>} : memref<5x128xi32, #tpu.memory_space<vmem>>, vector<16xi32>,
    %get3A_133 = arith.constant 240 : index
    %get3A_134 = tpu.vector_load %arg7[%get3A_133] {strides = array<i32>} : memref<640xi32, #tpu.memory_space<vmem>>, vector<16xi32>,
    %shift_right_arithmetic3A_135 = arith.constant 3 : i32
    %shift_right_arithmetic3A_136 = vector.broadcast %shift_right_arithmetic3A_135 : i32 to vector<16xi32>
    %shift_right_arithmetic3A_137 = arith.shrsi %get3A_134, %shift_right_arithmetic3A_136 : vector<16xi32>
    %swap3A_138 = arith.constant 1 : i32
    %swap3A_139 = arith.index_cast %swap3A_138 : i32 to index
    %swap3A_140 = arith.constant 112 : index
    %swap3A_141 = tpu.vector_load %arg8[%swap3A_139, %swap3A_140] {strides = array<i32>} : memref<5x128xi32, #tpu.memory_space<vmem>>, vector<16xi32>,
    tpu.vector_store %arg8[%swap3A_139, %swap3A_140], %shift_right_arithmetic3A_137 {strides = array<i32>} : memref<5x128xi32, #tpu.memory_space<vmem>>, vector<16xi32>,
    %get3A_142 = arith.constant 256 : index
    %get3A_143 = tpu.vector_load %arg7[%get3A_142] {strides = array<i32>} : memref<640xi32, #tpu.memory_space<vmem>>, vector<16xi32>,
    %shift_right_arithmetic3A_144 = arith.constant 3 : i32
    %shift_right_arithmetic3A_145 = vector.broadcast %shift_right_arithmetic3A_144 : i32 to vector<16xi32>
    %shift_right_arithmetic3A_146 = arith.shrsi %get3A_143, %shift_right_arithmetic3A_145 : vector<16xi32>
    %swap3A_147 = arith.constant 2 : i32
    %swap3A_148 = arith.index_cast %swap3A_147 : i32 to index
    %swap3A_149 = arith.constant 0 : index
    %swap3A_150 = tpu.vector_load %arg8[%swap3A_148, %swap3A_149] {strides = array<i32>} : memref<5x128xi32, #tpu.memory_space<vmem>>, vector<16xi32>,
    tpu.vector_store %arg8[%swap3A_148, %swap3A_149], %shift_right_arithmetic3A_146 {strides = array<i32>} : memref<5x128xi32, #tpu.memory_space<vmem>>, vector<16xi32>,
    %get3A_151 = arith.constant 272 : index
    %get3A_152 = tpu.vector_load %arg7[%get3A_151] {strides = array<i32>} : memref<640xi32, #tpu.memory_space<vmem>>, vector<16xi32>,
    %shift_right_arithmetic3A_153 = arith.constant 3 : i32
    %shift_right_arithmetic3A_154 = vector.broadcast %shift_right_arithmetic3A_153 : i32 to vector<16xi32>
    %shift_right_arithmetic3A_155 = arith.shrsi %get3A_152, %shift_right_arithmetic3A_154 : vector<16xi32>
    %swap3A_156 = arith.constant 2 : i32
    %swap3A_157 = arith.index_cast %swap3A_156 : i32 to index
    %swap3A_158 = arith.constant 16 : index
    %swap3A_159 = tpu.vector_load %arg8[%swap3A_157, %swap3A_158] {strides = array<i32>} : memref<5x128xi32, #tpu.memory_space<vmem>>, vector<16xi32>,
    tpu.vector_store %arg8[%swap3A_157, %swap3A_158], %shift_right_arithmetic3A_155 {strides = array<i32>} : memref<5x128xi32, #tpu.memory_space<vmem>>, vector<16xi32>,
    %get3A_160 = arith.constant 288 : index
    %get3A_161 = tpu.vector_load %arg7[%get3A_160] {strides = array<i32>} : memref<640xi32, #tpu.memory_space<vmem>>, vector<16xi32>,
    %shift_right_arithmetic3A_162 = arith.constant 3 : i32
    %shift_right_arithmetic3A_163 = vector.broadcast %shift_right_arithmetic3A_162 : i32 to vector<16xi32>
    %shift_right_arithmetic3A_164 = arith.shrsi %get3A_161, %shift_right_arithmetic3A_163 : vector<16xi32>
    %swap3A_165 = arith.constant 2 : i32
    %swap3A_166 = arith.index_cast %swap3A_165 : i32 to index
    %swap3A_167 = arith.constant 32 : index
    %swap3A_168 = tpu.vector_load %arg8[%swap3A_166, %swap3A_167] {strides = array<i32>} : memref<5x128xi32, #tpu.memory_space<vmem>>, vector<16xi32>,
    tpu.vector_store %arg8[%swap3A_166, %swap3A_167], %shift_right_arithmetic3A_164 {strides = array<i32>} : memref<5x128xi32, #tpu.memory_space<vmem>>, vector<16xi32>,
    %get3A_169 = arith.constant 304 : index
    %get3A_170 = tpu.vector_load %arg7[%get3A_169] {strides = array<i32>} : memref<640xi32, #tpu.memory_space<vmem>>, vector<16xi32>,
    %shift_right_arithmetic3A_171 = arith.constant 3 : i32
    %shift_right_arithmetic3A_172 = vector.broadcast %shift_right_arithmetic3A_171 : i32 to vector<16xi32>
    %shift_right_arithmetic3A_173 = arith.shrsi %get3A_170, %shift_right_arithmetic3A_172 : vector<16xi32>
    %swap3A_174 = arith.constant 2 : i32
    %swap3A_175 = arith.index_cast %swap3A_174 : i32 to index
    %swap3A_176 = arith.constant 48 : index
    %swap3A_177 = tpu.vector_load %arg8[%swap3A_175, %swap3A_176] {strides = array<i32>} : memref<5x128xi32, #tpu.memory_space<vmem>>, vector<16xi32>,
    tpu.vector_store %arg8[%swap3A_175, %swap3A_176], %shift_right_arithmetic3A_173 {strides = array<i32>} : memref<5x128xi32, #tpu.memory_space<vmem>>, vector<16xi32>,
    %get3A_178 = arith.constant 320 : index
    %get3A_179 = tpu.vector_load %arg7[%get3A_178] {strides = array<i32>} : memref<640xi32, #tpu.memory_space<vmem>>, vector<16xi32>,
    %shift_right_arithmetic3A_180 = arith.constant 3 : i32
    %shift_right_arithmetic3A_181 = vector.broadcast %shift_right_arithmetic3A_180 : i32 to vector<16xi32>
    %shift_right_arithmetic3A_182 = arith.shrsi %get3A_179, %shift_right_arithmetic3A_181 : vector<16xi32>
    %swap3A_183 = arith.constant 2 : i32
    %swap3A_184 = arith.index_cast %swap3A_183 : i32 to index
    %swap3A_185 = arith.constant 64 : index
    %swap3A_186 = tpu.vector_load %arg8[%swap3A_184, %swap3A_185] {strides = array<i32>} : memref<5x128xi32, #tpu.memory_space<vmem>>, vector<16xi32>,
    tpu.vector_store %arg8[%swap3A_184, %swap3A_185], %shift_right_arithmetic3A_182 {strides = array<i32>} : memref<5x128xi32, #tpu.memory_space<vmem>>, vector<16xi32>,
    %get3A_187 = arith.constant 336 : index
    %get3A_188 = tpu.vector_load %arg7[%get3A_187] {strides = array<i32>} : memref<640xi32, #tpu.memory_space<vmem>>, vector<16xi32>,
    %shift_right_arithmetic3A_189 = arith.constant 3 : i32
    %shift_right_arithmetic3A_190 = vector.broadcast %shift_right_arithmetic3A_189 : i32 to vector<16xi32>
    %shift_right_arithmetic3A_191 = arith.shrsi %get3A_188, %shift_right_arithmetic3A_190 : vector<16xi32>
    %swap3A_192 = arith.constant 2 : i32
    %swap3A_193 = arith.index_cast %swap3A_192 : i32 to index
    %swap3A_194 = arith.constant 80 : index
    %swap3A_195 = tpu.vector_load %arg8[%swap3A_193, %swap3A_194] {strides = array<i32>} : memref<5x128xi32, #tpu.memory_space<vmem>>, vector<16xi32>,
    tpu.vector_store %arg8[%swap3A_193, %swap3A_194], %shift_right_arithmetic3A_191 {strides = array<i32>} : memref<5x128xi32, #tpu.memory_space<vmem>>, vector<16xi32>,
    %get3A_196 = arith.constant 352 : index
    %get3A_197 = tpu.vector_load %arg7[%get3A_196] {strides = array<i32>} : memref<640xi32, #tpu.memory_space<vmem>>, vector<16xi32>,
    %shift_right_arithmetic3A_198 = arith.constant 3 : i32
    %shift_right_arithmetic3A_199 = vector.broadcast %shift_right_arithmetic3A_198 : i32 to vector<16xi32>
    %shift_right_arithmetic3A_200 = arith.shrsi %get3A_197, %shift_right_arithmetic3A_199 : vector<16xi32>
    %swap3A_201 = arith.constant 2 : i32
    %swap3A_202 = arith.index_cast %swap3A_201 : i32 to index
    %swap3A_203 = arith.constant 96 : index
    %swap3A_204 = tpu.vector_load %arg8[%swap3A_202, %swap3A_203] {strides = array<i32>} : memref<5x128xi32, #tpu.memory_space<vmem>>, vector<16xi32>,
    tpu.vector_store %arg8[%swap3A_202, %swap3A_203], %shift_right_arithmetic3A_200 {strides = array<i32>} : memref<5x128xi32, #tpu.memory_space<vmem>>, vector<16xi32>,
    %get3A_205 = arith.constant 368 : index
    %get3A_206 = tpu.vector_load %arg7[%get3A_205] {strides = array<i32>} : memref<640xi32, #tpu.memory_space<vmem>>, vector<16xi32>,
    %shift_right_arithmetic3A_207 = arith.constant 3 : i32
    %shift_right_arithmetic3A_208 = vector.broadcast %shift_right_arithmetic3A_207 : i32 to vector<16xi32>
    %shift_right_arithmetic3A_209 = arith.shrsi %get3A_206, %shift_right_arithmetic3A_208 : vector<16xi32>
    %swap3A_210 = arith.constant 2 : i32
    %swap3A_211 = arith.index_cast %swap3A_210 : i32 to index
    %swap3A_212 = arith.constant 112 : index
    %swap3A_213 = tpu.vector_load %arg8[%swap3A_211, %swap3A_212] {strides = array<i32>} : memref<5x128xi32, #tpu.memory_space<vmem>>, vector<16xi32>,
    tpu.vector_store %arg8[%swap3A_211, %swap3A_212], %shift_right_arithmetic3A_209 {strides = array<i32>} : memref<5x128xi32, #tpu.memory_space<vmem>>, vector<16xi32>,
    %get3A_214 = arith.constant 384 : index
    %get3A_215 = tpu.vector_load %arg7[%get3A_214] {strides = array<i32>} : memref<640xi32, #tpu.memory_space<vmem>>, vector<16xi32>,
    %shift_right_arithmetic3A_216 = arith.constant 3 : i32
    %shift_right_arithmetic3A_217 = vector.broadcast %shift_right_arithmetic3A_216 : i32 to vector<16xi32>
    %shift_right_arithmetic3A_218 = arith.shrsi %get3A_215, %shift_right_arithmetic3A_217 : vector<16xi32>
    %swap3A_219 = arith.constant 3 : i32
    %swap3A_220 = arith.index_cast %swap3A_219 : i32 to index
    %swap3A_221 = arith.constant 0 : index
    %swap3A_222 = tpu.vector_load %arg8[%swap3A_220, %swap3A_221] {strides = array<i32>} : memref<5x128xi32, #tpu.memory_space<vmem>>, vector<16xi32>,
    tpu.vector_store %arg8[%swap3A_220, %swap3A_221], %shift_right_arithmetic3A_218 {strides = array<i32>} : memref<5x128xi32, #tpu.memory_space<vmem>>, vector<16xi32>,
    %get3A_223 = arith.constant 400 : index
    %get3A_224 = tpu.vector_load %arg7[%get3A_223] {strides = array<i32>} : memref<640xi32, #tpu.memory_space<vmem>>, vector<16xi32>,
    %shift_right_arithmetic3A_225 = arith.constant 3 : i32
    %shift_right_arithmetic3A_226 = vector.broadcast %shift_right_arithmetic3A_225 : i32 to vector<16xi32>
    %shift_right_arithmetic3A_227 = arith.shrsi %get3A_224, %shift_right_arithmetic3A_226 : vector<16xi32>
    %swap3A_228 = arith.constant 3 : i32
    %swap3A_229 = arith.index_cast %swap3A_228 : i32 to index
    %swap3A_230 = arith.constant 16 : index
    %swap3A_231 = tpu.vector_load %arg8[%swap3A_229, %swap3A_230] {strides = array<i32>} : memref<5x128xi32, #tpu.memory_space<vmem>>, vector<16xi32>,
    tpu.vector_store %arg8[%swap3A_229, %swap3A_230], %shift_right_arithmetic3A_227 {strides = array<i32>} : memref<5x128xi32, #tpu.memory_space<vmem>>, vector<16xi32>,
    %get3A_232 = arith.constant 416 : index
    %get3A_233 = tpu.vector_load %arg7[%get3A_232] {strides = array<i32>} : memref<640xi32, #tpu.memory_space<vmem>>, vector<16xi32>,
    %shift_right_arithmetic3A_234 = arith.constant 3 : i32
    %shift_right_arithmetic3A_235 = vector.broadcast %shift_right_arithmetic3A_234 : i32 to vector<16xi32>
    %shift_right_arithmetic3A_236 = arith.shrsi %get3A_233, %shift_right_arithmetic3A_235 : vector<16xi32>
    %swap3A_237 = arith.constant 3 : i32
    %swap3A_238 = arith.index_cast %swap3A_237 : i32 to index
    %swap3A_239 = arith.constant 32 : index
    %swap3A_240 = tpu.vector_load %arg8[%swap3A_238, %swap3A_239] {strides = array<i32>} : memref<5x128xi32, #tpu.memory_space<vmem>>, vector<16xi32>,
    tpu.vector_store %arg8[%swap3A_238, %swap3A_239], %shift_right_arithmetic3A_236 {strides = array<i32>} : memref<5x128xi32, #tpu.memory_space<vmem>>, vector<16xi32>,
    %get3A_241 = arith.constant 432 : index
    %get3A_242 = tpu.vector_load %arg7[%get3A_241] {strides = array<i32>} : memref<640xi32, #tpu.memory_space<vmem>>, vector<16xi32>,
    %shift_right_arithmetic3A_243 = arith.constant 3 : i32
    %shift_right_arithmetic3A_244 = vector.broadcast %shift_right_arithmetic3A_243 : i32 to vector<16xi32>
    %shift_right_arithmetic3A_245 = arith.shrsi %get3A_242, %shift_right_arithmetic3A_244 : vector<16xi32>
    %swap3A_246 = arith.constant 3 : i32
    %swap3A_247 = arith.index_cast %swap3A_246 : i32 to index
    %swap3A_248 = arith.constant 48 : index
    %swap3A_249 = tpu.vector_load %arg8[%swap3A_247, %swap3A_248] {strides = array<i32>} : memref<5x128xi32, #tpu.memory_space<vmem>>, vector<16xi32>,
    tpu.vector_store %arg8[%swap3A_247, %swap3A_248], %shift_right_arithmetic3A_245 {strides = array<i32>} : memref<5x128xi32, #tpu.memory_space<vmem>>, vector<16xi32>,
    %get3A_250 = arith.constant 448 : index
    %get3A_251 = tpu.vector_load %arg7[%get3A_250] {strides = array<i32>} : memref<640xi32, #tpu.memory_space<vmem>>, vector<16xi32>,
    %shift_right_arithmetic3A_252 = arith.constant 3 : i32
    %shift_right_arithmetic3A_253 = vector.broadcast %shift_right_arithmetic3A_252 : i32 to vector<16xi32>
    %shift_right_arithmetic3A_254 = arith.shrsi %get3A_251, %shift_right_arithmetic3A_253 : vector<16xi32>
    %swap3A_255 = arith.constant 3 : i32
    %swap3A_256 = arith.index_cast %swap3A_255 : i32 to index
    %swap3A_257 = arith.constant 64 : index
    %swap3A_258 = tpu.vector_load %arg8[%swap3A_256, %swap3A_257] {strides = array<i32>} : memref<5x128xi32, #tpu.memory_space<vmem>>, vector<16xi32>,
    tpu.vector_store %arg8[%swap3A_256, %swap3A_257], %shift_right_arithmetic3A_254 {strides = array<i32>} : memref<5x128xi32, #tpu.memory_space<vmem>>, vector<16xi32>,
    %get3A_259 = arith.constant 464 : index
    %get3A_260 = tpu.vector_load %arg7[%get3A_259] {strides = array<i32>} : memref<640xi32, #tpu.memory_space<vmem>>, vector<16xi32>,
    %shift_right_arithmetic3A_261 = arith.constant 3 : i32
    %shift_right_arithmetic3A_262 = vector.broadcast %shift_right_arithmetic3A_261 : i32 to vector<16xi32>
    %shift_right_arithmetic3A_263 = arith.shrsi %get3A_260, %shift_right_arithmetic3A_262 : vector<16xi32>
    %swap3A_264 = arith.constant 3 : i32
    %swap3A_265 = arith.index_cast %swap3A_264 : i32 to index
    %swap3A_266 = arith.constant 80 : index
    %swap3A_267 = tpu.vector_load %arg8[%swap3A_265, %swap3A_266] {strides = array<i32>} : memref<5x128xi32, #tpu.memory_space<vmem>>, vector<16xi32>,
    tpu.vector_store %arg8[%swap3A_265, %swap3A_266], %shift_right_arithmetic3A_263 {strides = array<i32>} : memref<5x128xi32, #tpu.memory_space<vmem>>, vector<16xi32>,
    %get3A_268 = arith.constant 480 : index
    %get3A_269 = tpu.vector_load %arg7[%get3A_268] {strides = array<i32>} : memref<640xi32, #tpu.memory_space<vmem>>, vector<16xi32>,
    %shift_right_arithmetic3A_270 = arith.constant 3 : i32
    %shift_right_arithmetic3A_271 = vector.broadcast %shift_right_arithmetic3A_270 : i32 to vector<16xi32>
    %shift_right_arithmetic3A_272 = arith.shrsi %get3A_269, %shift_right_arithmetic3A_271 : vector<16xi32>
    %swap3A_273 = arith.constant 3 : i32
    %swap3A_274 = arith.index_cast %swap3A_273 : i32 to index
    %swap3A_275 = arith.constant 96 : index
    %swap3A_276 = tpu.vector_load %arg8[%swap3A_274, %swap3A_275] {strides = array<i32>} : memref<5x128xi32, #tpu.memory_space<vmem>>, vector<16xi32>,
    tpu.vector_store %arg8[%swap3A_274, %swap3A_275], %shift_right_arithmetic3A_272 {strides = array<i32>} : memref<5x128xi32, #tpu.memory_space<vmem>>, vector<16xi32>,
    %get3A_277 = arith.constant 496 : index
    %get3A_278 = tpu.vector_load %arg7[%get3A_277] {strides = array<i32>} : memref<640xi32, #tpu.memory_space<vmem>>, vector<16xi32>,
    %shift_right_arithmetic3A_279 = arith.constant 3 : i32
    %shift_right_arithmetic3A_280 = vector.broadcast %shift_right_arithmetic3A_279 : i32 to vector<16xi32>
    %shift_right_arithmetic3A_281 = arith.shrsi %get3A_278, %shift_right_arithmetic3A_280 : vector<16xi32>
    %swap3A_282 = arith.constant 3 : i32
    %swap3A_283 = arith.index_cast %swap3A_282 : i32 to index
    %swap3A_284 = arith.constant 112 : index
    %swap3A_285 = tpu.vector_load %arg8[%swap3A_283, %swap3A_284] {strides = array<i32>} : memref<5x128xi32, #tpu.memory_space<vmem>>, vector<16xi32>,
    tpu.vector_store %arg8[%swap3A_283, %swap3A_284], %shift_right_arithmetic3A_281 {strides = array<i32>} : memref<5x128xi32, #tpu.memory_space<vmem>>, vector<16xi32>,
    %get3A_286 = arith.constant 512 : index
    %get3A_287 = tpu.vector_load %arg7[%get3A_286] {strides = array<i32>} : memref<640xi32, #tpu.memory_space<vmem>>, vector<16xi32>,
    %shift_right_arithmetic3A_288 = arith.constant 3 : i32
    %shift_right_arithmetic3A_289 = vector.broadcast %shift_right_arithmetic3A_288 : i32 to vector<16xi32>
    %shift_right_arithmetic3A_290 = arith.shrsi %get3A_287, %shift_right_arithmetic3A_289 : vector<16xi32>
    %swap3A_291 = arith.constant 4 : i32
    %swap3A_292 = arith.index_cast %swap3A_291 : i32 to index
    %swap3A_293 = arith.constant 0 : index
    %swap3A_294 = tpu.vector_load %arg8[%swap3A_292, %swap3A_293] {strides = array<i32>} : memref<5x128xi32, #tpu.memory_space<vmem>>, vector<16xi32>,
    tpu.vector_store %arg8[%swap3A_292, %swap3A_293], %shift_right_arithmetic3A_290 {strides = array<i32>} : memref<5x128xi32, #tpu.memory_space<vmem>>, vector<16xi32>,
    %get3A_295 = arith.constant 528 : index
    %get3A_296 = tpu.vector_load %arg7[%get3A_295] {strides = array<i32>} : memref<640xi32, #tpu.memory_space<vmem>>, vector<16xi32>,
    %shift_right_arithmetic3A_297 = arith.constant 3 : i32
    %shift_right_arithmetic3A_298 = vector.broadcast %shift_right_arithmetic3A_297 : i32 to vector<16xi32>
    %shift_right_arithmetic3A_299 = arith.shrsi %get3A_296, %shift_right_arithmetic3A_298 : vector<16xi32>
    %swap3A_300 = arith.constant 4 : i32
    %swap3A_301 = arith.index_cast %swap3A_300 : i32 to index
    %swap3A_302 = arith.constant 16 : index
    %swap3A_303 = tpu.vector_load %arg8[%swap3A_301, %swap3A_302] {strides = array<i32>} : memref<5x128xi32, #tpu.memory_space<vmem>>, vector<16xi32>,
    tpu.vector_store %arg8[%swap3A_301, %swap3A_302], %shift_right_arithmetic3A_299 {strides = array<i32>} : memref<5x128xi32, #tpu.memory_space<vmem>>, vector<16xi32>,
    %get3A_304 = arith.constant 544 : index
    %get3A_305 = tpu.vector_load %arg7[%get3A_304] {strides = array<i32>} : memref<640xi32, #tpu.memory_space<vmem>>, vector<16xi32>,
    %shift_right_arithmetic3A_306 = arith.constant 3 : i32
    %shift_right_arithmetic3A_307 = vector.broadcast %shift_right_arithmetic3A_306 : i32 to vector<16xi32>
    %shift_right_arithmetic3A_308 = arith.shrsi %get3A_305, %shift_right_arithmetic3A_307 : vector<16xi32>
    %swap3A_309 = arith.constant 4 : i32
    %swap3A_310 = arith.index_cast %swap3A_309 : i32 to index
    %swap3A_311 = arith.constant 32 : index
    %swap3A_312 = tpu.vector_load %arg8[%swap3A_310, %swap3A_311] {strides = array<i32>} : memref<5x128xi32, #tpu.memory_space<vmem>>, vector<16xi32>,
    tpu.vector_store %arg8[%swap3A_310, %swap3A_311], %shift_right_arithmetic3A_308 {strides = array<i32>} : memref<5x128xi32, #tpu.memory_space<vmem>>, vector<16xi32>,
    %get3A_313 = arith.constant 560 : index
    %get3A_314 = tpu.vector_load %arg7[%get3A_313] {strides = array<i32>} : memref<640xi32, #tpu.memory_space<vmem>>, vector<16xi32>,
    %shift_right_arithmetic3A_315 = arith.constant 3 : i32
    %shift_right_arithmetic3A_316 = vector.broadcast %shift_right_arithmetic3A_315 : i32 to vector<16xi32>
    %shift_right_arithmetic3A_317 = arith.shrsi %get3A_314, %shift_right_arithmetic3A_316 : vector<16xi32>
    %swap3A_318 = arith.constant 4 : i32
    %swap3A_319 = arith.index_cast %swap3A_318 : i32 to index
    %swap3A_320 = arith.constant 48 : index
    %swap3A_321 = tpu.vector_load %arg8[%swap3A_319, %swap3A_320] {strides = array<i32>} : memref<5x128xi32, #tpu.memory_space<vmem>>, vector<16xi32>,
    tpu.vector_store %arg8[%swap3A_319, %swap3A_320], %shift_right_arithmetic3A_317 {strides = array<i32>} : memref<5x128xi32, #tpu.memory_space<vmem>>, vector<16xi32>,
    %get3A_322 = arith.constant 576 : index
    %get3A_323 = tpu.vector_load %arg7[%get3A_322] {strides = array<i32>} : memref<640xi32, #tpu.memory_space<vmem>>, vector<16xi32>,
    %shift_right_arithmetic3A_324 = arith.constant 3 : i32
    %shift_right_arithmetic3A_325 = vector.broadcast %shift_right_arithmetic3A_324 : i32 to vector<16xi32>
    %shift_right_arithmetic3A_326 = arith.shrsi %get3A_323, %shift_right_arithmetic3A_325 : vector<16xi32>
    %swap3A_327 = arith.constant 4 : i32
    %swap3A_328 = arith.index_cast %swap3A_327 : i32 to index
    %swap3A_329 = arith.constant 64 : index
    %swap3A_330 = tpu.vector_load %arg8[%swap3A_328, %swap3A_329] {strides = array<i32>} : memref<5x128xi32, #tpu.memory_space<vmem>>, vector<16xi32>,
    tpu.vector_store %arg8[%swap3A_328, %swap3A_329], %shift_right_arithmetic3A_326 {strides = array<i32>} : memref<5x128xi32, #tpu.memory_space<vmem>>, vector<16xi32>,
    %get3A_331 = arith.constant 592 : index
    %get3A_332 = tpu.vector_load %arg7[%get3A_331] {strides = array<i32>} : memref<640xi32, #tpu.memory_space<vmem>>, vector<16xi32>,
    %shift_right_arithmetic3A_333 = arith.constant 3 : i32
    %shift_right_arithmetic3A_334 = vector.broadcast %shift_right_arithmetic3A_333 : i32 to vector<16xi32>
    %shift_right_arithmetic3A_335 = arith.shrsi %get3A_332, %shift_right_arithmetic3A_334 : vector<16xi32>
    %swap3A_336 = arith.constant 4 : i32
    %swap3A_337 = arith.index_cast %swap3A_336 : i32 to index
    %swap3A_338 = arith.constant 80 : index
    %swap3A_339 = tpu.vector_load %arg8[%swap3A_337, %swap3A_338] {strides = array<i32>} : memref<5x128xi32, #tpu.memory_space<vmem>>, vector<16xi32>,
    tpu.vector_store %arg8[%swap3A_337, %swap3A_338], %shift_right_arithmetic3A_335 {strides = array<i32>} : memref<5x128xi32, #tpu.memory_space<vmem>>, vector<16xi32>,
    %get3A_340 = arith.constant 608 : index
    %get3A_341 = tpu.vector_load %arg7[%get3A_340] {strides = array<i32>} : memref<640xi32, #tpu.memory_space<vmem>>, vector<16xi32>,
    %shift_right_arithmetic3A_342 = arith.constant 3 : i32
    %shift_right_arithmetic3A_343 = vector.broadcast %shift_right_arithmetic3A_342 : i32 to vector<16xi32>
    %shift_right_arithmetic3A_344 = arith.shrsi %get3A_341, %shift_right_arithmetic3A_343 : vector<16xi32>
    %swap3A_345 = arith.constant 4 : i32
    %swap3A_346 = arith.index_cast %swap3A_345 : i32 to index
    %swap3A_347 = arith.constant 96 : index
    %swap3A_348 = tpu.vector_load %arg8[%swap3A_346, %swap3A_347] {strides = array<i32>} : memref<5x128xi32, #tpu.memory_space<vmem>>, vector<16xi32>,
    tpu.vector_store %arg8[%swap3A_346, %swap3A_347], %shift_right_arithmetic3A_344 {strides = array<i32>} : memref<5x128xi32, #tpu.memory_space<vmem>>, vector<16xi32>,
    %get3A_349 = arith.constant 624 : index
    %get3A_350 = tpu.vector_load %arg7[%get3A_349] {strides = array<i32>} : memref<640xi32, #tpu.memory_space<vmem>>, vector<16xi32>,
    %shift_right_arithmetic3A_351 = arith.constant 3 : i32
    %shift_right_arithmetic3A_352 = vector.broadcast %shift_right_arithmetic3A_351 : i32 to vector<16xi32>
    %shift_right_arithmetic3A_353 = arith.shrsi %get3A_350, %shift_right_arithmetic3A_352 : vector<16xi32>
    %swap3A_354 = arith.constant 4 : i32
    %swap3A_355 = arith.index_cast %swap3A_354 : i32 to index
    %swap3A_356 = arith.constant 112 : index
    %swap3A_357 = tpu.vector_load %arg8[%swap3A_355, %swap3A_356] {strides = array<i32>} : memref<5x128xi32, #tpu.memory_space<vmem>>, vector<16xi32>,
    tpu.vector_store %arg8[%swap3A_355, %swap3A_356], %shift_right_arithmetic3A_353 {strides = array<i32>} : memref<5x128xi32, #tpu.memory_space<vmem>>, vector<16xi32>,
    %iota3A = tpu.iota {dimensions = array<i32: 0>} : vector<16xi32>
    %dma_start3A = arith.constant 0 : i32
    %dma_start3A_358 = arith.constant 0 : i32
    %dma_start3A_359 = arith.constant 0 : i32
    %dma_start3A_360 = arith.constant 0 : i32
    %dma_start3A_361 = tpu.memref_slice %arg9[%dma_start3A_358, %dma_start3A_359, %dma_start3A_360] : memref<2x128x128xf32, #tpu.memory_space<vmem>> -> memref<1x128x128xf32, #tpu.memory_space<vmem>>
    %dma_start3A_362 = tpu.memref_squeeze %dma_start3A_361 : memref<1x128x128xf32, #tpu.memory_space<vmem>> -> memref<128x128xf32, #tpu.memory_space<vmem>>
    %dma_start3A_363 = arith.constant 0 : i32
    %dma_start3A_364 = tpu.memref_slice %arg8[%dma_start3A, %dma_start3A_363] : memref<5x128xi32, #tpu.memory_space<vmem>> -> memref<1x128xi32, #tpu.memory_space<vmem>>
    %dma_start3A_365 = tpu.memref_squeeze %dma_start3A_364 : memref<1x128xi32, #tpu.memory_space<vmem>> -> memref<128xi32, #tpu.memory_space<vmem>>
    %dma_start3A_366 = arith.constant 0 : i32
    %dma_start3A_367 = arith.constant 0 : i32
    %dma_start3A_368 = tpu.memref_slice %arg3[%dma_start3A_366, %dma_start3A_367] : memref<125000x128xf32, #tpu.memory_space<hbm>> -> memref<125000x128xf32, #tpu.memory_space<hbm>>
    tpu.enqueue_indirect_dma source(%dma_start3A_368 : memref<125000x128xf32, #tpu.memory_space<hbm>>) target(%dma_start3A_362 : memref<128x128xf32, #tpu.memory_space<vmem>>) offsets(%dma_start3A_365 : memref<128xi32, #tpu.memory_space<vmem>>) semaphore(%arg13 : memref<!tpu.dma_semaphore, #tpu.memory_space<semaphore_mem>>)
    %dma_start3A_369 = arith.constant 0 : i32
    %dma_start3A_370 = arith.constant 0 : i32
    %dma_start3A_371 = arith.constant 0 : i32
    %dma_start3A_372 = arith.constant 0 : i32
    %dma_start3A_373 = tpu.memref_slice %arg10[%dma_start3A_370, %dma_start3A_371, %dma_start3A_372] : memref<2x128x128xf32, #tpu.memory_space<vmem>> -> memref<1x128x128xf32, #tpu.memory_space<vmem>>
    %dma_start3A_374 = tpu.memref_squeeze %dma_start3A_373 : memref<1x128x128xf32, #tpu.memory_space<vmem>> -> memref<128x128xf32, #tpu.memory_space<vmem>>
    %dma_start3A_375 = arith.constant 0 : i32
    %dma_start3A_376 = tpu.memref_slice %arg8[%dma_start3A_369, %dma_start3A_375] : memref<5x128xi32, #tpu.memory_space<vmem>> -> memref<1x128xi32, #tpu.memory_space<vmem>>
    %dma_start3A_377 = tpu.memref_squeeze %dma_start3A_376 : memref<1x128xi32, #tpu.memory_space<vmem>> -> memref<128xi32, #tpu.memory_space<vmem>>
    %dma_start3A_378 = arith.constant 0 : i32
    %dma_start3A_379 = arith.constant 0 : i32
    %dma_start3A_380 = tpu.memref_slice %arg4[%dma_start3A_378, %dma_start3A_379] : memref<125000x128xf32, #tpu.memory_space<hbm>> -> memref<125000x128xf32, #tpu.memory_space<hbm>>
    tpu.enqueue_indirect_dma source(%dma_start3A_380 : memref<125000x128xf32, #tpu.memory_space<hbm>>) target(%dma_start3A_374 : memref<128x128xf32, #tpu.memory_space<vmem>>) offsets(%dma_start3A_377 : memref<128xi32, #tpu.memory_space<vmem>>) semaphore(%arg13 : memref<!tpu.dma_semaphore, #tpu.memory_space<semaphore_mem>>)
    %dma_start3A_381 = arith.constant 1 : i32
    %dma_start3A_382 = arith.constant 1 : i32
    %dma_start3A_383 = arith.constant 0 : i32
    %dma_start3A_384 = arith.constant 0 : i32
    %dma_start3A_385 = tpu.memref_slice %arg9[%dma_start3A_382, %dma_start3A_383, %dma_start3A_384] : memref<2x128x128xf32, #tpu.memory_space<vmem>> -> memref<1x128x128xf32, #tpu.memory_space<vmem>>
    %dma_start3A_386 = tpu.memref_squeeze %dma_start3A_385 : memref<1x128x128xf32, #tpu.memory_space<vmem>> -> memref<128x128xf32, #tpu.memory_space<vmem>>
    %dma_start3A_387 = arith.constant 0 : i32
    %dma_start3A_388 = tpu.memref_slice %arg8[%dma_start3A_381, %dma_start3A_387] : memref<5x128xi32, #tpu.memory_space<vmem>> -> memref<1x128xi32, #tpu.memory_space<vmem>>
    %dma_start3A_389 = tpu.memref_squeeze %dma_start3A_388 : memref<1x128xi32, #tpu.memory_space<vmem>> -> memref<128xi32, #tpu.memory_space<vmem>>
    %dma_start3A_390 = arith.constant 0 : i32
    %dma_start3A_391 = arith.constant 0 : i32
    %dma_start3A_392 = tpu.memref_slice %arg3[%dma_start3A_390, %dma_start3A_391] : memref<125000x128xf32, #tpu.memory_space<hbm>> -> memref<125000x128xf32, #tpu.memory_space<hbm>>
    tpu.enqueue_indirect_dma source(%dma_start3A_392 : memref<125000x128xf32, #tpu.memory_space<hbm>>) target(%dma_start3A_386 : memref<128x128xf32, #tpu.memory_space<vmem>>) offsets(%dma_start3A_389 : memref<128xi32, #tpu.memory_space<vmem>>) semaphore(%arg13 : memref<!tpu.dma_semaphore, #tpu.memory_space<semaphore_mem>>)
    %dma_start3A_393 = arith.constant 1 : i32
    %dma_start3A_394 = arith.constant 1 : i32
    %dma_start3A_395 = arith.constant 0 : i32
    %dma_start3A_396 = arith.constant 0 : i32
    %dma_start3A_397 = tpu.memref_slice %arg10[%dma_start3A_394, %dma_start3A_395, %dma_start3A_396] : memref<2x128x128xf32, #tpu.memory_space<vmem>> -> memref<1x128x128xf32, #tpu.memory_space<vmem>>
    %dma_start3A_398 = tpu.memref_squeeze %dma_start3A_397 : memref<1x128x128xf32, #tpu.memory_space<vmem>> -> memref<128x128xf32, #tpu.memory_space<vmem>>
    %dma_start3A_399 = arith.constant 0 : i32
    %dma_start3A_400 = tpu.memref_slice %arg8[%dma_start3A_393, %dma_start3A_399] : memref<5x128xi32, #tpu.memory_space<vmem>> -> memref<1x128xi32, #tpu.memory_space<vmem>>
    %dma_start3A_401 = tpu.memref_squeeze %dma_start3A_400 : memref<1x128xi32, #tpu.memory_space<vmem>> -> memref<128xi32, #tpu.memory_space<vmem>>
    %dma_start3A_402 = arith.constant 0 : i32
    %dma_start3A_403 = arith.constant 0 : i32
    %dma_start3A_404 = tpu.memref_slice %arg4[%dma_start3A_402, %dma_start3A_403] : memref<125000x128xf32, #tpu.memory_space<hbm>> -> memref<125000x128xf32, #tpu.memory_space<hbm>>
    tpu.enqueue_indirect_dma source(%dma_start3A_404 : memref<125000x128xf32, #tpu.memory_space<hbm>>) target(%dma_start3A_398 : memref<128x128xf32, #tpu.memory_space<vmem>>) offsets(%dma_start3A_401 : memref<128xi32, #tpu.memory_space<vmem>>) semaphore(%arg13 : memref<!tpu.dma_semaphore, #tpu.memory_space<semaphore_mem>>)
    %dma_wait3A = arith.constant 0 : i32
    %dma_wait3A_405 = arith.constant 0 : i32
    %dma_wait3A_406 = arith.constant 0 : i32
    %dma_wait3A_407 = arith.constant 0 : i32
    %dma_wait3A_408 = tpu.memref_slice %arg9[%dma_wait3A_405, %dma_wait3A_406, %dma_wait3A_407] : memref<2x128x128xf32, #tpu.memory_space<vmem>> -> memref<1x128x128xf32, #tpu.memory_space<vmem>>
    %dma_wait3A_409 = tpu.memref_squeeze %dma_wait3A_408 : memref<1x128x128xf32, #tpu.memory_space<vmem>> -> memref<128x128xf32, #tpu.memory_space<vmem>>
    %dma_wait3A_410 = arith.constant 0 : i32
    %dma_wait3A_411 = tpu.memref_slice %arg8[%dma_wait3A, %dma_wait3A_410] : memref<5x128xi32, #tpu.memory_space<vmem>> -> memref<1x128xi32, #tpu.memory_space<vmem>>
    %dma_wait3A_412 = tpu.memref_squeeze %dma_wait3A_411 : memref<1x128xi32, #tpu.memory_space<vmem>> -> memref<128xi32, #tpu.memory_space<vmem>>
    %dma_wait3A_413 = arith.constant 0 : i32
    %dma_wait3A_414 = arith.constant 0 : i32
    %dma_wait3A_415 = tpu.memref_slice %arg3[%dma_wait3A_413, %dma_wait3A_414] : memref<125000x128xf32, #tpu.memory_space<hbm>> -> memref<125000x128xf32, #tpu.memory_space<hbm>>
    tpu.wait_indirect_dma semaphore(%arg13 : memref<!tpu.dma_semaphore, #tpu.memory_space<semaphore_mem>>) src(%dma_wait3A_415 : memref<125000x128xf32, #tpu.memory_space<hbm>>) dst(%dma_wait3A_409 : memref<128x128xf32, #tpu.memory_space<vmem>>)
    %dma_wait3A_416 = arith.constant 0 : i32
    %dma_wait3A_417 = arith.constant 0 : i32
    %dma_wait3A_418 = arith.constant 0 : i32
    %dma_wait3A_419 = arith.constant 0 : i32
    %dma_wait3A_420 = tpu.memref_slice %arg10[%dma_wait3A_417, %dma_wait3A_418, %dma_wait3A_419] : memref<2x128x128xf32, #tpu.memory_space<vmem>> -> memref<1x128x128xf32, #tpu.memory_space<vmem>>
    %dma_wait3A_421 = tpu.memref_squeeze %dma_wait3A_420 : memref<1x128x128xf32, #tpu.memory_space<vmem>> -> memref<128x128xf32, #tpu.memory_space<vmem>>
    %dma_wait3A_422 = arith.constant 0 : i32
    %dma_wait3A_423 = tpu.memref_slice %arg8[%dma_wait3A_416, %dma_wait3A_422] : memref<5x128xi32, #tpu.memory_space<vmem>> -> memref<1x128xi32, #tpu.memory_space<vmem>>
    %dma_wait3A_424 = tpu.memref_squeeze %dma_wait3A_423 : memref<1x128xi32, #tpu.memory_space<vmem>> -> memref<128xi32, #tpu.memory_space<vmem>>
    %dma_wait3A_425 = arith.constant 0 : i32
    %dma_wait3A_426 = arith.constant 0 : i32
    %dma_wait3A_427 = tpu.memref_slice %arg4[%dma_wait3A_425, %dma_wait3A_426] : memref<125000x128xf32, #tpu.memory_space<hbm>> -> memref<125000x128xf32, #tpu.memory_space<hbm>>
    tpu.wait_indirect_dma semaphore(%arg13 : memref<!tpu.dma_semaphore, #tpu.memory_space<semaphore_mem>>) src(%dma_wait3A_427 : memref<125000x128xf32, #tpu.memory_space<hbm>>) dst(%dma_wait3A_421 : memref<128x128xf32, #tpu.memory_space<vmem>>)
    %scan3A = arith.constant 0 : i32
    %scan3A_428 = arith.constant 128 : i32
    %scan3A_429 = arith.addi %scan3A, %scan3A_428 : i32
    %scan3A_430 = arith.constant 8 : i32
    scf.for %scan3A_624 = %scan3A to %scan3A_429 step %scan3A_430  : i32 {
      %mul3A_625 = arith.constant 1 : i32
      %mul3A_626 = arith.muli %scan3A_624, %mul3A_625 : i32
      %add3A_627 = arith.constant 0 : i32
      %add3A_628 = arith.addi %add3A_627, %mul3A_626 : i32
      %add3A_629 = arith.constant 0 : i32
      %add3A_630 = arith.addi %add3A_629, %add3A_628 : i32
      %broadcast_in_dim3A = vector.broadcast %add3A_630 : i32 to vector<16xi32>
      %gather3A = tpu.vector_load_idx %arg7[%broadcast_in_dim3A] : memref<640xi32, #tpu.memory_space<vmem>>[vector<16xi32>], vector<16xi32>,
      %and3A = arith.constant 7 : i32
      %and3A_631 = vector.broadcast %and3A : i32 to vector<16xi32>
      %and3A_632 = arith.andi %gather3A, %and3A_631 : vector<16xi32>
      %mul3A_633 = arith.constant 16 : i32
      %mul3A_634 = vector.broadcast %mul3A_633 : i32 to vector<16xi32>
      %mul3A_635 = arith.muli %and3A_632, %mul3A_634 : vector<16xi32>
      %add3A_636 = arith.addi %mul3A_635, %iota3A : vector<16xi32>
      %broadcast_in_dim3A_637 = vector.broadcast %add3A_628 : i32 to vector<16xi32>
      %broadcast_in_dim3A_638 = vector.broadcast %add3A_630 : i32 to vector<16xi32>
      %gather3A_639 = arith.constant 0 : i32
      %gather3A_640 = arith.constant 0 : i32
      %gather3A_641 = arith.constant 0 : i32
      %gather3A_642 = tpu.memref_slice %arg9[%gather3A_639, %gather3A_640, %gather3A_641] : memref<2x128x128xf32, #tpu.memory_space<vmem>> -> memref<1x128x128xf32, #tpu.memory_space<vmem>>
      %gather3A_643 = tpu.memref_squeeze %gather3A_642 : memref<1x128x128xf32, #tpu.memory_space<vmem>> -> memref<128x128xf32, #tpu.memory_space<vmem>>
      %gather3A_644 = tpu.vector_load_idx %gather3A_643[%broadcast_in_dim3A_637, %add3A_636] : memref<128x128xf32, #tpu.memory_space<vmem>>[vector<16xi32>, vector<16xi32>], vector<16xf32>,
      tpu.vector_store_idx %arg11[%iota3A, %broadcast_in_dim3A_638], %gather3A_644 : memref<16x640xf32, #tpu.memory_space<vmem>>[vector<16xi32>, vector<16xi32>], vector<16xf32>,
      %gather3A_645 = arith.constant 0 : i32
      %gather3A_646 = arith.constant 0 : i32
      %gather3A_647 = arith.constant 0 : i32
      %gather3A_648 = tpu.memref_slice %arg10[%gather3A_645, %gather3A_646, %gather3A_647] : memref<2x128x128xf32, #tpu.memory_space<vmem>> -> memref<1x128x128xf32, #tpu.memory_space<vmem>>
      %gather3A_649 = tpu.memref_squeeze %gather3A_648 : memref<1x128x128xf32, #tpu.memory_space<vmem>> -> memref<128x128xf32, #tpu.memory_space<vmem>>
      %gather3A_650 = tpu.vector_load_idx %gather3A_649[%broadcast_in_dim3A_637, %add3A_636] : memref<128x128xf32, #tpu.memory_space<vmem>>[vector<16xi32>, vector<16xi32>], vector<16xf32>,
      tpu.vector_store_idx %arg12[%iota3A, %broadcast_in_dim3A_638], %gather3A_650 : memref<16x640xf32, #tpu.memory_space<vmem>>[vector<16xi32>, vector<16xi32>], vector<16xf32>,
      %scan3A_651 = arith.constant 1 : i32
      %scan3A_652 = arith.addi %scan3A_624, %scan3A_651 : i32
      %mul3A_653 = arith.constant 1 : i32
      %mul3A_654 = arith.muli %scan3A_652, %mul3A_653 : i32
      %add3A_655 = arith.constant 0 : i32
      %add3A_656 = arith.addi %add3A_655, %mul3A_654 : i32
      %add3A_657 = arith.constant 0 : i32
      %add3A_658 = arith.addi %add3A_657, %add3A_656 : i32
      %broadcast_in_dim3A_659 = vector.broadcast %add3A_658 : i32 to vector<16xi32>
      %gather3A_660 = tpu.vector_load_idx %arg7[%broadcast_in_dim3A_659] : memref<640xi32, #tpu.memory_space<vmem>>[vector<16xi32>], vector<16xi32>,
      %and3A_661 = arith.constant 7 : i32
      %and3A_662 = vector.broadcast %and3A_661 : i32 to vector<16xi32>
      %and3A_663 = arith.andi %gather3A_660, %and3A_662 : vector<16xi32>
      %mul3A_664 = arith.constant 16 : i32
      %mul3A_665 = vector.broadcast %mul3A_664 : i32 to vector<16xi32>
      %mul3A_666 = arith.muli %and3A_663, %mul3A_665 : vector<16xi32>
      %add3A_667 = arith.addi %mul3A_666, %iota3A : vector<16xi32>
      %broadcast_in_dim3A_668 = vector.broadcast %add3A_656 : i32 to vector<16xi32>
      %broadcast_in_dim3A_669 = vector.broadcast %add3A_658 : i32 to vector<16xi32>
      %gather3A_670 = arith.constant 0 : i32
      %gather3A_671 = arith.constant 0 : i32
      %gather3A_672 = arith.constant 0 : i32
      %gather3A_673 = tpu.memref_slice %arg9[%gather3A_670, %gather3A_671, %gather3A_672] : memref<2x128x128xf32, #tpu.memory_space<vmem>> -> memref<1x128x128xf32, #tpu.memory_space<vmem>>
      %gather3A_674 = tpu.memref_squeeze %gather3A_673 : memref<1x128x128xf32, #tpu.memory_space<vmem>> -> memref<128x128xf32, #tpu.memory_space<vmem>>
      %gather3A_675 = tpu.vector_load_idx %gather3A_674[%broadcast_in_dim3A_668, %add3A_667] : memref<128x128xf32, #tpu.memory_space<vmem>>[vector<16xi32>, vector<16xi32>], vector<16xf32>,
      tpu.vector_store_idx %arg11[%iota3A, %broadcast_in_dim3A_669], %gather3A_675 : memref<16x640xf32, #tpu.memory_space<vmem>>[vector<16xi32>, vector<16xi32>], vector<16xf32>,
      %gather3A_676 = arith.constant 0 : i32
      %gather3A_677 = arith.constant 0 : i32
      %gather3A_678 = arith.constant 0 : i32
      %gather3A_679 = tpu.memref_slice %arg10[%gather3A_676, %gather3A_677, %gather3A_678] : memref<2x128x128xf32, #tpu.memory_space<vmem>> -> memref<1x128x128xf32, #tpu.memory_space<vmem>>
      %gather3A_680 = tpu.memref_squeeze %gather3A_679 : memref<1x128x128xf32, #tpu.memory_space<vmem>> -> memref<128x128xf32, #tpu.memory_space<vmem>>
      %gather3A_681 = tpu.vector_load_idx %gather3A_680[%broadcast_in_dim3A_668, %add3A_667] : memref<128x128xf32, #tpu.memory_space<vmem>>[vector<16xi32>, vector<16xi32>], vector<16xf32>,
      tpu.vector_store_idx %arg12[%iota3A, %broadcast_in_dim3A_669], %gather3A_681 : memref<16x640xf32, #tpu.memory_space<vmem>>[vector<16xi32>, vector<16xi32>], vector<16xf32>,
      %scan3A_682 = arith.constant 2 : i32
      %scan3A_683 = arith.addi %scan3A_624, %scan3A_682 : i32
      %mul3A_684 = arith.constant 1 : i32
      %mul3A_685 = arith.muli %scan3A_683, %mul3A_684 : i32
      %add3A_686 = arith.constant 0 : i32
      %add3A_687 = arith.addi %add3A_686, %mul3A_685 : i32
      %add3A_688 = arith.constant 0 : i32
      %add3A_689 = arith.addi %add3A_688, %add3A_687 : i32
      %broadcast_in_dim3A_690 = vector.broadcast %add3A_689 : i32 to vector<16xi32>
      %gather3A_691 = tpu.vector_load_idx %arg7[%broadcast_in_dim3A_690] : memref<640xi32, #tpu.memory_space<vmem>>[vector<16xi32>], vector<16xi32>,
      %and3A_692 = arith.constant 7 : i32
      %and3A_693 = vector.broadcast %and3A_692 : i32 to vector<16xi32>
      %and3A_694 = arith.andi %gather3A_691, %and3A_693 : vector<16xi32>
      %mul3A_695 = arith.constant 16 : i32
      %mul3A_696 = vector.broadcast %mul3A_695 : i32 to vector<16xi32>
      %mul3A_697 = arith.muli %and3A_694, %mul3A_696 : vector<16xi32>
      %add3A_698 = arith.addi %mul3A_697, %iota3A : vector<16xi32>
      %broadcast_in_dim3A_699 = vector.broadcast %add3A_687 : i32 to vector<16xi32>
      %broadcast_in_dim3A_700 = vector.broadcast %add3A_689 : i32 to vector<16xi32>
      %gather3A_701 = arith.constant 0 : i32
      %gather3A_702 = arith.constant 0 : i32
      %gather3A_703 = arith.constant 0 : i32
      %gather3A_704 = tpu.memref_slice %arg9[%gather3A_701, %gather3A_702, %gather3A_703] : memref<2x128x128xf32, #tpu.memory_space<vmem>> -> memref<1x128x128xf32, #tpu.memory_space<vmem>>
      %gather3A_705 = tpu.memref_squeeze %gather3A_704 : memref<1x128x128xf32, #tpu.memory_space<vmem>> -> memref<128x128xf32, #tpu.memory_space<vmem>>
      %gather3A_706 = tpu.vector_load_idx %gather3A_705[%broadcast_in_dim3A_699, %add3A_698] : memref<128x128xf32, #tpu.memory_space<vmem>>[vector<16xi32>, vector<16xi32>], vector<16xf32>,
      tpu.vector_store_idx %arg11[%iota3A, %broadcast_in_dim3A_700], %gather3A_706 : memref<16x640xf32, #tpu.memory_space<vmem>>[vector<16xi32>, vector<16xi32>], vector<16xf32>,
      %gather3A_707 = arith.constant 0 : i32
      %gather3A_708 = arith.constant 0 : i32
      %gather3A_709 = arith.constant 0 : i32
      %gather3A_710 = tpu.memref_slice %arg10[%gather3A_707, %gather3A_708, %gather3A_709] : memref<2x128x128xf32, #tpu.memory_space<vmem>> -> memref<1x128x128xf32, #tpu.memory_space<vmem>>
      %gather3A_711 = tpu.memref_squeeze %gather3A_710 : memref<1x128x128xf32, #tpu.memory_space<vmem>> -> memref<128x128xf32, #tpu.memory_space<vmem>>
      %gather3A_712 = tpu.vector_load_idx %gather3A_711[%broadcast_in_dim3A_699, %add3A_698] : memref<128x128xf32, #tpu.memory_space<vmem>>[vector<16xi32>, vector<16xi32>], vector<16xf32>,
      tpu.vector_store_idx %arg12[%iota3A, %broadcast_in_dim3A_700], %gather3A_712 : memref<16x640xf32, #tpu.memory_space<vmem>>[vector<16xi32>, vector<16xi32>], vector<16xf32>,
      %scan3A_713 = arith.constant 3 : i32
      %scan3A_714 = arith.addi %scan3A_624, %scan3A_713 : i32
      %mul3A_715 = arith.constant 1 : i32
      %mul3A_716 = arith.muli %scan3A_714, %mul3A_715 : i32
      %add3A_717 = arith.constant 0 : i32
      %add3A_718 = arith.addi %add3A_717, %mul3A_716 : i32
      %add3A_719 = arith.constant 0 : i32
      %add3A_720 = arith.addi %add3A_719, %add3A_718 : i32
      %broadcast_in_dim3A_721 = vector.broadcast %add3A_720 : i32 to vector<16xi32>
      %gather3A_722 = tpu.vector_load_idx %arg7[%broadcast_in_dim3A_721] : memref<640xi32, #tpu.memory_space<vmem>>[vector<16xi32>], vector<16xi32>,
      %and3A_723 = arith.constant 7 : i32
      %and3A_724 = vector.broadcast %and3A_723 : i32 to vector<16xi32>
      %and3A_725 = arith.andi %gather3A_722, %and3A_724 : vector<16xi32>
      %mul3A_726 = arith.constant 16 : i32
      %mul3A_727 = vector.broadcast %mul3A_726 : i32 to vector<16xi32>
      %mul3A_728 = arith.muli %and3A_725, %mul3A_727 : vector<16xi32>
      %add3A_729 = arith.addi %mul3A_728, %iota3A : vector<16xi32>
      %broadcast_in_dim3A_730 = vector.broadcast %add3A_718 : i32 to vector<16xi32>
      %broadcast_in_dim3A_731 = vector.broadcast %add3A_720 : i32 to vector<16xi32>
      %gather3A_732 = arith.constant 0 : i32
      %gather3A_733 = arith.constant 0 : i32
      %gather3A_734 = arith.constant 0 : i32
      %gather3A_735 = tpu.memref_slice %arg9[%gather3A_732, %gather3A_733, %gather3A_734] : memref<2x128x128xf32, #tpu.memory_space<vmem>> -> memref<1x128x128xf32, #tpu.memory_space<vmem>>
      %gather3A_736 = tpu.memref_squeeze %gather3A_735 : memref<1x128x128xf32, #tpu.memory_space<vmem>> -> memref<128x128xf32, #tpu.memory_space<vmem>>
      %gather3A_737 = tpu.vector_load_idx %gather3A_736[%broadcast_in_dim3A_730, %add3A_729] : memref<128x128xf32, #tpu.memory_space<vmem>>[vector<16xi32>, vector<16xi32>], vector<16xf32>,
      tpu.vector_store_idx %arg11[%iota3A, %broadcast_in_dim3A_731], %gather3A_737 : memref<16x640xf32, #tpu.memory_space<vmem>>[vector<16xi32>, vector<16xi32>], vector<16xf32>,
      %gather3A_738 = arith.constant 0 : i32
      %gather3A_739 = arith.constant 0 : i32
      %gather3A_740 = arith.constant 0 : i32
      %gather3A_741 = tpu.memref_slice %arg10[%gather3A_738, %gather3A_739, %gather3A_740] : memref<2x128x128xf32, #tpu.memory_space<vmem>> -> memref<1x128x128xf32, #tpu.memory_space<vmem>>
      %gather3A_742 = tpu.memref_squeeze %gather3A_741 : memref<1x128x128xf32, #tpu.memory_space<vmem>> -> memref<128x128xf32, #tpu.memory_space<vmem>>
      %gather3A_743 = tpu.vector_load_idx %gather3A_742[%broadcast_in_dim3A_730, %add3A_729] : memref<128x128xf32, #tpu.memory_space<vmem>>[vector<16xi32>, vector<16xi32>], vector<16xf32>,
      tpu.vector_store_idx %arg12[%iota3A, %broadcast_in_dim3A_731], %gather3A_743 : memref<16x640xf32, #tpu.memory_space<vmem>>[vector<16xi32>, vector<16xi32>], vector<16xf32>,
      %scan3A_744 = arith.constant 4 : i32
      %scan3A_745 = arith.addi %scan3A_624, %scan3A_744 : i32
      %mul3A_746 = arith.constant 1 : i32
      %mul3A_747 = arith.muli %scan3A_745, %mul3A_746 : i32
      %add3A_748 = arith.constant 0 : i32
      %add3A_749 = arith.addi %add3A_748, %mul3A_747 : i32
      %add3A_750 = arith.constant 0 : i32
      %add3A_751 = arith.addi %add3A_750, %add3A_749 : i32
      %broadcast_in_dim3A_752 = vector.broadcast %add3A_751 : i32 to vector<16xi32>
      %gather3A_753 = tpu.vector_load_idx %arg7[%broadcast_in_dim3A_752] : memref<640xi32, #tpu.memory_space<vmem>>[vector<16xi32>], vector<16xi32>,
      %and3A_754 = arith.constant 7 : i32
      %and3A_755 = vector.broadcast %and3A_754 : i32 to vector<16xi32>
      %and3A_756 = arith.andi %gather3A_753, %and3A_755 : vector<16xi32>
      %mul3A_757 = arith.constant 16 : i32
      %mul3A_758 = vector.broadcast %mul3A_757 : i32 to vector<16xi32>
      %mul3A_759 = arith.muli %and3A_756, %mul3A_758 : vector<16xi32>
      %add3A_760 = arith.addi %mul3A_759, %iota3A : vector<16xi32>
      %broadcast_in_dim3A_761 = vector.broadcast %add3A_749 : i32 to vector<16xi32>
      %broadcast_in_dim3A_762 = vector.broadcast %add3A_751 : i32 to vector<16xi32>
      %gather3A_763 = arith.constant 0 : i32
      %gather3A_764 = arith.constant 0 : i32
      %gather3A_765 = arith.constant 0 : i32
      %gather3A_766 = tpu.memref_slice %arg9[%gather3A_763, %gather3A_764, %gather3A_765] : memref<2x128x128xf32, #tpu.memory_space<vmem>> -> memref<1x128x128xf32, #tpu.memory_space<vmem>>
      %gather3A_767 = tpu.memref_squeeze %gather3A_766 : memref<1x128x128xf32, #tpu.memory_space<vmem>> -> memref<128x128xf32, #tpu.memory_space<vmem>>
      %gather3A_768 = tpu.vector_load_idx %gather3A_767[%broadcast_in_dim3A_761, %add3A_760] : memref<128x128xf32, #tpu.memory_space<vmem>>[vector<16xi32>, vector<16xi32>], vector<16xf32>,
      tpu.vector_store_idx %arg11[%iota3A, %broadcast_in_dim3A_762], %gather3A_768 : memref<16x640xf32, #tpu.memory_space<vmem>>[vector<16xi32>, vector<16xi32>], vector<16xf32>,
      %gather3A_769 = arith.constant 0 : i32
      %gather3A_770 = arith.constant 0 : i32
      %gather3A_771 = arith.constant 0 : i32
      %gather3A_772 = tpu.memref_slice %arg10[%gather3A_769, %gather3A_770, %gather3A_771] : memref<2x128x128xf32, #tpu.memory_space<vmem>> -> memref<1x128x128xf32, #tpu.memory_space<vmem>>
      %gather3A_773 = tpu.memref_squeeze %gather3A_772 : memref<1x128x128xf32, #tpu.memory_space<vmem>> -> memref<128x128xf32, #tpu.memory_space<vmem>>
      %gather3A_774 = tpu.vector_load_idx %gather3A_773[%broadcast_in_dim3A_761, %add3A_760] : memref<128x128xf32, #tpu.memory_space<vmem>>[vector<16xi32>, vector<16xi32>], vector<16xf32>,
      tpu.vector_store_idx %arg12[%iota3A, %broadcast_in_dim3A_762], %gather3A_774 : memref<16x640xf32, #tpu.memory_space<vmem>>[vector<16xi32>, vector<16xi32>], vector<16xf32>,
      %scan3A_775 = arith.constant 5 : i32
      %scan3A_776 = arith.addi %scan3A_624, %scan3A_775 : i32
      %mul3A_777 = arith.constant 1 : i32
      %mul3A_778 = arith.muli %scan3A_776, %mul3A_777 : i32
      %add3A_779 = arith.constant 0 : i32
      %add3A_780 = arith.addi %add3A_779, %mul3A_778 : i32
      %add3A_781 = arith.constant 0 : i32
      %add3A_782 = arith.addi %add3A_781, %add3A_780 : i32
      %broadcast_in_dim3A_783 = vector.broadcast %add3A_782 : i32 to vector<16xi32>
      %gather3A_784 = tpu.vector_load_idx %arg7[%broadcast_in_dim3A_783] : memref<640xi32, #tpu.memory_space<vmem>>[vector<16xi32>], vector<16xi32>,
      %and3A_785 = arith.constant 7 : i32
      %and3A_786 = vector.broadcast %and3A_785 : i32 to vector<16xi32>
      %and3A_787 = arith.andi %gather3A_784, %and3A_786 : vector<16xi32>
      %mul3A_788 = arith.constant 16 : i32
      %mul3A_789 = vector.broadcast %mul3A_788 : i32 to vector<16xi32>
      %mul3A_790 = arith.muli %and3A_787, %mul3A_789 : vector<16xi32>
      %add3A_791 = arith.addi %mul3A_790, %iota3A : vector<16xi32>
      %broadcast_in_dim3A_792 = vector.broadcast %add3A_780 : i32 to vector<16xi32>
      %broadcast_in_dim3A_793 = vector.broadcast %add3A_782 : i32 to vector<16xi32>
      %gather3A_794 = arith.constant 0 : i32
      %gather3A_795 = arith.constant 0 : i32
      %gather3A_796 = arith.constant 0 : i32
      %gather3A_797 = tpu.memref_slice %arg9[%gather3A_794, %gather3A_795, %gather3A_796] : memref<2x128x128xf32, #tpu.memory_space<vmem>> -> memref<1x128x128xf32, #tpu.memory_space<vmem>>
      %gather3A_798 = tpu.memref_squeeze %gather3A_797 : memref<1x128x128xf32, #tpu.memory_space<vmem>> -> memref<128x128xf32, #tpu.memory_space<vmem>>
      %gather3A_799 = tpu.vector_load_idx %gather3A_798[%broadcast_in_dim3A_792, %add3A_791] : memref<128x128xf32, #tpu.memory_space<vmem>>[vector<16xi32>, vector<16xi32>], vector<16xf32>,
      tpu.vector_store_idx %arg11[%iota3A, %broadcast_in_dim3A_793], %gather3A_799 : memref<16x640xf32, #tpu.memory_space<vmem>>[vector<16xi32>, vector<16xi32>], vector<16xf32>,
      %gather3A_800 = arith.constant 0 : i32
      %gather3A_801 = arith.constant 0 : i32
      %gather3A_802 = arith.constant 0 : i32
      %gather3A_803 = tpu.memref_slice %arg10[%gather3A_800, %gather3A_801, %gather3A_802] : memref<2x128x128xf32, #tpu.memory_space<vmem>> -> memref<1x128x128xf32, #tpu.memory_space<vmem>>
      %gather3A_804 = tpu.memref_squeeze %gather3A_803 : memref<1x128x128xf32, #tpu.memory_space<vmem>> -> memref<128x128xf32, #tpu.memory_space<vmem>>
      %gather3A_805 = tpu.vector_load_idx %gather3A_804[%broadcast_in_dim3A_792, %add3A_791] : memref<128x128xf32, #tpu.memory_space<vmem>>[vector<16xi32>, vector<16xi32>], vector<16xf32>,
      tpu.vector_store_idx %arg12[%iota3A, %broadcast_in_dim3A_793], %gather3A_805 : memref<16x640xf32, #tpu.memory_space<vmem>>[vector<16xi32>, vector<16xi32>], vector<16xf32>,
      %scan3A_806 = arith.constant 6 : i32
      %scan3A_807 = arith.addi %scan3A_624, %scan3A_806 : i32
      %mul3A_808 = arith.constant 1 : i32
      %mul3A_809 = arith.muli %scan3A_807, %mul3A_808 : i32
      %add3A_810 = arith.constant 0 : i32
      %add3A_811 = arith.addi %add3A_810, %mul3A_809 : i32
      %add3A_812 = arith.constant 0 : i32
      %add3A_813 = arith.addi %add3A_812, %add3A_811 : i32
      %broadcast_in_dim3A_814 = vector.broadcast %add3A_813 : i32 to vector<16xi32>
      %gather3A_815 = tpu.vector_load_idx %arg7[%broadcast_in_dim3A_814] : memref<640xi32, #tpu.memory_space<vmem>>[vector<16xi32>], vector<16xi32>,
      %and3A_816 = arith.constant 7 : i32
      %and3A_817 = vector.broadcast %and3A_816 : i32 to vector<16xi32>
      %and3A_818 = arith.andi %gather3A_815, %and3A_817 : vector<16xi32>
      %mul3A_819 = arith.constant 16 : i32
      %mul3A_820 = vector.broadcast %mul3A_819 : i32 to vector<16xi32>
      %mul3A_821 = arith.muli %and3A_818, %mul3A_820 : vector<16xi32>
      %add3A_822 = arith.addi %mul3A_821, %iota3A : vector<16xi32>
      %broadcast_in_dim3A_823 = vector.broadcast %add3A_811 : i32 to vector<16xi32>
      %broadcast_in_dim3A_824 = vector.broadcast %add3A_813 : i32 to vector<16xi32>
      %gather3A_825 = arith.constant 0 : i32
      %gather3A_826 = arith.constant 0 : i32
      %gather3A_827 = arith.constant 0 : i32
      %gather3A_828 = tpu.memref_slice %arg9[%gather3A_825, %gather3A_826, %gather3A_827] : memref<2x128x128xf32, #tpu.memory_space<vmem>> -> memref<1x128x128xf32, #tpu.memory_space<vmem>>
      %gather3A_829 = tpu.memref_squeeze %gather3A_828 : memref<1x128x128xf32, #tpu.memory_space<vmem>> -> memref<128x128xf32, #tpu.memory_space<vmem>>
      %gather3A_830 = tpu.vector_load_idx %gather3A_829[%broadcast_in_dim3A_823, %add3A_822] : memref<128x128xf32, #tpu.memory_space<vmem>>[vector<16xi32>, vector<16xi32>], vector<16xf32>,
      tpu.vector_store_idx %arg11[%iota3A, %broadcast_in_dim3A_824], %gather3A_830 : memref<16x640xf32, #tpu.memory_space<vmem>>[vector<16xi32>, vector<16xi32>], vector<16xf32>,
      %gather3A_831 = arith.constant 0 : i32
      %gather3A_832 = arith.constant 0 : i32
      %gather3A_833 = arith.constant 0 : i32
      %gather3A_834 = tpu.memref_slice %arg10[%gather3A_831, %gather3A_832, %gather3A_833] : memref<2x128x128xf32, #tpu.memory_space<vmem>> -> memref<1x128x128xf32, #tpu.memory_space<vmem>>
      %gather3A_835 = tpu.memref_squeeze %gather3A_834 : memref<1x128x128xf32, #tpu.memory_space<vmem>> -> memref<128x128xf32, #tpu.memory_space<vmem>>
      %gather3A_836 = tpu.vector_load_idx %gather3A_835[%broadcast_in_dim3A_823, %add3A_822] : memref<128x128xf32, #tpu.memory_space<vmem>>[vector<16xi32>, vector<16xi32>], vector<16xf32>,
      tpu.vector_store_idx %arg12[%iota3A, %broadcast_in_dim3A_824], %gather3A_836 : memref<16x640xf32, #tpu.memory_space<vmem>>[vector<16xi32>, vector<16xi32>], vector<16xf32>,
      %scan3A_837 = arith.constant 7 : i32
      %scan3A_838 = arith.addi %scan3A_624, %scan3A_837 : i32
      %mul3A_839 = arith.constant 1 : i32
      %mul3A_840 = arith.muli %scan3A_838, %mul3A_839 : i32
      %add3A_841 = arith.constant 0 : i32
      %add3A_842 = arith.addi %add3A_841, %mul3A_840 : i32
      %add3A_843 = arith.constant 0 : i32
      %add3A_844 = arith.addi %add3A_843, %add3A_842 : i32
      %broadcast_in_dim3A_845 = vector.broadcast %add3A_844 : i32 to vector<16xi32>
      %gather3A_846 = tpu.vector_load_idx %arg7[%broadcast_in_dim3A_845] : memref<640xi32, #tpu.memory_space<vmem>>[vector<16xi32>], vector<16xi32>,
      %and3A_847 = arith.constant 7 : i32
      %and3A_848 = vector.broadcast %and3A_847 : i32 to vector<16xi32>
      %and3A_849 = arith.andi %gather3A_846, %and3A_848 : vector<16xi32>
      %mul3A_850 = arith.constant 16 : i32
      %mul3A_851 = vector.broadcast %mul3A_850 : i32 to vector<16xi32>
      %mul3A_852 = arith.muli %and3A_849, %mul3A_851 : vector<16xi32>
      %add3A_853 = arith.addi %mul3A_852, %iota3A : vector<16xi32>
      %broadcast_in_dim3A_854 = vector.broadcast %add3A_842 : i32 to vector<16xi32>
      %broadcast_in_dim3A_855 = vector.broadcast %add3A_844 : i32 to vector<16xi32>
      %gather3A_856 = arith.constant 0 : i32
      %gather3A_857 = arith.constant 0 : i32
      %gather3A_858 = arith.constant 0 : i32
      %gather3A_859 = tpu.memref_slice %arg9[%gather3A_856, %gather3A_857, %gather3A_858] : memref<2x128x128xf32, #tpu.memory_space<vmem>> -> memref<1x128x128xf32, #tpu.memory_space<vmem>>
      %gather3A_860 = tpu.memref_squeeze %gather3A_859 : memref<1x128x128xf32, #tpu.memory_space<vmem>> -> memref<128x128xf32, #tpu.memory_space<vmem>>
      %gather3A_861 = tpu.vector_load_idx %gather3A_860[%broadcast_in_dim3A_854, %add3A_853] : memref<128x128xf32, #tpu.memory_space<vmem>>[vector<16xi32>, vector<16xi32>], vector<16xf32>,
      tpu.vector_store_idx %arg11[%iota3A, %broadcast_in_dim3A_855], %gather3A_861 : memref<16x640xf32, #tpu.memory_space<vmem>>[vector<16xi32>, vector<16xi32>], vector<16xf32>,
      %gather3A_862 = arith.constant 0 : i32
      %gather3A_863 = arith.constant 0 : i32
      %gather3A_864 = arith.constant 0 : i32
      %gather3A_865 = tpu.memref_slice %arg10[%gather3A_862, %gather3A_863, %gather3A_864] : memref<2x128x128xf32, #tpu.memory_space<vmem>> -> memref<1x128x128xf32, #tpu.memory_space<vmem>>
      %gather3A_866 = tpu.memref_squeeze %gather3A_865 : memref<1x128x128xf32, #tpu.memory_space<vmem>> -> memref<128x128xf32, #tpu.memory_space<vmem>>
      %gather3A_867 = tpu.vector_load_idx %gather3A_866[%broadcast_in_dim3A_854, %add3A_853] : memref<128x128xf32, #tpu.memory_space<vmem>>[vector<16xi32>, vector<16xi32>], vector<16xf32>,
      tpu.vector_store_idx %arg12[%iota3A, %broadcast_in_dim3A_855], %gather3A_867 : memref<16x640xf32, #tpu.memory_space<vmem>>[vector<16xi32>, vector<16xi32>], vector<16xf32>,
    }
    %scan3A_431 = arith.constant 128 : i32
    %dma_start3A_432 = arith.constant 2 : i32
    %dma_start3A_433 = arith.constant 0 : i32
    %dma_start3A_434 = arith.constant 0 : i32
    %dma_start3A_435 = arith.constant 0 : i32
    %dma_start3A_436 = tpu.memref_slice %arg9[%dma_start3A_433, %dma_start3A_434, %dma_start3A_435] : memref<2x128x128xf32, #tpu.memory_space<vmem>> -> memref<1x128x128xf32, #tpu.memory_space<vmem>>
    %dma_start3A_437 = tpu.memref_squeeze %dma_start3A_436 : memref<1x128x128xf32, #tpu.memory_space<vmem>> -> memref<128x128xf32, #tpu.memory_space<vmem>>
    %dma_start3A_438 = arith.constant 0 : i32
    %dma_start3A_439 = tpu.memref_slice %arg8[%dma_start3A_432, %dma_start3A_438] : memref<5x128xi32, #tpu.memory_space<vmem>> -> memref<1x128xi32, #tpu.memory_space<vmem>>
    %dma_start3A_440 = tpu.memref_squeeze %dma_start3A_439 : memref<1x128xi32, #tpu.memory_space<vmem>> -> memref<128xi32, #tpu.memory_space<vmem>>
    %dma_start3A_441 = arith.constant 0 : i32
    %dma_start3A_442 = arith.constant 0 : i32
    %dma_start3A_443 = tpu.memref_slice %arg3[%dma_start3A_441, %dma_start3A_442] : memref<125000x128xf32, #tpu.memory_space<hbm>> -> memref<125000x128xf32, #tpu.memory_space<hbm>>
    tpu.enqueue_indirect_dma source(%dma_start3A_443 : memref<125000x128xf32, #tpu.memory_space<hbm>>) target(%dma_start3A_437 : memref<128x128xf32, #tpu.memory_space<vmem>>) offsets(%dma_start3A_440 : memref<128xi32, #tpu.memory_space<vmem>>) semaphore(%arg13 : memref<!tpu.dma_semaphore, #tpu.memory_space<semaphore_mem>>)
    %dma_start3A_444 = arith.constant 2 : i32
    %dma_start3A_445 = arith.constant 0 : i32
    %dma_start3A_446 = arith.constant 0 : i32
    %dma_start3A_447 = arith.constant 0 : i32
    %dma_start3A_448 = tpu.memref_slice %arg10[%dma_start3A_445, %dma_start3A_446, %dma_start3A_447] : memref<2x128x128xf32, #tpu.memory_space<vmem>> -> memref<1x128x128xf32, #tpu.memory_space<vmem>>
    %dma_start3A_449 = tpu.memref_squeeze %dma_start3A_448 : memref<1x128x128xf32, #tpu.memory_space<vmem>> -> memref<128x128xf32, #tpu.memory_space<vmem>>
    %dma_start3A_450 = arith.constant 0 : i32
    %dma_start3A_451 = tpu.memref_slice %arg8[%dma_start3A_444, %dma_start3A_450] : memref<5x128xi32, #tpu.memory_space<vmem>> -> memref<1x128xi32, #tpu.memory_space<vmem>>
    %dma_start3A_452 = tpu.memref_squeeze %dma_start3A_451 : memref<1x128xi32, #tpu.memory_space<vmem>> -> memref<128xi32, #tpu.memory_space<vmem>>
    %dma_start3A_453 = arith.constant 0 : i32
    %dma_start3A_454 = arith.constant 0 : i32
    %dma_start3A_455 = tpu.memref_slice %arg4[%dma_start3A_453, %dma_start3A_454] : memref<125000x128xf32, #tpu.memory_space<hbm>> -> memref<125000x128xf32, #tpu.memory_space<hbm>>
    tpu.enqueue_indirect_dma source(%dma_start3A_455 : memref<125000x128xf32, #tpu.memory_space<hbm>>) target(%dma_start3A_449 : memref<128x128xf32, #tpu.memory_space<vmem>>) offsets(%dma_start3A_452 : memref<128xi32, #tpu.memory_space<vmem>>) semaphore(%arg13 : memref<!tpu.dma_semaphore, #tpu.memory_space<semaphore_mem>>)
    %dma_wait3A_456 = arith.constant 1 : i32
    %dma_wait3A_457 = arith.constant 1 : i32
    %dma_wait3A_458 = arith.constant 0 : i32
    %dma_wait3A_459 = arith.constant 0 : i32
    %dma_wait3A_460 = tpu.memref_slice %arg9[%dma_wait3A_457, %dma_wait3A_458, %dma_wait3A_459] : memref<2x128x128xf32, #tpu.memory_space<vmem>> -> memref<1x128x128xf32, #tpu.memory_space<vmem>>
    %dma_wait3A_461 = tpu.memref_squeeze %dma_wait3A_460 : memref<1x128x128xf32, #tpu.memory_space<vmem>> -> memref<128x128xf32, #tpu.memory_space<vmem>>
    %dma_wait3A_462 = arith.constant 0 : i32
    %dma_wait3A_463 = tpu.memref_slice %arg8[%dma_wait3A_456, %dma_wait3A_462] : memref<5x128xi32, #tpu.memory_space<vmem>> -> memref<1x128xi32, #tpu.memory_space<vmem>>
    %dma_wait3A_464 = tpu.memref_squeeze %dma_wait3A_463 : memref<1x128xi32, #tpu.memory_space<vmem>> -> memref<128xi32, #tpu.memory_space<vmem>>
    %dma_wait3A_465 = arith.constant 0 : i32
    %dma_wait3A_466 = arith.constant 0 : i32
    %dma_wait3A_467 = tpu.memref_slice %arg3[%dma_wait3A_465, %dma_wait3A_466] : memref<125000x128xf32, #tpu.memory_space<hbm>> -> memref<125000x128xf32, #tpu.memory_space<hbm>>
    tpu.wait_indirect_dma semaphore(%arg13 : memref<!tpu.dma_semaphore, #tpu.memory_space<semaphore_mem>>) src(%dma_wait3A_467 : memref<125000x128xf32, #tpu.memory_space<hbm>>) dst(%dma_wait3A_461 : memref<128x128xf32, #tpu.memory_space<vmem>>)
    %dma_wait3A_468 = arith.constant 1 : i32
    %dma_wait3A_469 = arith.constant 1 : i32
    %dma_wait3A_470 = arith.constant 0 : i32
    %dma_wait3A_471 = arith.constant 0 : i32
    %dma_wait3A_472 = tpu.memref_slice %arg10[%dma_wait3A_469, %dma_wait3A_470, %dma_wait3A_471] : memref<2x128x128xf32, #tpu.memory_space<vmem>> -> memref<1x128x128xf32, #tpu.memory_space<vmem>>
    %dma_wait3A_473 = tpu.memref_squeeze %dma_wait3A_472 : memref<1x128x128xf32, #tpu.memory_space<vmem>> -> memref<128x128xf32, #tpu.memory_space<vmem>>
    %dma_wait3A_474 = arith.constant 0 : i32
    %dma_wait3A_475 = tpu.memref_slice %arg8[%dma_wait3A_468, %dma_wait3A_474] : memref<5x128xi32, #tpu.memory_space<vmem>> -> memref<1x128xi32, #tpu.memory_space<vmem>>
    %dma_wait3A_476 = tpu.memref_squeeze %dma_wait3A_475 : memref<1x128xi32, #tpu.memory_space<vmem>> -> memref<128xi32, #tpu.memory_space<vmem>>
    %dma_wait3A_477 = arith.constant 0 : i32
    %dma_wait3A_478 = arith.constant 0 : i32
    %dma_wait3A_479 = tpu.memref_slice %arg4[%dma_wait3A_477, %dma_wait3A_478] : memref<125000x128xf32, #tpu.memory_space<hbm>> -> memref<125000x128xf32, #tpu.memory_space<hbm>>
    tpu.wait_indirect_dma semaphore(%arg13 : memref<!tpu.dma_semaphore, #tpu.memory_space<semaphore_mem>>) src(%dma_wait3A_479 : memref<125000x128xf32, #tpu.memory_space<hbm>>) dst(%dma_wait3A_473 : memref<128x128xf32, #tpu.memory_space<vmem>>)
    %scan3A_480 = arith.constant 0 : i32
    %scan3A_481 = arith.constant 128 : i32
    %scan3A_482 = arith.addi %scan3A_480, %scan3A_481 : i32
    %scan3A_483 = arith.constant 8 : i32
    scf.for %scan3A_624 = %scan3A_480 to %scan3A_482 step %scan3A_483  : i32 {
      %mul3A_625 = arith.constant 1 : i32
      %mul3A_626 = arith.muli %scan3A_624, %mul3A_625 : i32
      %add3A_627 = arith.constant 0 : i32
      %add3A_628 = arith.addi %add3A_627, %mul3A_626 : i32
      %add3A_629 = arith.constant 128 : i32
      %add3A_630 = arith.addi %add3A_629, %add3A_628 : i32
      %broadcast_in_dim3A = vector.broadcast %add3A_630 : i32 to vector<16xi32>
      %gather3A = tpu.vector_load_idx %arg7[%broadcast_in_dim3A] : memref<640xi32, #tpu.memory_space<vmem>>[vector<16xi32>], vector<16xi32>,
      %and3A = arith.constant 7 : i32
      %and3A_631 = vector.broadcast %and3A : i32 to vector<16xi32>
      %and3A_632 = arith.andi %gather3A, %and3A_631 : vector<16xi32>
      %mul3A_633 = arith.constant 16 : i32
      %mul3A_634 = vector.broadcast %mul3A_633 : i32 to vector<16xi32>
      %mul3A_635 = arith.muli %and3A_632, %mul3A_634 : vector<16xi32>
      %add3A_636 = arith.addi %mul3A_635, %iota3A : vector<16xi32>
      %broadcast_in_dim3A_637 = vector.broadcast %add3A_628 : i32 to vector<16xi32>
      %broadcast_in_dim3A_638 = vector.broadcast %add3A_630 : i32 to vector<16xi32>
      %gather3A_639 = arith.constant 1 : i32
      %gather3A_640 = arith.constant 0 : i32
      %gather3A_641 = arith.constant 0 : i32
      %gather3A_642 = tpu.memref_slice %arg9[%gather3A_639, %gather3A_640, %gather3A_641] : memref<2x128x128xf32, #tpu.memory_space<vmem>> -> memref<1x128x128xf32, #tpu.memory_space<vmem>>
      %gather3A_643 = tpu.memref_squeeze %gather3A_642 : memref<1x128x128xf32, #tpu.memory_space<vmem>> -> memref<128x128xf32, #tpu.memory_space<vmem>>
      %gather3A_644 = tpu.vector_load_idx %gather3A_643[%broadcast_in_dim3A_637, %add3A_636] : memref<128x128xf32, #tpu.memory_space<vmem>>[vector<16xi32>, vector<16xi32>], vector<16xf32>,
      tpu.vector_store_idx %arg11[%iota3A, %broadcast_in_dim3A_638], %gather3A_644 : memref<16x640xf32, #tpu.memory_space<vmem>>[vector<16xi32>, vector<16xi32>], vector<16xf32>,
      %gather3A_645 = arith.constant 1 : i32
      %gather3A_646 = arith.constant 0 : i32
      %gather3A_647 = arith.constant 0 : i32
      %gather3A_648 = tpu.memref_slice %arg10[%gather3A_645, %gather3A_646, %gather3A_647] : memref<2x128x128xf32, #tpu.memory_space<vmem>> -> memref<1x128x128xf32, #tpu.memory_space<vmem>>
      %gather3A_649 = tpu.memref_squeeze %gather3A_648 : memref<1x128x128xf32, #tpu.memory_space<vmem>> -> memref<128x128xf32, #tpu.memory_space<vmem>>
      %gather3A_650 = tpu.vector_load_idx %gather3A_649[%broadcast_in_dim3A_637, %add3A_636] : memref<128x128xf32, #tpu.memory_space<vmem>>[vector<16xi32>, vector<16xi32>], vector<16xf32>,
      tpu.vector_store_idx %arg12[%iota3A, %broadcast_in_dim3A_638], %gather3A_650 : memref<16x640xf32, #tpu.memory_space<vmem>>[vector<16xi32>, vector<16xi32>], vector<16xf32>,
      %scan3A_651 = arith.constant 1 : i32
      %scan3A_652 = arith.addi %scan3A_624, %scan3A_651 : i32
      %mul3A_653 = arith.constant 1 : i32
      %mul3A_654 = arith.muli %scan3A_652, %mul3A_653 : i32
      %add3A_655 = arith.constant 0 : i32
      %add3A_656 = arith.addi %add3A_655, %mul3A_654 : i32
      %add3A_657 = arith.constant 128 : i32
      %add3A_658 = arith.addi %add3A_657, %add3A_656 : i32
      %broadcast_in_dim3A_659 = vector.broadcast %add3A_658 : i32 to vector<16xi32>
      %gather3A_660 = tpu.vector_load_idx %arg7[%broadcast_in_dim3A_659] : memref<640xi32, #tpu.memory_space<vmem>>[vector<16xi32>], vector<16xi32>,
      %and3A_661 = arith.constant 7 : i32
      %and3A_662 = vector.broadcast %and3A_661 : i32 to vector<16xi32>
      %and3A_663 = arith.andi %gather3A_660, %and3A_662 : vector<16xi32>
      %mul3A_664 = arith.constant 16 : i32
      %mul3A_665 = vector.broadcast %mul3A_664 : i32 to vector<16xi32>
      %mul3A_666 = arith.muli %and3A_663, %mul3A_665 : vector<16xi32>
      %add3A_667 = arith.addi %mul3A_666, %iota3A : vector<16xi32>
      %broadcast_in_dim3A_668 = vector.broadcast %add3A_656 : i32 to vector<16xi32>
      %broadcast_in_dim3A_669 = vector.broadcast %add3A_658 : i32 to vector<16xi32>
      %gather3A_670 = arith.constant 1 : i32
      %gather3A_671 = arith.constant 0 : i32
      %gather3A_672 = arith.constant 0 : i32
      %gather3A_673 = tpu.memref_slice %arg9[%gather3A_670, %gather3A_671, %gather3A_672] : memref<2x128x128xf32, #tpu.memory_space<vmem>> -> memref<1x128x128xf32, #tpu.memory_space<vmem>>
      %gather3A_674 = tpu.memref_squeeze %gather3A_673 : memref<1x128x128xf32, #tpu.memory_space<vmem>> -> memref<128x128xf32, #tpu.memory_space<vmem>>
      %gather3A_675 = tpu.vector_load_idx %gather3A_674[%broadcast_in_dim3A_668, %add3A_667] : memref<128x128xf32, #tpu.memory_space<vmem>>[vector<16xi32>, vector<16xi32>], vector<16xf32>,
      tpu.vector_store_idx %arg11[%iota3A, %broadcast_in_dim3A_669], %gather3A_675 : memref<16x640xf32, #tpu.memory_space<vmem>>[vector<16xi32>, vector<16xi32>], vector<16xf32>,
      %gather3A_676 = arith.constant 1 : i32
      %gather3A_677 = arith.constant 0 : i32
      %gather3A_678 = arith.constant 0 : i32
      %gather3A_679 = tpu.memref_slice %arg10[%gather3A_676, %gather3A_677, %gather3A_678] : memref<2x128x128xf32, #tpu.memory_space<vmem>> -> memref<1x128x128xf32, #tpu.memory_space<vmem>>
      %gather3A_680 = tpu.memref_squeeze %gather3A_679 : memref<1x128x128xf32, #tpu.memory_space<vmem>> -> memref<128x128xf32, #tpu.memory_space<vmem>>
      %gather3A_681 = tpu.vector_load_idx %gather3A_680[%broadcast_in_dim3A_668, %add3A_667] : memref<128x128xf32, #tpu.memory_space<vmem>>[vector<16xi32>, vector<16xi32>], vector<16xf32>,
      tpu.vector_store_idx %arg12[%iota3A, %broadcast_in_dim3A_669], %gather3A_681 : memref<16x640xf32, #tpu.memory_space<vmem>>[vector<16xi32>, vector<16xi32>], vector<16xf32>,
      %scan3A_682 = arith.constant 2 : i32
      %scan3A_683 = arith.addi %scan3A_624, %scan3A_682 : i32
      %mul3A_684 = arith.constant 1 : i32
      %mul3A_685 = arith.muli %scan3A_683, %mul3A_684 : i32
      %add3A_686 = arith.constant 0 : i32
      %add3A_687 = arith.addi %add3A_686, %mul3A_685 : i32
      %add3A_688 = arith.constant 128 : i32
      %add3A_689 = arith.addi %add3A_688, %add3A_687 : i32
      %broadcast_in_dim3A_690 = vector.broadcast %add3A_689 : i32 to vector<16xi32>
      %gather3A_691 = tpu.vector_load_idx %arg7[%broadcast_in_dim3A_690] : memref<640xi32, #tpu.memory_space<vmem>>[vector<16xi32>], vector<16xi32>,
      %and3A_692 = arith.constant 7 : i32
      %and3A_693 = vector.broadcast %and3A_692 : i32 to vector<16xi32>
      %and3A_694 = arith.andi %gather3A_691, %and3A_693 : vector<16xi32>
      %mul3A_695 = arith.constant 16 : i32
      %mul3A_696 = vector.broadcast %mul3A_695 : i32 to vector<16xi32>
      %mul3A_697 = arith.muli %and3A_694, %mul3A_696 : vector<16xi32>
      %add3A_698 = arith.addi %mul3A_697, %iota3A : vector<16xi32>
      %broadcast_in_dim3A_699 = vector.broadcast %add3A_687 : i32 to vector<16xi32>
      %broadcast_in_dim3A_700 = vector.broadcast %add3A_689 : i32 to vector<16xi32>
      %gather3A_701 = arith.constant 1 : i32
      %gather3A_702 = arith.constant 0 : i32
      %gather3A_703 = arith.constant 0 : i32
      %gather3A_704 = tpu.memref_slice %arg9[%gather3A_701, %gather3A_702, %gather3A_703] : memref<2x128x128xf32, #tpu.memory_space<vmem>> -> memref<1x128x128xf32, #tpu.memory_space<vmem>>
      %gather3A_705 = tpu.memref_squeeze %gather3A_704 : memref<1x128x128xf32, #tpu.memory_space<vmem>> -> memref<128x128xf32, #tpu.memory_space<vmem>>
      %gather3A_706 = tpu.vector_load_idx %gather3A_705[%broadcast_in_dim3A_699, %add3A_698] : memref<128x128xf32, #tpu.memory_space<vmem>>[vector<16xi32>, vector<16xi32>], vector<16xf32>,
      tpu.vector_store_idx %arg11[%iota3A, %broadcast_in_dim3A_700], %gather3A_706 : memref<16x640xf32, #tpu.memory_space<vmem>>[vector<16xi32>, vector<16xi32>], vector<16xf32>,
      %gather3A_707 = arith.constant 1 : i32
      %gather3A_708 = arith.constant 0 : i32
      %gather3A_709 = arith.constant 0 : i32
      %gather3A_710 = tpu.memref_slice %arg10[%gather3A_707, %gather3A_708, %gather3A_709] : memref<2x128x128xf32, #tpu.memory_space<vmem>> -> memref<1x128x128xf32, #tpu.memory_space<vmem>>
      %gather3A_711 = tpu.memref_squeeze %gather3A_710 : memref<1x128x128xf32, #tpu.memory_space<vmem>> -> memref<128x128xf32, #tpu.memory_space<vmem>>
      %gather3A_712 = tpu.vector_load_idx %gather3A_711[%broadcast_in_dim3A_699, %add3A_698] : memref<128x128xf32, #tpu.memory_space<vmem>>[vector<16xi32>, vector<16xi32>], vector<16xf32>,
      tpu.vector_store_idx %arg12[%iota3A, %broadcast_in_dim3A_700], %gather3A_712 : memref<16x640xf32, #tpu.memory_space<vmem>>[vector<16xi32>, vector<16xi32>], vector<16xf32>,
      %scan3A_713 = arith.constant 3 : i32
      %scan3A_714 = arith.addi %scan3A_624, %scan3A_713 : i32
      %mul3A_715 = arith.constant 1 : i32
      %mul3A_716 = arith.muli %scan3A_714, %mul3A_715 : i32
      %add3A_717 = arith.constant 0 : i32
      %add3A_718 = arith.addi %add3A_717, %mul3A_716 : i32
      %add3A_719 = arith.constant 128 : i32
      %add3A_720 = arith.addi %add3A_719, %add3A_718 : i32
      %broadcast_in_dim3A_721 = vector.broadcast %add3A_720 : i32 to vector<16xi32>
      %gather3A_722 = tpu.vector_load_idx %arg7[%broadcast_in_dim3A_721] : memref<640xi32, #tpu.memory_space<vmem>>[vector<16xi32>], vector<16xi32>,
      %and3A_723 = arith.constant 7 : i32
      %and3A_724 = vector.broadcast %and3A_723 : i32 to vector<16xi32>
      %and3A_725 = arith.andi %gather3A_722, %and3A_724 : vector<16xi32>
      %mul3A_726 = arith.constant 16 : i32
      %mul3A_727 = vector.broadcast %mul3A_726 : i32 to vector<16xi32>
      %mul3A_728 = arith.muli %and3A_725, %mul3A_727 : vector<16xi32>
      %add3A_729 = arith.addi %mul3A_728, %iota3A : vector<16xi32>
      %broadcast_in_dim3A_730 = vector.broadcast %add3A_718 : i32 to vector<16xi32>
      %broadcast_in_dim3A_731 = vector.broadcast %add3A_720 : i32 to vector<16xi32>
      %gather3A_732 = arith.constant 1 : i32
      %gather3A_733 = arith.constant 0 : i32
      %gather3A_734 = arith.constant 0 : i32
      %gather3A_735 = tpu.memref_slice %arg9[%gather3A_732, %gather3A_733, %gather3A_734] : memref<2x128x128xf32, #tpu.memory_space<vmem>> -> memref<1x128x128xf32, #tpu.memory_space<vmem>>
      %gather3A_736 = tpu.memref_squeeze %gather3A_735 : memref<1x128x128xf32, #tpu.memory_space<vmem>> -> memref<128x128xf32, #tpu.memory_space<vmem>>
      %gather3A_737 = tpu.vector_load_idx %gather3A_736[%broadcast_in_dim3A_730, %add3A_729] : memref<128x128xf32, #tpu.memory_space<vmem>>[vector<16xi32>, vector<16xi32>], vector<16xf32>,
      tpu.vector_store_idx %arg11[%iota3A, %broadcast_in_dim3A_731], %gather3A_737 : memref<16x640xf32, #tpu.memory_space<vmem>>[vector<16xi32>, vector<16xi32>], vector<16xf32>,
      %gather3A_738 = arith.constant 1 : i32
      %gather3A_739 = arith.constant 0 : i32
      %gather3A_740 = arith.constant 0 : i32
      %gather3A_741 = tpu.memref_slice %arg10[%gather3A_738, %gather3A_739, %gather3A_740] : memref<2x128x128xf32, #tpu.memory_space<vmem>> -> memref<1x128x128xf32, #tpu.memory_space<vmem>>
      %gather3A_742 = tpu.memref_squeeze %gather3A_741 : memref<1x128x128xf32, #tpu.memory_space<vmem>> -> memref<128x128xf32, #tpu.memory_space<vmem>>
      %gather3A_743 = tpu.vector_load_idx %gather3A_742[%broadcast_in_dim3A_730, %add3A_729] : memref<128x128xf32, #tpu.memory_space<vmem>>[vector<16xi32>, vector<16xi32>], vector<16xf32>,
      tpu.vector_store_idx %arg12[%iota3A, %broadcast_in_dim3A_731], %gather3A_743 : memref<16x640xf32, #tpu.memory_space<vmem>>[vector<16xi32>, vector<16xi32>], vector<16xf32>,
      %scan3A_744 = arith.constant 4 : i32
      %scan3A_745 = arith.addi %scan3A_624, %scan3A_744 : i32
      %mul3A_746 = arith.constant 1 : i32
      %mul3A_747 = arith.muli %scan3A_745, %mul3A_746 : i32
      %add3A_748 = arith.constant 0 : i32
      %add3A_749 = arith.addi %add3A_748, %mul3A_747 : i32
      %add3A_750 = arith.constant 128 : i32
      %add3A_751 = arith.addi %add3A_750, %add3A_749 : i32
      %broadcast_in_dim3A_752 = vector.broadcast %add3A_751 : i32 to vector<16xi32>
      %gather3A_753 = tpu.vector_load_idx %arg7[%broadcast_in_dim3A_752] : memref<640xi32, #tpu.memory_space<vmem>>[vector<16xi32>], vector<16xi32>,
      %and3A_754 = arith.constant 7 : i32
      %and3A_755 = vector.broadcast %and3A_754 : i32 to vector<16xi32>
      %and3A_756 = arith.andi %gather3A_753, %and3A_755 : vector<16xi32>
      %mul3A_757 = arith.constant 16 : i32
      %mul3A_758 = vector.broadcast %mul3A_757 : i32 to vector<16xi32>
      %mul3A_759 = arith.muli %and3A_756, %mul3A_758 : vector<16xi32>
      %add3A_760 = arith.addi %mul3A_759, %iota3A : vector<16xi32>
      %broadcast_in_dim3A_761 = vector.broadcast %add3A_749 : i32 to vector<16xi32>
      %broadcast_in_dim3A_762 = vector.broadcast %add3A_751 : i32 to vector<16xi32>
      %gather3A_763 = arith.constant 1 : i32
      %gather3A_764 = arith.constant 0 : i32
      %gather3A_765 = arith.constant 0 : i32
      %gather3A_766 = tpu.memref_slice %arg9[%gather3A_763, %gather3A_764, %gather3A_765] : memref<2x128x128xf32, #tpu.memory_space<vmem>> -> memref<1x128x128xf32, #tpu.memory_space<vmem>>
      %gather3A_767 = tpu.memref_squeeze %gather3A_766 : memref<1x128x128xf32, #tpu.memory_space<vmem>> -> memref<128x128xf32, #tpu.memory_space<vmem>>
      %gather3A_768 = tpu.vector_load_idx %gather3A_767[%broadcast_in_dim3A_761, %add3A_760] : memref<128x128xf32, #tpu.memory_space<vmem>>[vector<16xi32>, vector<16xi32>], vector<16xf32>,
      tpu.vector_store_idx %arg11[%iota3A, %broadcast_in_dim3A_762], %gather3A_768 : memref<16x640xf32, #tpu.memory_space<vmem>>[vector<16xi32>, vector<16xi32>], vector<16xf32>,
      %gather3A_769 = arith.constant 1 : i32
      %gather3A_770 = arith.constant 0 : i32
      %gather3A_771 = arith.constant 0 : i32
      %gather3A_772 = tpu.memref_slice %arg10[%gather3A_769, %gather3A_770, %gather3A_771] : memref<2x128x128xf32, #tpu.memory_space<vmem>> -> memref<1x128x128xf32, #tpu.memory_space<vmem>>
      %gather3A_773 = tpu.memref_squeeze %gather3A_772 : memref<1x128x128xf32, #tpu.memory_space<vmem>> -> memref<128x128xf32, #tpu.memory_space<vmem>>
      %gather3A_774 = tpu.vector_load_idx %gather3A_773[%broadcast_in_dim3A_761, %add3A_760] : memref<128x128xf32, #tpu.memory_space<vmem>>[vector<16xi32>, vector<16xi32>], vector<16xf32>,
      tpu.vector_store_idx %arg12[%iota3A, %broadcast_in_dim3A_762], %gather3A_774 : memref<16x640xf32, #tpu.memory_space<vmem>>[vector<16xi32>, vector<16xi32>], vector<16xf32>,
      %scan3A_775 = arith.constant 5 : i32
      %scan3A_776 = arith.addi %scan3A_624, %scan3A_775 : i32
      %mul3A_777 = arith.constant 1 : i32
      %mul3A_778 = arith.muli %scan3A_776, %mul3A_777 : i32
      %add3A_779 = arith.constant 0 : i32
      %add3A_780 = arith.addi %add3A_779, %mul3A_778 : i32
      %add3A_781 = arith.constant 128 : i32
      %add3A_782 = arith.addi %add3A_781, %add3A_780 : i32
      %broadcast_in_dim3A_783 = vector.broadcast %add3A_782 : i32 to vector<16xi32>
      %gather3A_784 = tpu.vector_load_idx %arg7[%broadcast_in_dim3A_783] : memref<640xi32, #tpu.memory_space<vmem>>[vector<16xi32>], vector<16xi32>,
      %and3A_785 = arith.constant 7 : i32
      %and3A_786 = vector.broadcast %and3A_785 : i32 to vector<16xi32>
      %and3A_787 = arith.andi %gather3A_784, %and3A_786 : vector<16xi32>
      %mul3A_788 = arith.constant 16 : i32
      %mul3A_789 = vector.broadcast %mul3A_788 : i32 to vector<16xi32>
      %mul3A_790 = arith.muli %and3A_787, %mul3A_789 : vector<16xi32>
      %add3A_791 = arith.addi %mul3A_790, %iota3A : vector<16xi32>
      %broadcast_in_dim3A_792 = vector.broadcast %add3A_780 : i32 to vector<16xi32>
      %broadcast_in_dim3A_793 = vector.broadcast %add3A_782 : i32 to vector<16xi32>
      %gather3A_794 = arith.constant 1 : i32
      %gather3A_795 = arith.constant 0 : i32
      %gather3A_796 = arith.constant 0 : i32
      %gather3A_797 = tpu.memref_slice %arg9[%gather3A_794, %gather3A_795, %gather3A_796] : memref<2x128x128xf32, #tpu.memory_space<vmem>> -> memref<1x128x128xf32, #tpu.memory_space<vmem>>
      %gather3A_798 = tpu.memref_squeeze %gather3A_797 : memref<1x128x128xf32, #tpu.memory_space<vmem>> -> memref<128x128xf32, #tpu.memory_space<vmem>>
      %gather3A_799 = tpu.vector_load_idx %gather3A_798[%broadcast_in_dim3A_792, %add3A_791] : memref<128x128xf32, #tpu.memory_space<vmem>>[vector<16xi32>, vector<16xi32>], vector<16xf32>,
      tpu.vector_store_idx %arg11[%iota3A, %broadcast_in_dim3A_793], %gather3A_799 : memref<16x640xf32, #tpu.memory_space<vmem>>[vector<16xi32>, vector<16xi32>], vector<16xf32>,
      %gather3A_800 = arith.constant 1 : i32
      %gather3A_801 = arith.constant 0 : i32
      %gather3A_802 = arith.constant 0 : i32
      %gather3A_803 = tpu.memref_slice %arg10[%gather3A_800, %gather3A_801, %gather3A_802] : memref<2x128x128xf32, #tpu.memory_space<vmem>> -> memref<1x128x128xf32, #tpu.memory_space<vmem>>
      %gather3A_804 = tpu.memref_squeeze %gather3A_803 : memref<1x128x128xf32, #tpu.memory_space<vmem>> -> memref<128x128xf32, #tpu.memory_space<vmem>>
      %gather3A_805 = tpu.vector_load_idx %gather3A_804[%broadcast_in_dim3A_792, %add3A_791] : memref<128x128xf32, #tpu.memory_space<vmem>>[vector<16xi32>, vector<16xi32>], vector<16xf32>,
      tpu.vector_store_idx %arg12[%iota3A, %broadcast_in_dim3A_793], %gather3A_805 : memref<16x640xf32, #tpu.memory_space<vmem>>[vector<16xi32>, vector<16xi32>], vector<16xf32>,
      %scan3A_806 = arith.constant 6 : i32
      %scan3A_807 = arith.addi %scan3A_624, %scan3A_806 : i32
      %mul3A_808 = arith.constant 1 : i32
      %mul3A_809 = arith.muli %scan3A_807, %mul3A_808 : i32
      %add3A_810 = arith.constant 0 : i32
      %add3A_811 = arith.addi %add3A_810, %mul3A_809 : i32
      %add3A_812 = arith.constant 128 : i32
      %add3A_813 = arith.addi %add3A_812, %add3A_811 : i32
      %broadcast_in_dim3A_814 = vector.broadcast %add3A_813 : i32 to vector<16xi32>
      %gather3A_815 = tpu.vector_load_idx %arg7[%broadcast_in_dim3A_814] : memref<640xi32, #tpu.memory_space<vmem>>[vector<16xi32>], vector<16xi32>,
      %and3A_816 = arith.constant 7 : i32
      %and3A_817 = vector.broadcast %and3A_816 : i32 to vector<16xi32>
      %and3A_818 = arith.andi %gather3A_815, %and3A_817 : vector<16xi32>
      %mul3A_819 = arith.constant 16 : i32
      %mul3A_820 = vector.broadcast %mul3A_819 : i32 to vector<16xi32>
      %mul3A_821 = arith.muli %and3A_818, %mul3A_820 : vector<16xi32>
      %add3A_822 = arith.addi %mul3A_821, %iota3A : vector<16xi32>
      %broadcast_in_dim3A_823 = vector.broadcast %add3A_811 : i32 to vector<16xi32>
      %broadcast_in_dim3A_824 = vector.broadcast %add3A_813 : i32 to vector<16xi32>
      %gather3A_825 = arith.constant 1 : i32
      %gather3A_826 = arith.constant 0 : i32
      %gather3A_827 = arith.constant 0 : i32
      %gather3A_828 = tpu.memref_slice %arg9[%gather3A_825, %gather3A_826, %gather3A_827] : memref<2x128x128xf32, #tpu.memory_space<vmem>> -> memref<1x128x128xf32, #tpu.memory_space<vmem>>
      %gather3A_829 = tpu.memref_squeeze %gather3A_828 : memref<1x128x128xf32, #tpu.memory_space<vmem>> -> memref<128x128xf32, #tpu.memory_space<vmem>>
      %gather3A_830 = tpu.vector_load_idx %gather3A_829[%broadcast_in_dim3A_823, %add3A_822] : memref<128x128xf32, #tpu.memory_space<vmem>>[vector<16xi32>, vector<16xi32>], vector<16xf32>,
      tpu.vector_store_idx %arg11[%iota3A, %broadcast_in_dim3A_824], %gather3A_830 : memref<16x640xf32, #tpu.memory_space<vmem>>[vector<16xi32>, vector<16xi32>], vector<16xf32>,
      %gather3A_831 = arith.constant 1 : i32
      %gather3A_832 = arith.constant 0 : i32
      %gather3A_833 = arith.constant 0 : i32
      %gather3A_834 = tpu.memref_slice %arg10[%gather3A_831, %gather3A_832, %gather3A_833] : memref<2x128x128xf32, #tpu.memory_space<vmem>> -> memref<1x128x128xf32, #tpu.memory_space<vmem>>
      %gather3A_835 = tpu.memref_squeeze %gather3A_834 : memref<1x128x128xf32, #tpu.memory_space<vmem>> -> memref<128x128xf32, #tpu.memory_space<vmem>>
      %gather3A_836 = tpu.vector_load_idx %gather3A_835[%broadcast_in_dim3A_823, %add3A_822] : memref<128x128xf32, #tpu.memory_space<vmem>>[vector<16xi32>, vector<16xi32>], vector<16xf32>,
      tpu.vector_store_idx %arg12[%iota3A, %broadcast_in_dim3A_824], %gather3A_836 : memref<16x640xf32, #tpu.memory_space<vmem>>[vector<16xi32>, vector<16xi32>], vector<16xf32>,
      %scan3A_837 = arith.constant 7 : i32
      %scan3A_838 = arith.addi %scan3A_624, %scan3A_837 : i32
      %mul3A_839 = arith.constant 1 : i32
      %mul3A_840 = arith.muli %scan3A_838, %mul3A_839 : i32
      %add3A_841 = arith.constant 0 : i32
      %add3A_842 = arith.addi %add3A_841, %mul3A_840 : i32
      %add3A_843 = arith.constant 128 : i32
      %add3A_844 = arith.addi %add3A_843, %add3A_842 : i32
      %broadcast_in_dim3A_845 = vector.broadcast %add3A_844 : i32 to vector<16xi32>
      %gather3A_846 = tpu.vector_load_idx %arg7[%broadcast_in_dim3A_845] : memref<640xi32, #tpu.memory_space<vmem>>[vector<16xi32>], vector<16xi32>,
      %and3A_847 = arith.constant 7 : i32
      %and3A_848 = vector.broadcast %and3A_847 : i32 to vector<16xi32>
      %and3A_849 = arith.andi %gather3A_846, %and3A_848 : vector<16xi32>
      %mul3A_850 = arith.constant 16 : i32
      %mul3A_851 = vector.broadcast %mul3A_850 : i32 to vector<16xi32>
      %mul3A_852 = arith.muli %and3A_849, %mul3A_851 : vector<16xi32>
      %add3A_853 = arith.addi %mul3A_852, %iota3A : vector<16xi32>
      %broadcast_in_dim3A_854 = vector.broadcast %add3A_842 : i32 to vector<16xi32>
      %broadcast_in_dim3A_855 = vector.broadcast %add3A_844 : i32 to vector<16xi32>
      %gather3A_856 = arith.constant 1 : i32
      %gather3A_857 = arith.constant 0 : i32
      %gather3A_858 = arith.constant 0 : i32
      %gather3A_859 = tpu.memref_slice %arg9[%gather3A_856, %gather3A_857, %gather3A_858] : memref<2x128x128xf32, #tpu.memory_space<vmem>> -> memref<1x128x128xf32, #tpu.memory_space<vmem>>
      %gather3A_860 = tpu.memref_squeeze %gather3A_859 : memref<1x128x128xf32, #tpu.memory_space<vmem>> -> memref<128x128xf32, #tpu.memory_space<vmem>>
      %gather3A_861 = tpu.vector_load_idx %gather3A_860[%broadcast_in_dim3A_854, %add3A_853] : memref<128x128xf32, #tpu.memory_space<vmem>>[vector<16xi32>, vector<16xi32>], vector<16xf32>,
      tpu.vector_store_idx %arg11[%iota3A, %broadcast_in_dim3A_855], %gather3A_861 : memref<16x640xf32, #tpu.memory_space<vmem>>[vector<16xi32>, vector<16xi32>], vector<16xf32>,
      %gather3A_862 = arith.constant 1 : i32
      %gather3A_863 = arith.constant 0 : i32
      %gather3A_864 = arith.constant 0 : i32
      %gather3A_865 = tpu.memref_slice %arg10[%gather3A_862, %gather3A_863, %gather3A_864] : memref<2x128x128xf32, #tpu.memory_space<vmem>> -> memref<1x128x128xf32, #tpu.memory_space<vmem>>
      %gather3A_866 = tpu.memref_squeeze %gather3A_865 : memref<1x128x128xf32, #tpu.memory_space<vmem>> -> memref<128x128xf32, #tpu.memory_space<vmem>>
      %gather3A_867 = tpu.vector_load_idx %gather3A_866[%broadcast_in_dim3A_854, %add3A_853] : memref<128x128xf32, #tpu.memory_space<vmem>>[vector<16xi32>, vector<16xi32>], vector<16xf32>,
      tpu.vector_store_idx %arg12[%iota3A, %broadcast_in_dim3A_855], %gather3A_867 : memref<16x640xf32, #tpu.memory_space<vmem>>[vector<16xi32>, vector<16xi32>], vector<16xf32>,
    }
    %scan3A_484 = arith.constant 128 : i32
    %dma_start3A_485 = arith.constant 3 : i32
    %dma_start3A_486 = arith.constant 1 : i32
    %dma_start3A_487 = arith.constant 0 : i32
    %dma_start3A_488 = arith.constant 0 : i32
    %dma_start3A_489 = tpu.memref_slice %arg9[%dma_start3A_486, %dma_start3A_487, %dma_start3A_488] : memref<2x128x128xf32, #tpu.memory_space<vmem>> -> memref<1x128x128xf32, #tpu.memory_space<vmem>>
    %dma_start3A_490 = tpu.memref_squeeze %dma_start3A_489 : memref<1x128x128xf32, #tpu.memory_space<vmem>> -> memref<128x128xf32, #tpu.memory_space<vmem>>
    %dma_start3A_491 = arith.constant 0 : i32
    %dma_start3A_492 = tpu.memref_slice %arg8[%dma_start3A_485, %dma_start3A_491] : memref<5x128xi32, #tpu.memory_space<vmem>> -> memref<1x128xi32, #tpu.memory_space<vmem>>
    %dma_start3A_493 = tpu.memref_squeeze %dma_start3A_492 : memref<1x128xi32, #tpu.memory_space<vmem>> -> memref<128xi32, #tpu.memory_space<vmem>>
    %dma_start3A_494 = arith.constant 0 : i32
    %dma_start3A_495 = arith.constant 0 : i32
    %dma_start3A_496 = tpu.memref_slice %arg3[%dma_start3A_494, %dma_start3A_495] : memref<125000x128xf32, #tpu.memory_space<hbm>> -> memref<125000x128xf32, #tpu.memory_space<hbm>>
    tpu.enqueue_indirect_dma source(%dma_start3A_496 : memref<125000x128xf32, #tpu.memory_space<hbm>>) target(%dma_start3A_490 : memref<128x128xf32, #tpu.memory_space<vmem>>) offsets(%dma_start3A_493 : memref<128xi32, #tpu.memory_space<vmem>>) semaphore(%arg13 : memref<!tpu.dma_semaphore, #tpu.memory_space<semaphore_mem>>)
    %dma_start3A_497 = arith.constant 3 : i32
    %dma_start3A_498 = arith.constant 1 : i32
    %dma_start3A_499 = arith.constant 0 : i32
    %dma_start3A_500 = arith.constant 0 : i32
    %dma_start3A_501 = tpu.memref_slice %arg10[%dma_start3A_498, %dma_start3A_499, %dma_start3A_500] : memref<2x128x128xf32, #tpu.memory_space<vmem>> -> memref<1x128x128xf32, #tpu.memory_space<vmem>>
    %dma_start3A_502 = tpu.memref_squeeze %dma_start3A_501 : memref<1x128x128xf32, #tpu.memory_space<vmem>> -> memref<128x128xf32, #tpu.memory_space<vmem>>
    %dma_start3A_503 = arith.constant 0 : i32
    %dma_start3A_504 = tpu.memref_slice %arg8[%dma_start3A_497, %dma_start3A_503] : memref<5x128xi32, #tpu.memory_space<vmem>> -> memref<1x128xi32, #tpu.memory_space<vmem>>
    %dma_start3A_505 = tpu.memref_squeeze %dma_start3A_504 : memref<1x128xi32, #tpu.memory_space<vmem>> -> memref<128xi32, #tpu.memory_space<vmem>>
    %dma_start3A_506 = arith.constant 0 : i32
    %dma_start3A_507 = arith.constant 0 : i32
    %dma_start3A_508 = tpu.memref_slice %arg4[%dma_start3A_506, %dma_start3A_507] : memref<125000x128xf32, #tpu.memory_space<hbm>> -> memref<125000x128xf32, #tpu.memory_space<hbm>>
    tpu.enqueue_indirect_dma source(%dma_start3A_508 : memref<125000x128xf32, #tpu.memory_space<hbm>>) target(%dma_start3A_502 : memref<128x128xf32, #tpu.memory_space<vmem>>) offsets(%dma_start3A_505 : memref<128xi32, #tpu.memory_space<vmem>>) semaphore(%arg13 : memref<!tpu.dma_semaphore, #tpu.memory_space<semaphore_mem>>)
    %dma_wait3A_509 = arith.constant 2 : i32
    %dma_wait3A_510 = arith.constant 0 : i32
    %dma_wait3A_511 = arith.constant 0 : i32
    %dma_wait3A_512 = arith.constant 0 : i32
    %dma_wait3A_513 = tpu.memref_slice %arg9[%dma_wait3A_510, %dma_wait3A_511, %dma_wait3A_512] : memref<2x128x128xf32, #tpu.memory_space<vmem>> -> memref<1x128x128xf32, #tpu.memory_space<vmem>>
    %dma_wait3A_514 = tpu.memref_squeeze %dma_wait3A_513 : memref<1x128x128xf32, #tpu.memory_space<vmem>> -> memref<128x128xf32, #tpu.memory_space<vmem>>
    %dma_wait3A_515 = arith.constant 0 : i32
    %dma_wait3A_516 = tpu.memref_slice %arg8[%dma_wait3A_509, %dma_wait3A_515] : memref<5x128xi32, #tpu.memory_space<vmem>> -> memref<1x128xi32, #tpu.memory_space<vmem>>
    %dma_wait3A_517 = tpu.memref_squeeze %dma_wait3A_516 : memref<1x128xi32, #tpu.memory_space<vmem>> -> memref<128xi32, #tpu.memory_space<vmem>>
    %dma_wait3A_518 = arith.constant 0 : i32
    %dma_wait3A_519 = arith.constant 0 : i32
    %dma_wait3A_520 = tpu.memref_slice %arg3[%dma_wait3A_518, %dma_wait3A_519] : memref<125000x128xf32, #tpu.memory_space<hbm>> -> memref<125000x128xf32, #tpu.memory_space<hbm>>
    tpu.wait_indirect_dma semaphore(%arg13 : memref<!tpu.dma_semaphore, #tpu.memory_space<semaphore_mem>>) src(%dma_wait3A_520 : memref<125000x128xf32, #tpu.memory_space<hbm>>) dst(%dma_wait3A_514 : memref<128x128xf32, #tpu.memory_space<vmem>>)
    %dma_wait3A_521 = arith.constant 2 : i32
    %dma_wait3A_522 = arith.constant 0 : i32
    %dma_wait3A_523 = arith.constant 0 : i32
    %dma_wait3A_524 = arith.constant 0 : i32
    %dma_wait3A_525 = tpu.memref_slice %arg10[%dma_wait3A_522, %dma_wait3A_523, %dma_wait3A_524] : memref<2x128x128xf32, #tpu.memory_space<vmem>> -> memref<1x128x128xf32, #tpu.memory_space<vmem>>
    %dma_wait3A_526 = tpu.memref_squeeze %dma_wait3A_525 : memref<1x128x128xf32, #tpu.memory_space<vmem>> -> memref<128x128xf32, #tpu.memory_space<vmem>>
    %dma_wait3A_527 = arith.constant 0 : i32
    %dma_wait3A_528 = tpu.memref_slice %arg8[%dma_wait3A_521, %dma_wait3A_527] : memref<5x128xi32, #tpu.memory_space<vmem>> -> memref<1x128xi32, #tpu.memory_space<vmem>>
    %dma_wait3A_529 = tpu.memref_squeeze %dma_wait3A_528 : memref<1x128xi32, #tpu.memory_space<vmem>> -> memref<128xi32, #tpu.memory_space<vmem>>
    %dma_wait3A_530 = arith.constant 0 : i32
    %dma_wait3A_531 = arith.constant 0 : i32
    %dma_wait3A_532 = tpu.memref_slice %arg4[%dma_wait3A_530, %dma_wait3A_531] : memref<125000x128xf32, #tpu.memory_space<hbm>> -> memref<125000x128xf32, #tpu.memory_space<hbm>>
    tpu.wait_indirect_dma semaphore(%arg13 : memref<!tpu.dma_semaphore, #tpu.memory_space<semaphore_mem>>) src(%dma_wait3A_532 : memref<125000x128xf32, #tpu.memory_space<hbm>>) dst(%dma_wait3A_526 : memref<128x128xf32, #tpu.memory_space<vmem>>)
    %scan3A_533 = arith.constant 0 : i32
    %scan3A_534 = arith.constant 128 : i32
    %scan3A_535 = arith.addi %scan3A_533, %scan3A_534 : i32
    %scan3A_536 = arith.constant 8 : i32
    scf.for %scan3A_624 = %scan3A_533 to %scan3A_535 step %scan3A_536  : i32 {
      %mul3A_625 = arith.constant 1 : i32
      %mul3A_626 = arith.muli %scan3A_624, %mul3A_625 : i32
      %add3A_627 = arith.constant 0 : i32
      %add3A_628 = arith.addi %add3A_627, %mul3A_626 : i32
      %add3A_629 = arith.constant 256 : i32
      %add3A_630 = arith.addi %add3A_629, %add3A_628 : i32
      %broadcast_in_dim3A = vector.broadcast %add3A_630 : i32 to vector<16xi32>
      %gather3A = tpu.vector_load_idx %arg7[%broadcast_in_dim3A] : memref<640xi32, #tpu.memory_space<vmem>>[vector<16xi32>], vector<16xi32>,
      %and3A = arith.constant 7 : i32
      %and3A_631 = vector.broadcast %and3A : i32 to vector<16xi32>
      %and3A_632 = arith.andi %gather3A, %and3A_631 : vector<16xi32>
      %mul3A_633 = arith.constant 16 : i32
      %mul3A_634 = vector.broadcast %mul3A_633 : i32 to vector<16xi32>
      %mul3A_635 = arith.muli %and3A_632, %mul3A_634 : vector<16xi32>
      %add3A_636 = arith.addi %mul3A_635, %iota3A : vector<16xi32>
      %broadcast_in_dim3A_637 = vector.broadcast %add3A_628 : i32 to vector<16xi32>
      %broadcast_in_dim3A_638 = vector.broadcast %add3A_630 : i32 to vector<16xi32>
      %gather3A_639 = arith.constant 0 : i32
      %gather3A_640 = arith.constant 0 : i32
      %gather3A_641 = arith.constant 0 : i32
      %gather3A_642 = tpu.memref_slice %arg9[%gather3A_639, %gather3A_640, %gather3A_641] : memref<2x128x128xf32, #tpu.memory_space<vmem>> -> memref<1x128x128xf32, #tpu.memory_space<vmem>>
      %gather3A_643 = tpu.memref_squeeze %gather3A_642 : memref<1x128x128xf32, #tpu.memory_space<vmem>> -> memref<128x128xf32, #tpu.memory_space<vmem>>
      %gather3A_644 = tpu.vector_load_idx %gather3A_643[%broadcast_in_dim3A_637, %add3A_636] : memref<128x128xf32, #tpu.memory_space<vmem>>[vector<16xi32>, vector<16xi32>], vector<16xf32>,
      tpu.vector_store_idx %arg11[%iota3A, %broadcast_in_dim3A_638], %gather3A_644 : memref<16x640xf32, #tpu.memory_space<vmem>>[vector<16xi32>, vector<16xi32>], vector<16xf32>,
      %gather3A_645 = arith.constant 0 : i32
      %gather3A_646 = arith.constant 0 : i32
      %gather3A_647 = arith.constant 0 : i32
      %gather3A_648 = tpu.memref_slice %arg10[%gather3A_645, %gather3A_646, %gather3A_647] : memref<2x128x128xf32, #tpu.memory_space<vmem>> -> memref<1x128x128xf32, #tpu.memory_space<vmem>>
      %gather3A_649 = tpu.memref_squeeze %gather3A_648 : memref<1x128x128xf32, #tpu.memory_space<vmem>> -> memref<128x128xf32, #tpu.memory_space<vmem>>
      %gather3A_650 = tpu.vector_load_idx %gather3A_649[%broadcast_in_dim3A_637, %add3A_636] : memref<128x128xf32, #tpu.memory_space<vmem>>[vector<16xi32>, vector<16xi32>], vector<16xf32>,
      tpu.vector_store_idx %arg12[%iota3A, %broadcast_in_dim3A_638], %gather3A_650 : memref<16x640xf32, #tpu.memory_space<vmem>>[vector<16xi32>, vector<16xi32>], vector<16xf32>,
      %scan3A_651 = arith.constant 1 : i32
      %scan3A_652 = arith.addi %scan3A_624, %scan3A_651 : i32
      %mul3A_653 = arith.constant 1 : i32
      %mul3A_654 = arith.muli %scan3A_652, %mul3A_653 : i32
      %add3A_655 = arith.constant 0 : i32
      %add3A_656 = arith.addi %add3A_655, %mul3A_654 : i32
      %add3A_657 = arith.constant 256 : i32
      %add3A_658 = arith.addi %add3A_657, %add3A_656 : i32
      %broadcast_in_dim3A_659 = vector.broadcast %add3A_658 : i32 to vector<16xi32>
      %gather3A_660 = tpu.vector_load_idx %arg7[%broadcast_in_dim3A_659] : memref<640xi32, #tpu.memory_space<vmem>>[vector<16xi32>], vector<16xi32>,
      %and3A_661 = arith.constant 7 : i32
      %and3A_662 = vector.broadcast %and3A_661 : i32 to vector<16xi32>
      %and3A_663 = arith.andi %gather3A_660, %and3A_662 : vector<16xi32>
      %mul3A_664 = arith.constant 16 : i32
      %mul3A_665 = vector.broadcast %mul3A_664 : i32 to vector<16xi32>
      %mul3A_666 = arith.muli %and3A_663, %mul3A_665 : vector<16xi32>
      %add3A_667 = arith.addi %mul3A_666, %iota3A : vector<16xi32>
      %broadcast_in_dim3A_668 = vector.broadcast %add3A_656 : i32 to vector<16xi32>
      %broadcast_in_dim3A_669 = vector.broadcast %add3A_658 : i32 to vector<16xi32>
      %gather3A_670 = arith.constant 0 : i32
      %gather3A_671 = arith.constant 0 : i32
      %gather3A_672 = arith.constant 0 : i32
      %gather3A_673 = tpu.memref_slice %arg9[%gather3A_670, %gather3A_671, %gather3A_672] : memref<2x128x128xf32, #tpu.memory_space<vmem>> -> memref<1x128x128xf32, #tpu.memory_space<vmem>>
      %gather3A_674 = tpu.memref_squeeze %gather3A_673 : memref<1x128x128xf32, #tpu.memory_space<vmem>> -> memref<128x128xf32, #tpu.memory_space<vmem>>
      %gather3A_675 = tpu.vector_load_idx %gather3A_674[%broadcast_in_dim3A_668, %add3A_667] : memref<128x128xf32, #tpu.memory_space<vmem>>[vector<16xi32>, vector<16xi32>], vector<16xf32>,
      tpu.vector_store_idx %arg11[%iota3A, %broadcast_in_dim3A_669], %gather3A_675 : memref<16x640xf32, #tpu.memory_space<vmem>>[vector<16xi32>, vector<16xi32>], vector<16xf32>,
      %gather3A_676 = arith.constant 0 : i32
      %gather3A_677 = arith.constant 0 : i32
      %gather3A_678 = arith.constant 0 : i32
      %gather3A_679 = tpu.memref_slice %arg10[%gather3A_676, %gather3A_677, %gather3A_678] : memref<2x128x128xf32, #tpu.memory_space<vmem>> -> memref<1x128x128xf32, #tpu.memory_space<vmem>>
      %gather3A_680 = tpu.memref_squeeze %gather3A_679 : memref<1x128x128xf32, #tpu.memory_space<vmem>> -> memref<128x128xf32, #tpu.memory_space<vmem>>
      %gather3A_681 = tpu.vector_load_idx %gather3A_680[%broadcast_in_dim3A_668, %add3A_667] : memref<128x128xf32, #tpu.memory_space<vmem>>[vector<16xi32>, vector<16xi32>], vector<16xf32>,
      tpu.vector_store_idx %arg12[%iota3A, %broadcast_in_dim3A_669], %gather3A_681 : memref<16x640xf32, #tpu.memory_space<vmem>>[vector<16xi32>, vector<16xi32>], vector<16xf32>,
      %scan3A_682 = arith.constant 2 : i32
      %scan3A_683 = arith.addi %scan3A_624, %scan3A_682 : i32
      %mul3A_684 = arith.constant 1 : i32
      %mul3A_685 = arith.muli %scan3A_683, %mul3A_684 : i32
      %add3A_686 = arith.constant 0 : i32
      %add3A_687 = arith.addi %add3A_686, %mul3A_685 : i32
      %add3A_688 = arith.constant 256 : i32
      %add3A_689 = arith.addi %add3A_688, %add3A_687 : i32
      %broadcast_in_dim3A_690 = vector.broadcast %add3A_689 : i32 to vector<16xi32>
      %gather3A_691 = tpu.vector_load_idx %arg7[%broadcast_in_dim3A_690] : memref<640xi32, #tpu.memory_space<vmem>>[vector<16xi32>], vector<16xi32>,
      %and3A_692 = arith.constant 7 : i32
      %and3A_693 = vector.broadcast %and3A_692 : i32 to vector<16xi32>
      %and3A_694 = arith.andi %gather3A_691, %and3A_693 : vector<16xi32>
      %mul3A_695 = arith.constant 16 : i32
      %mul3A_696 = vector.broadcast %mul3A_695 : i32 to vector<16xi32>
      %mul3A_697 = arith.muli %and3A_694, %mul3A_696 : vector<16xi32>
      %add3A_698 = arith.addi %mul3A_697, %iota3A : vector<16xi32>
      %broadcast_in_dim3A_699 = vector.broadcast %add3A_687 : i32 to vector<16xi32>
      %broadcast_in_dim3A_700 = vector.broadcast %add3A_689 : i32 to vector<16xi32>
      %gather3A_701 = arith.constant 0 : i32
      %gather3A_702 = arith.constant 0 : i32
      %gather3A_703 = arith.constant 0 : i32
      %gather3A_704 = tpu.memref_slice %arg9[%gather3A_701, %gather3A_702, %gather3A_703] : memref<2x128x128xf32, #tpu.memory_space<vmem>> -> memref<1x128x128xf32, #tpu.memory_space<vmem>>
      %gather3A_705 = tpu.memref_squeeze %gather3A_704 : memref<1x128x128xf32, #tpu.memory_space<vmem>> -> memref<128x128xf32, #tpu.memory_space<vmem>>
      %gather3A_706 = tpu.vector_load_idx %gather3A_705[%broadcast_in_dim3A_699, %add3A_698] : memref<128x128xf32, #tpu.memory_space<vmem>>[vector<16xi32>, vector<16xi32>], vector<16xf32>,
      tpu.vector_store_idx %arg11[%iota3A, %broadcast_in_dim3A_700], %gather3A_706 : memref<16x640xf32, #tpu.memory_space<vmem>>[vector<16xi32>, vector<16xi32>], vector<16xf32>,
      %gather3A_707 = arith.constant 0 : i32
      %gather3A_708 = arith.constant 0 : i32
      %gather3A_709 = arith.constant 0 : i32
      %gather3A_710 = tpu.memref_slice %arg10[%gather3A_707, %gather3A_708, %gather3A_709] : memref<2x128x128xf32, #tpu.memory_space<vmem>> -> memref<1x128x128xf32, #tpu.memory_space<vmem>>
      %gather3A_711 = tpu.memref_squeeze %gather3A_710 : memref<1x128x128xf32, #tpu.memory_space<vmem>> -> memref<128x128xf32, #tpu.memory_space<vmem>>
      %gather3A_712 = tpu.vector_load_idx %gather3A_711[%broadcast_in_dim3A_699, %add3A_698] : memref<128x128xf32, #tpu.memory_space<vmem>>[vector<16xi32>, vector<16xi32>], vector<16xf32>,
      tpu.vector_store_idx %arg12[%iota3A, %broadcast_in_dim3A_700], %gather3A_712 : memref<16x640xf32, #tpu.memory_space<vmem>>[vector<16xi32>, vector<16xi32>], vector<16xf32>,
      %scan3A_713 = arith.constant 3 : i32
      %scan3A_714 = arith.addi %scan3A_624, %scan3A_713 : i32
      %mul3A_715 = arith.constant 1 : i32
      %mul3A_716 = arith.muli %scan3A_714, %mul3A_715 : i32
      %add3A_717 = arith.constant 0 : i32
      %add3A_718 = arith.addi %add3A_717, %mul3A_716 : i32
      %add3A_719 = arith.constant 256 : i32
      %add3A_720 = arith.addi %add3A_719, %add3A_718 : i32
      %broadcast_in_dim3A_721 = vector.broadcast %add3A_720 : i32 to vector<16xi32>
      %gather3A_722 = tpu.vector_load_idx %arg7[%broadcast_in_dim3A_721] : memref<640xi32, #tpu.memory_space<vmem>>[vector<16xi32>], vector<16xi32>,
      %and3A_723 = arith.constant 7 : i32
      %and3A_724 = vector.broadcast %and3A_723 : i32 to vector<16xi32>
      %and3A_725 = arith.andi %gather3A_722, %and3A_724 : vector<16xi32>
      %mul3A_726 = arith.constant 16 : i32
      %mul3A_727 = vector.broadcast %mul3A_726 : i32 to vector<16xi32>
      %mul3A_728 = arith.muli %and3A_725, %mul3A_727 : vector<16xi32>
      %add3A_729 = arith.addi %mul3A_728, %iota3A : vector<16xi32>
      %broadcast_in_dim3A_730 = vector.broadcast %add3A_718 : i32 to vector<16xi32>
      %broadcast_in_dim3A_731 = vector.broadcast %add3A_720 : i32 to vector<16xi32>
      %gather3A_732 = arith.constant 0 : i32
      %gather3A_733 = arith.constant 0 : i32
      %gather3A_734 = arith.constant 0 : i32
      %gather3A_735 = tpu.memref_slice %arg9[%gather3A_732, %gather3A_733, %gather3A_734] : memref<2x128x128xf32, #tpu.memory_space<vmem>> -> memref<1x128x128xf32, #tpu.memory_space<vmem>>
      %gather3A_736 = tpu.memref_squeeze %gather3A_735 : memref<1x128x128xf32, #tpu.memory_space<vmem>> -> memref<128x128xf32, #tpu.memory_space<vmem>>
      %gather3A_737 = tpu.vector_load_idx %gather3A_736[%broadcast_in_dim3A_730, %add3A_729] : memref<128x128xf32, #tpu.memory_space<vmem>>[vector<16xi32>, vector<16xi32>], vector<16xf32>,
      tpu.vector_store_idx %arg11[%iota3A, %broadcast_in_dim3A_731], %gather3A_737 : memref<16x640xf32, #tpu.memory_space<vmem>>[vector<16xi32>, vector<16xi32>], vector<16xf32>,
      %gather3A_738 = arith.constant 0 : i32
      %gather3A_739 = arith.constant 0 : i32
      %gather3A_740 = arith.constant 0 : i32
      %gather3A_741 = tpu.memref_slice %arg10[%gather3A_738, %gather3A_739, %gather3A_740] : memref<2x128x128xf32, #tpu.memory_space<vmem>> -> memref<1x128x128xf32, #tpu.memory_space<vmem>>
      %gather3A_742 = tpu.memref_squeeze %gather3A_741 : memref<1x128x128xf32, #tpu.memory_space<vmem>> -> memref<128x128xf32, #tpu.memory_space<vmem>>
      %gather3A_743 = tpu.vector_load_idx %gather3A_742[%broadcast_in_dim3A_730, %add3A_729] : memref<128x128xf32, #tpu.memory_space<vmem>>[vector<16xi32>, vector<16xi32>], vector<16xf32>,
      tpu.vector_store_idx %arg12[%iota3A, %broadcast_in_dim3A_731], %gather3A_743 : memref<16x640xf32, #tpu.memory_space<vmem>>[vector<16xi32>, vector<16xi32>], vector<16xf32>,
      %scan3A_744 = arith.constant 4 : i32
      %scan3A_745 = arith.addi %scan3A_624, %scan3A_744 : i32
      %mul3A_746 = arith.constant 1 : i32
      %mul3A_747 = arith.muli %scan3A_745, %mul3A_746 : i32
      %add3A_748 = arith.constant 0 : i32
      %add3A_749 = arith.addi %add3A_748, %mul3A_747 : i32
      %add3A_750 = arith.constant 256 : i32
      %add3A_751 = arith.addi %add3A_750, %add3A_749 : i32
      %broadcast_in_dim3A_752 = vector.broadcast %add3A_751 : i32 to vector<16xi32>
      %gather3A_753 = tpu.vector_load_idx %arg7[%broadcast_in_dim3A_752] : memref<640xi32, #tpu.memory_space<vmem>>[vector<16xi32>], vector<16xi32>,
      %and3A_754 = arith.constant 7 : i32
      %and3A_755 = vector.broadcast %and3A_754 : i32 to vector<16xi32>
      %and3A_756 = arith.andi %gather3A_753, %and3A_755 : vector<16xi32>
      %mul3A_757 = arith.constant 16 : i32
      %mul3A_758 = vector.broadcast %mul3A_757 : i32 to vector<16xi32>
      %mul3A_759 = arith.muli %and3A_756, %mul3A_758 : vector<16xi32>
      %add3A_760 = arith.addi %mul3A_759, %iota3A : vector<16xi32>
      %broadcast_in_dim3A_761 = vector.broadcast %add3A_749 : i32 to vector<16xi32>
      %broadcast_in_dim3A_762 = vector.broadcast %add3A_751 : i32 to vector<16xi32>
      %gather3A_763 = arith.constant 0 : i32
      %gather3A_764 = arith.constant 0 : i32
      %gather3A_765 = arith.constant 0 : i32
      %gather3A_766 = tpu.memref_slice %arg9[%gather3A_763, %gather3A_764, %gather3A_765] : memref<2x128x128xf32, #tpu.memory_space<vmem>> -> memref<1x128x128xf32, #tpu.memory_space<vmem>>
      %gather3A_767 = tpu.memref_squeeze %gather3A_766 : memref<1x128x128xf32, #tpu.memory_space<vmem>> -> memref<128x128xf32, #tpu.memory_space<vmem>>
      %gather3A_768 = tpu.vector_load_idx %gather3A_767[%broadcast_in_dim3A_761, %add3A_760] : memref<128x128xf32, #tpu.memory_space<vmem>>[vector<16xi32>, vector<16xi32>], vector<16xf32>,
      tpu.vector_store_idx %arg11[%iota3A, %broadcast_in_dim3A_762], %gather3A_768 : memref<16x640xf32, #tpu.memory_space<vmem>>[vector<16xi32>, vector<16xi32>], vector<16xf32>,
      %gather3A_769 = arith.constant 0 : i32
      %gather3A_770 = arith.constant 0 : i32
      %gather3A_771 = arith.constant 0 : i32
      %gather3A_772 = tpu.memref_slice %arg10[%gather3A_769, %gather3A_770, %gather3A_771] : memref<2x128x128xf32, #tpu.memory_space<vmem>> -> memref<1x128x128xf32, #tpu.memory_space<vmem>>
      %gather3A_773 = tpu.memref_squeeze %gather3A_772 : memref<1x128x128xf32, #tpu.memory_space<vmem>> -> memref<128x128xf32, #tpu.memory_space<vmem>>
      %gather3A_774 = tpu.vector_load_idx %gather3A_773[%broadcast_in_dim3A_761, %add3A_760] : memref<128x128xf32, #tpu.memory_space<vmem>>[vector<16xi32>, vector<16xi32>], vector<16xf32>,
      tpu.vector_store_idx %arg12[%iota3A, %broadcast_in_dim3A_762], %gather3A_774 : memref<16x640xf32, #tpu.memory_space<vmem>>[vector<16xi32>, vector<16xi32>], vector<16xf32>,
      %scan3A_775 = arith.constant 5 : i32
      %scan3A_776 = arith.addi %scan3A_624, %scan3A_775 : i32
      %mul3A_777 = arith.constant 1 : i32
      %mul3A_778 = arith.muli %scan3A_776, %mul3A_777 : i32
      %add3A_779 = arith.constant 0 : i32
      %add3A_780 = arith.addi %add3A_779, %mul3A_778 : i32
      %add3A_781 = arith.constant 256 : i32
      %add3A_782 = arith.addi %add3A_781, %add3A_780 : i32
      %broadcast_in_dim3A_783 = vector.broadcast %add3A_782 : i32 to vector<16xi32>
      %gather3A_784 = tpu.vector_load_idx %arg7[%broadcast_in_dim3A_783] : memref<640xi32, #tpu.memory_space<vmem>>[vector<16xi32>], vector<16xi32>,
      %and3A_785 = arith.constant 7 : i32
      %and3A_786 = vector.broadcast %and3A_785 : i32 to vector<16xi32>
      %and3A_787 = arith.andi %gather3A_784, %and3A_786 : vector<16xi32>
      %mul3A_788 = arith.constant 16 : i32
      %mul3A_789 = vector.broadcast %mul3A_788 : i32 to vector<16xi32>
      %mul3A_790 = arith.muli %and3A_787, %mul3A_789 : vector<16xi32>
      %add3A_791 = arith.addi %mul3A_790, %iota3A : vector<16xi32>
      %broadcast_in_dim3A_792 = vector.broadcast %add3A_780 : i32 to vector<16xi32>
      %broadcast_in_dim3A_793 = vector.broadcast %add3A_782 : i32 to vector<16xi32>
      %gather3A_794 = arith.constant 0 : i32
      %gather3A_795 = arith.constant 0 : i32
      %gather3A_796 = arith.constant 0 : i32
      %gather3A_797 = tpu.memref_slice %arg9[%gather3A_794, %gather3A_795, %gather3A_796] : memref<2x128x128xf32, #tpu.memory_space<vmem>> -> memref<1x128x128xf32, #tpu.memory_space<vmem>>
      %gather3A_798 = tpu.memref_squeeze %gather3A_797 : memref<1x128x128xf32, #tpu.memory_space<vmem>> -> memref<128x128xf32, #tpu.memory_space<vmem>>
      %gather3A_799 = tpu.vector_load_idx %gather3A_798[%broadcast_in_dim3A_792, %add3A_791] : memref<128x128xf32, #tpu.memory_space<vmem>>[vector<16xi32>, vector<16xi32>], vector<16xf32>,
      tpu.vector_store_idx %arg11[%iota3A, %broadcast_in_dim3A_793], %gather3A_799 : memref<16x640xf32, #tpu.memory_space<vmem>>[vector<16xi32>, vector<16xi32>], vector<16xf32>,
      %gather3A_800 = arith.constant 0 : i32
      %gather3A_801 = arith.constant 0 : i32
      %gather3A_802 = arith.constant 0 : i32
      %gather3A_803 = tpu.memref_slice %arg10[%gather3A_800, %gather3A_801, %gather3A_802] : memref<2x128x128xf32, #tpu.memory_space<vmem>> -> memref<1x128x128xf32, #tpu.memory_space<vmem>>
      %gather3A_804 = tpu.memref_squeeze %gather3A_803 : memref<1x128x128xf32, #tpu.memory_space<vmem>> -> memref<128x128xf32, #tpu.memory_space<vmem>>
      %gather3A_805 = tpu.vector_load_idx %gather3A_804[%broadcast_in_dim3A_792, %add3A_791] : memref<128x128xf32, #tpu.memory_space<vmem>>[vector<16xi32>, vector<16xi32>], vector<16xf32>,
      tpu.vector_store_idx %arg12[%iota3A, %broadcast_in_dim3A_793], %gather3A_805 : memref<16x640xf32, #tpu.memory_space<vmem>>[vector<16xi32>, vector<16xi32>], vector<16xf32>,
      %scan3A_806 = arith.constant 6 : i32
      %scan3A_807 = arith.addi %scan3A_624, %scan3A_806 : i32
      %mul3A_808 = arith.constant 1 : i32
      %mul3A_809 = arith.muli %scan3A_807, %mul3A_808 : i32
      %add3A_810 = arith.constant 0 : i32
      %add3A_811 = arith.addi %add3A_810, %mul3A_809 : i32
      %add3A_812 = arith.constant 256 : i32
      %add3A_813 = arith.addi %add3A_812, %add3A_811 : i32
      %broadcast_in_dim3A_814 = vector.broadcast %add3A_813 : i32 to vector<16xi32>
      %gather3A_815 = tpu.vector_load_idx %arg7[%broadcast_in_dim3A_814] : memref<640xi32, #tpu.memory_space<vmem>>[vector<16xi32>], vector<16xi32>,
      %and3A_816 = arith.constant 7 : i32
      %and3A_817 = vector.broadcast %and3A_816 : i32 to vector<16xi32>
      %and3A_818 = arith.andi %gather3A_815, %and3A_817 : vector<16xi32>
      %mul3A_819 = arith.constant 16 : i32
      %mul3A_820 = vector.broadcast %mul3A_819 : i32 to vector<16xi32>
      %mul3A_821 = arith.muli %and3A_818, %mul3A_820 : vector<16xi32>
      %add3A_822 = arith.addi %mul3A_821, %iota3A : vector<16xi32>
      %broadcast_in_dim3A_823 = vector.broadcast %add3A_811 : i32 to vector<16xi32>
      %broadcast_in_dim3A_824 = vector.broadcast %add3A_813 : i32 to vector<16xi32>
      %gather3A_825 = arith.constant 0 : i32
      %gather3A_826 = arith.constant 0 : i32
      %gather3A_827 = arith.constant 0 : i32
      %gather3A_828 = tpu.memref_slice %arg9[%gather3A_825, %gather3A_826, %gather3A_827] : memref<2x128x128xf32, #tpu.memory_space<vmem>> -> memref<1x128x128xf32, #tpu.memory_space<vmem>>
      %gather3A_829 = tpu.memref_squeeze %gather3A_828 : memref<1x128x128xf32, #tpu.memory_space<vmem>> -> memref<128x128xf32, #tpu.memory_space<vmem>>
      %gather3A_830 = tpu.vector_load_idx %gather3A_829[%broadcast_in_dim3A_823, %add3A_822] : memref<128x128xf32, #tpu.memory_space<vmem>>[vector<16xi32>, vector<16xi32>], vector<16xf32>,
      tpu.vector_store_idx %arg11[%iota3A, %broadcast_in_dim3A_824], %gather3A_830 : memref<16x640xf32, #tpu.memory_space<vmem>>[vector<16xi32>, vector<16xi32>], vector<16xf32>,
      %gather3A_831 = arith.constant 0 : i32
      %gather3A_832 = arith.constant 0 : i32
      %gather3A_833 = arith.constant 0 : i32
      %gather3A_834 = tpu.memref_slice %arg10[%gather3A_831, %gather3A_832, %gather3A_833] : memref<2x128x128xf32, #tpu.memory_space<vmem>> -> memref<1x128x128xf32, #tpu.memory_space<vmem>>
      %gather3A_835 = tpu.memref_squeeze %gather3A_834 : memref<1x128x128xf32, #tpu.memory_space<vmem>> -> memref<128x128xf32, #tpu.memory_space<vmem>>
      %gather3A_836 = tpu.vector_load_idx %gather3A_835[%broadcast_in_dim3A_823, %add3A_822] : memref<128x128xf32, #tpu.memory_space<vmem>>[vector<16xi32>, vector<16xi32>], vector<16xf32>,
      tpu.vector_store_idx %arg12[%iota3A, %broadcast_in_dim3A_824], %gather3A_836 : memref<16x640xf32, #tpu.memory_space<vmem>>[vector<16xi32>, vector<16xi32>], vector<16xf32>,
      %scan3A_837 = arith.constant 7 : i32
      %scan3A_838 = arith.addi %scan3A_624, %scan3A_837 : i32
      %mul3A_839 = arith.constant 1 : i32
      %mul3A_840 = arith.muli %scan3A_838, %mul3A_839 : i32
      %add3A_841 = arith.constant 0 : i32
      %add3A_842 = arith.addi %add3A_841, %mul3A_840 : i32
      %add3A_843 = arith.constant 256 : i32
      %add3A_844 = arith.addi %add3A_843, %add3A_842 : i32
      %broadcast_in_dim3A_845 = vector.broadcast %add3A_844 : i32 to vector<16xi32>
      %gather3A_846 = tpu.vector_load_idx %arg7[%broadcast_in_dim3A_845] : memref<640xi32, #tpu.memory_space<vmem>>[vector<16xi32>], vector<16xi32>,
      %and3A_847 = arith.constant 7 : i32
      %and3A_848 = vector.broadcast %and3A_847 : i32 to vector<16xi32>
      %and3A_849 = arith.andi %gather3A_846, %and3A_848 : vector<16xi32>
      %mul3A_850 = arith.constant 16 : i32
      %mul3A_851 = vector.broadcast %mul3A_850 : i32 to vector<16xi32>
      %mul3A_852 = arith.muli %and3A_849, %mul3A_851 : vector<16xi32>
      %add3A_853 = arith.addi %mul3A_852, %iota3A : vector<16xi32>
      %broadcast_in_dim3A_854 = vector.broadcast %add3A_842 : i32 to vector<16xi32>
      %broadcast_in_dim3A_855 = vector.broadcast %add3A_844 : i32 to vector<16xi32>
      %gather3A_856 = arith.constant 0 : i32
      %gather3A_857 = arith.constant 0 : i32
      %gather3A_858 = arith.constant 0 : i32
      %gather3A_859 = tpu.memref_slice %arg9[%gather3A_856, %gather3A_857, %gather3A_858] : memref<2x128x128xf32, #tpu.memory_space<vmem>> -> memref<1x128x128xf32, #tpu.memory_space<vmem>>
      %gather3A_860 = tpu.memref_squeeze %gather3A_859 : memref<1x128x128xf32, #tpu.memory_space<vmem>> -> memref<128x128xf32, #tpu.memory_space<vmem>>
      %gather3A_861 = tpu.vector_load_idx %gather3A_860[%broadcast_in_dim3A_854, %add3A_853] : memref<128x128xf32, #tpu.memory_space<vmem>>[vector<16xi32>, vector<16xi32>], vector<16xf32>,
      tpu.vector_store_idx %arg11[%iota3A, %broadcast_in_dim3A_855], %gather3A_861 : memref<16x640xf32, #tpu.memory_space<vmem>>[vector<16xi32>, vector<16xi32>], vector<16xf32>,
      %gather3A_862 = arith.constant 0 : i32
      %gather3A_863 = arith.constant 0 : i32
      %gather3A_864 = arith.constant 0 : i32
      %gather3A_865 = tpu.memref_slice %arg10[%gather3A_862, %gather3A_863, %gather3A_864] : memref<2x128x128xf32, #tpu.memory_space<vmem>> -> memref<1x128x128xf32, #tpu.memory_space<vmem>>
      %gather3A_866 = tpu.memref_squeeze %gather3A_865 : memref<1x128x128xf32, #tpu.memory_space<vmem>> -> memref<128x128xf32, #tpu.memory_space<vmem>>
      %gather3A_867 = tpu.vector_load_idx %gather3A_866[%broadcast_in_dim3A_854, %add3A_853] : memref<128x128xf32, #tpu.memory_space<vmem>>[vector<16xi32>, vector<16xi32>], vector<16xf32>,
      tpu.vector_store_idx %arg12[%iota3A, %broadcast_in_dim3A_855], %gather3A_867 : memref<16x640xf32, #tpu.memory_space<vmem>>[vector<16xi32>, vector<16xi32>], vector<16xf32>,
    }
    %scan3A_537 = arith.constant 128 : i32
    %dma_start3A_538 = arith.constant 4 : i32
    %dma_start3A_539 = arith.constant 0 : i32
    %dma_start3A_540 = arith.constant 0 : i32
    %dma_start3A_541 = arith.constant 0 : i32
    %dma_start3A_542 = tpu.memref_slice %arg9[%dma_start3A_539, %dma_start3A_540, %dma_start3A_541] : memref<2x128x128xf32, #tpu.memory_space<vmem>> -> memref<1x128x128xf32, #tpu.memory_space<vmem>>
    %dma_start3A_543 = tpu.memref_squeeze %dma_start3A_542 : memref<1x128x128xf32, #tpu.memory_space<vmem>> -> memref<128x128xf32, #tpu.memory_space<vmem>>
    %dma_start3A_544 = arith.constant 0 : i32
    %dma_start3A_545 = tpu.memref_slice %arg8[%dma_start3A_538, %dma_start3A_544] : memref<5x128xi32, #tpu.memory_space<vmem>> -> memref<1x128xi32, #tpu.memory_space<vmem>>
    %dma_start3A_546 = tpu.memref_squeeze %dma_start3A_545 : memref<1x128xi32, #tpu.memory_space<vmem>> -> memref<128xi32, #tpu.memory_space<vmem>>
    %dma_start3A_547 = arith.constant 0 : i32
    %dma_start3A_548 = arith.constant 0 : i32
    %dma_start3A_549 = tpu.memref_slice %arg3[%dma_start3A_547, %dma_start3A_548] : memref<125000x128xf32, #tpu.memory_space<hbm>> -> memref<125000x128xf32, #tpu.memory_space<hbm>>
    tpu.enqueue_indirect_dma source(%dma_start3A_549 : memref<125000x128xf32, #tpu.memory_space<hbm>>) target(%dma_start3A_543 : memref<128x128xf32, #tpu.memory_space<vmem>>) offsets(%dma_start3A_546 : memref<128xi32, #tpu.memory_space<vmem>>) semaphore(%arg13 : memref<!tpu.dma_semaphore, #tpu.memory_space<semaphore_mem>>)
    %dma_start3A_550 = arith.constant 4 : i32
    %dma_start3A_551 = arith.constant 0 : i32
    %dma_start3A_552 = arith.constant 0 : i32
    %dma_start3A_553 = arith.constant 0 : i32
    %dma_start3A_554 = tpu.memref_slice %arg10[%dma_start3A_551, %dma_start3A_552, %dma_start3A_553] : memref<2x128x128xf32, #tpu.memory_space<vmem>> -> memref<1x128x128xf32, #tpu.memory_space<vmem>>
    %dma_start3A_555 = tpu.memref_squeeze %dma_start3A_554 : memref<1x128x128xf32, #tpu.memory_space<vmem>> -> memref<128x128xf32, #tpu.memory_space<vmem>>
    %dma_start3A_556 = arith.constant 0 : i32
    %dma_start3A_557 = tpu.memref_slice %arg8[%dma_start3A_550, %dma_start3A_556] : memref<5x128xi32, #tpu.memory_space<vmem>> -> memref<1x128xi32, #tpu.memory_space<vmem>>
    %dma_start3A_558 = tpu.memref_squeeze %dma_start3A_557 : memref<1x128xi32, #tpu.memory_space<vmem>> -> memref<128xi32, #tpu.memory_space<vmem>>
    %dma_start3A_559 = arith.constant 0 : i32
    %dma_start3A_560 = arith.constant 0 : i32
    %dma_start3A_561 = tpu.memref_slice %arg4[%dma_start3A_559, %dma_start3A_560] : memref<125000x128xf32, #tpu.memory_space<hbm>> -> memref<125000x128xf32, #tpu.memory_space<hbm>>
    tpu.enqueue_indirect_dma source(%dma_start3A_561 : memref<125000x128xf32, #tpu.memory_space<hbm>>) target(%dma_start3A_555 : memref<128x128xf32, #tpu.memory_space<vmem>>) offsets(%dma_start3A_558 : memref<128xi32, #tpu.memory_space<vmem>>) semaphore(%arg13 : memref<!tpu.dma_semaphore, #tpu.memory_space<semaphore_mem>>)
    %dma_wait3A_562 = arith.constant 3 : i32
    %dma_wait3A_563 = arith.constant 1 : i32
    %dma_wait3A_564 = arith.constant 0 : i32
    %dma_wait3A_565 = arith.constant 0 : i32
    %dma_wait3A_566 = tpu.memref_slice %arg9[%dma_wait3A_563, %dma_wait3A_564, %dma_wait3A_565] : memref<2x128x128xf32, #tpu.memory_space<vmem>> -> memref<1x128x128xf32, #tpu.memory_space<vmem>>
    %dma_wait3A_567 = tpu.memref_squeeze %dma_wait3A_566 : memref<1x128x128xf32, #tpu.memory_space<vmem>> -> memref<128x128xf32, #tpu.memory_space<vmem>>
    %dma_wait3A_568 = arith.constant 0 : i32
    %dma_wait3A_569 = tpu.memref_slice %arg8[%dma_wait3A_562, %dma_wait3A_568] : memref<5x128xi32, #tpu.memory_space<vmem>> -> memref<1x128xi32, #tpu.memory_space<vmem>>
    %dma_wait3A_570 = tpu.memref_squeeze %dma_wait3A_569 : memref<1x128xi32, #tpu.memory_space<vmem>> -> memref<128xi32, #tpu.memory_space<vmem>>
    %dma_wait3A_571 = arith.constant 0 : i32
    %dma_wait3A_572 = arith.constant 0 : i32
    %dma_wait3A_573 = tpu.memref_slice %arg3[%dma_wait3A_571, %dma_wait3A_572] : memref<125000x128xf32, #tpu.memory_space<hbm>> -> memref<125000x128xf32, #tpu.memory_space<hbm>>
    tpu.wait_indirect_dma semaphore(%arg13 : memref<!tpu.dma_semaphore, #tpu.memory_space<semaphore_mem>>) src(%dma_wait3A_573 : memref<125000x128xf32, #tpu.memory_space<hbm>>) dst(%dma_wait3A_567 : memref<128x128xf32, #tpu.memory_space<vmem>>)
    %dma_wait3A_574 = arith.constant 3 : i32
    %dma_wait3A_575 = arith.constant 1 : i32
    %dma_wait3A_576 = arith.constant 0 : i32
    %dma_wait3A_577 = arith.constant 0 : i32
    %dma_wait3A_578 = tpu.memref_slice %arg10[%dma_wait3A_575, %dma_wait3A_576, %dma_wait3A_577] : memref<2x128x128xf32, #tpu.memory_space<vmem>> -> memref<1x128x128xf32, #tpu.memory_space<vmem>>
    %dma_wait3A_579 = tpu.memref_squeeze %dma_wait3A_578 : memref<1x128x128xf32, #tpu.memory_space<vmem>> -> memref<128x128xf32, #tpu.memory_space<vmem>>
    %dma_wait3A_580 = arith.constant 0 : i32
    %dma_wait3A_581 = tpu.memref_slice %arg8[%dma_wait3A_574, %dma_wait3A_580] : memref<5x128xi32, #tpu.memory_space<vmem>> -> memref<1x128xi32, #tpu.memory_space<vmem>>
    %dma_wait3A_582 = tpu.memref_squeeze %dma_wait3A_581 : memref<1x128xi32, #tpu.memory_space<vmem>> -> memref<128xi32, #tpu.memory_space<vmem>>
    %dma_wait3A_583 = arith.constant 0 : i32
    %dma_wait3A_584 = arith.constant 0 : i32
    %dma_wait3A_585 = tpu.memref_slice %arg4[%dma_wait3A_583, %dma_wait3A_584] : memref<125000x128xf32, #tpu.memory_space<hbm>> -> memref<125000x128xf32, #tpu.memory_space<hbm>>
    tpu.wait_indirect_dma semaphore(%arg13 : memref<!tpu.dma_semaphore, #tpu.memory_space<semaphore_mem>>) src(%dma_wait3A_585 : memref<125000x128xf32, #tpu.memory_space<hbm>>) dst(%dma_wait3A_579 : memref<128x128xf32, #tpu.memory_space<vmem>>)
    %scan3A_586 = arith.constant 0 : i32
    %scan3A_587 = arith.constant 128 : i32
    %scan3A_588 = arith.addi %scan3A_586, %scan3A_587 : i32
    %scan3A_589 = arith.constant 8 : i32
    scf.for %scan3A_624 = %scan3A_586 to %scan3A_588 step %scan3A_589  : i32 {
      %mul3A_625 = arith.constant 1 : i32
      %mul3A_626 = arith.muli %scan3A_624, %mul3A_625 : i32
      %add3A_627 = arith.constant 0 : i32
      %add3A_628 = arith.addi %add3A_627, %mul3A_626 : i32
      %add3A_629 = arith.constant 384 : i32
      %add3A_630 = arith.addi %add3A_629, %add3A_628 : i32
      %broadcast_in_dim3A = vector.broadcast %add3A_630 : i32 to vector<16xi32>
      %gather3A = tpu.vector_load_idx %arg7[%broadcast_in_dim3A] : memref<640xi32, #tpu.memory_space<vmem>>[vector<16xi32>], vector<16xi32>,
      %and3A = arith.constant 7 : i32
      %and3A_631 = vector.broadcast %and3A : i32 to vector<16xi32>
      %and3A_632 = arith.andi %gather3A, %and3A_631 : vector<16xi32>
      %mul3A_633 = arith.constant 16 : i32
      %mul3A_634 = vector.broadcast %mul3A_633 : i32 to vector<16xi32>
      %mul3A_635 = arith.muli %and3A_632, %mul3A_634 : vector<16xi32>
      %add3A_636 = arith.addi %mul3A_635, %iota3A : vector<16xi32>
      %broadcast_in_dim3A_637 = vector.broadcast %add3A_628 : i32 to vector<16xi32>
      %broadcast_in_dim3A_638 = vector.broadcast %add3A_630 : i32 to vector<16xi32>
      %gather3A_639 = arith.constant 1 : i32
      %gather3A_640 = arith.constant 0 : i32
      %gather3A_641 = arith.constant 0 : i32
      %gather3A_642 = tpu.memref_slice %arg9[%gather3A_639, %gather3A_640, %gather3A_641] : memref<2x128x128xf32, #tpu.memory_space<vmem>> -> memref<1x128x128xf32, #tpu.memory_space<vmem>>
      %gather3A_643 = tpu.memref_squeeze %gather3A_642 : memref<1x128x128xf32, #tpu.memory_space<vmem>> -> memref<128x128xf32, #tpu.memory_space<vmem>>
      %gather3A_644 = tpu.vector_load_idx %gather3A_643[%broadcast_in_dim3A_637, %add3A_636] : memref<128x128xf32, #tpu.memory_space<vmem>>[vector<16xi32>, vector<16xi32>], vector<16xf32>,
      tpu.vector_store_idx %arg11[%iota3A, %broadcast_in_dim3A_638], %gather3A_644 : memref<16x640xf32, #tpu.memory_space<vmem>>[vector<16xi32>, vector<16xi32>], vector<16xf32>,
      %gather3A_645 = arith.constant 1 : i32
      %gather3A_646 = arith.constant 0 : i32
      %gather3A_647 = arith.constant 0 : i32
      %gather3A_648 = tpu.memref_slice %arg10[%gather3A_645, %gather3A_646, %gather3A_647] : memref<2x128x128xf32, #tpu.memory_space<vmem>> -> memref<1x128x128xf32, #tpu.memory_space<vmem>>
      %gather3A_649 = tpu.memref_squeeze %gather3A_648 : memref<1x128x128xf32, #tpu.memory_space<vmem>> -> memref<128x128xf32, #tpu.memory_space<vmem>>
      %gather3A_650 = tpu.vector_load_idx %gather3A_649[%broadcast_in_dim3A_637, %add3A_636] : memref<128x128xf32, #tpu.memory_space<vmem>>[vector<16xi32>, vector<16xi32>], vector<16xf32>,
      tpu.vector_store_idx %arg12[%iota3A, %broadcast_in_dim3A_638], %gather3A_650 : memref<16x640xf32, #tpu.memory_space<vmem>>[vector<16xi32>, vector<16xi32>], vector<16xf32>,
      %scan3A_651 = arith.constant 1 : i32
      %scan3A_652 = arith.addi %scan3A_624, %scan3A_651 : i32
      %mul3A_653 = arith.constant 1 : i32
      %mul3A_654 = arith.muli %scan3A_652, %mul3A_653 : i32
      %add3A_655 = arith.constant 0 : i32
      %add3A_656 = arith.addi %add3A_655, %mul3A_654 : i32
      %add3A_657 = arith.constant 384 : i32
      %add3A_658 = arith.addi %add3A_657, %add3A_656 : i32
      %broadcast_in_dim3A_659 = vector.broadcast %add3A_658 : i32 to vector<16xi32>
      %gather3A_660 = tpu.vector_load_idx %arg7[%broadcast_in_dim3A_659] : memref<640xi32, #tpu.memory_space<vmem>>[vector<16xi32>], vector<16xi32>,
      %and3A_661 = arith.constant 7 : i32
      %and3A_662 = vector.broadcast %and3A_661 : i32 to vector<16xi32>
      %and3A_663 = arith.andi %gather3A_660, %and3A_662 : vector<16xi32>
      %mul3A_664 = arith.constant 16 : i32
      %mul3A_665 = vector.broadcast %mul3A_664 : i32 to vector<16xi32>
      %mul3A_666 = arith.muli %and3A_663, %mul3A_665 : vector<16xi32>
      %add3A_667 = arith.addi %mul3A_666, %iota3A : vector<16xi32>
      %broadcast_in_dim3A_668 = vector.broadcast %add3A_656 : i32 to vector<16xi32>
      %broadcast_in_dim3A_669 = vector.broadcast %add3A_658 : i32 to vector<16xi32>
      %gather3A_670 = arith.constant 1 : i32
      %gather3A_671 = arith.constant 0 : i32
      %gather3A_672 = arith.constant 0 : i32
      %gather3A_673 = tpu.memref_slice %arg9[%gather3A_670, %gather3A_671, %gather3A_672] : memref<2x128x128xf32, #tpu.memory_space<vmem>> -> memref<1x128x128xf32, #tpu.memory_space<vmem>>
      %gather3A_674 = tpu.memref_squeeze %gather3A_673 : memref<1x128x128xf32, #tpu.memory_space<vmem>> -> memref<128x128xf32, #tpu.memory_space<vmem>>
      %gather3A_675 = tpu.vector_load_idx %gather3A_674[%broadcast_in_dim3A_668, %add3A_667] : memref<128x128xf32, #tpu.memory_space<vmem>>[vector<16xi32>, vector<16xi32>], vector<16xf32>,
      tpu.vector_store_idx %arg11[%iota3A, %broadcast_in_dim3A_669], %gather3A_675 : memref<16x640xf32, #tpu.memory_space<vmem>>[vector<16xi32>, vector<16xi32>], vector<16xf32>,
      %gather3A_676 = arith.constant 1 : i32
      %gather3A_677 = arith.constant 0 : i32
      %gather3A_678 = arith.constant 0 : i32
      %gather3A_679 = tpu.memref_slice %arg10[%gather3A_676, %gather3A_677, %gather3A_678] : memref<2x128x128xf32, #tpu.memory_space<vmem>> -> memref<1x128x128xf32, #tpu.memory_space<vmem>>
      %gather3A_680 = tpu.memref_squeeze %gather3A_679 : memref<1x128x128xf32, #tpu.memory_space<vmem>> -> memref<128x128xf32, #tpu.memory_space<vmem>>
      %gather3A_681 = tpu.vector_load_idx %gather3A_680[%broadcast_in_dim3A_668, %add3A_667] : memref<128x128xf32, #tpu.memory_space<vmem>>[vector<16xi32>, vector<16xi32>], vector<16xf32>,
      tpu.vector_store_idx %arg12[%iota3A, %broadcast_in_dim3A_669], %gather3A_681 : memref<16x640xf32, #tpu.memory_space<vmem>>[vector<16xi32>, vector<16xi32>], vector<16xf32>,
      %scan3A_682 = arith.constant 2 : i32
      %scan3A_683 = arith.addi %scan3A_624, %scan3A_682 : i32
      %mul3A_684 = arith.constant 1 : i32
      %mul3A_685 = arith.muli %scan3A_683, %mul3A_684 : i32
      %add3A_686 = arith.constant 0 : i32
      %add3A_687 = arith.addi %add3A_686, %mul3A_685 : i32
      %add3A_688 = arith.constant 384 : i32
      %add3A_689 = arith.addi %add3A_688, %add3A_687 : i32
      %broadcast_in_dim3A_690 = vector.broadcast %add3A_689 : i32 to vector<16xi32>
      %gather3A_691 = tpu.vector_load_idx %arg7[%broadcast_in_dim3A_690] : memref<640xi32, #tpu.memory_space<vmem>>[vector<16xi32>], vector<16xi32>,
      %and3A_692 = arith.constant 7 : i32
      %and3A_693 = vector.broadcast %and3A_692 : i32 to vector<16xi32>
      %and3A_694 = arith.andi %gather3A_691, %and3A_693 : vector<16xi32>
      %mul3A_695 = arith.constant 16 : i32
      %mul3A_696 = vector.broadcast %mul3A_695 : i32 to vector<16xi32>
      %mul3A_697 = arith.muli %and3A_694, %mul3A_696 : vector<16xi32>
      %add3A_698 = arith.addi %mul3A_697, %iota3A : vector<16xi32>
      %broadcast_in_dim3A_699 = vector.broadcast %add3A_687 : i32 to vector<16xi32>
      %broadcast_in_dim3A_700 = vector.broadcast %add3A_689 : i32 to vector<16xi32>
      %gather3A_701 = arith.constant 1 : i32
      %gather3A_702 = arith.constant 0 : i32
      %gather3A_703 = arith.constant 0 : i32
      %gather3A_704 = tpu.memref_slice %arg9[%gather3A_701, %gather3A_702, %gather3A_703] : memref<2x128x128xf32, #tpu.memory_space<vmem>> -> memref<1x128x128xf32, #tpu.memory_space<vmem>>
      %gather3A_705 = tpu.memref_squeeze %gather3A_704 : memref<1x128x128xf32, #tpu.memory_space<vmem>> -> memref<128x128xf32, #tpu.memory_space<vmem>>
      %gather3A_706 = tpu.vector_load_idx %gather3A_705[%broadcast_in_dim3A_699, %add3A_698] : memref<128x128xf32, #tpu.memory_space<vmem>>[vector<16xi32>, vector<16xi32>], vector<16xf32>,
      tpu.vector_store_idx %arg11[%iota3A, %broadcast_in_dim3A_700], %gather3A_706 : memref<16x640xf32, #tpu.memory_space<vmem>>[vector<16xi32>, vector<16xi32>], vector<16xf32>,
      %gather3A_707 = arith.constant 1 : i32
      %gather3A_708 = arith.constant 0 : i32
      %gather3A_709 = arith.constant 0 : i32
      %gather3A_710 = tpu.memref_slice %arg10[%gather3A_707, %gather3A_708, %gather3A_709] : memref<2x128x128xf32, #tpu.memory_space<vmem>> -> memref<1x128x128xf32, #tpu.memory_space<vmem>>
      %gather3A_711 = tpu.memref_squeeze %gather3A_710 : memref<1x128x128xf32, #tpu.memory_space<vmem>> -> memref<128x128xf32, #tpu.memory_space<vmem>>
      %gather3A_712 = tpu.vector_load_idx %gather3A_711[%broadcast_in_dim3A_699, %add3A_698] : memref<128x128xf32, #tpu.memory_space<vmem>>[vector<16xi32>, vector<16xi32>], vector<16xf32>,
      tpu.vector_store_idx %arg12[%iota3A, %broadcast_in_dim3A_700], %gather3A_712 : memref<16x640xf32, #tpu.memory_space<vmem>>[vector<16xi32>, vector<16xi32>], vector<16xf32>,
      %scan3A_713 = arith.constant 3 : i32
      %scan3A_714 = arith.addi %scan3A_624, %scan3A_713 : i32
      %mul3A_715 = arith.constant 1 : i32
      %mul3A_716 = arith.muli %scan3A_714, %mul3A_715 : i32
      %add3A_717 = arith.constant 0 : i32
      %add3A_718 = arith.addi %add3A_717, %mul3A_716 : i32
      %add3A_719 = arith.constant 384 : i32
      %add3A_720 = arith.addi %add3A_719, %add3A_718 : i32
      %broadcast_in_dim3A_721 = vector.broadcast %add3A_720 : i32 to vector<16xi32>
      %gather3A_722 = tpu.vector_load_idx %arg7[%broadcast_in_dim3A_721] : memref<640xi32, #tpu.memory_space<vmem>>[vector<16xi32>], vector<16xi32>,
      %and3A_723 = arith.constant 7 : i32
      %and3A_724 = vector.broadcast %and3A_723 : i32 to vector<16xi32>
      %and3A_725 = arith.andi %gather3A_722, %and3A_724 : vector<16xi32>
      %mul3A_726 = arith.constant 16 : i32
      %mul3A_727 = vector.broadcast %mul3A_726 : i32 to vector<16xi32>
      %mul3A_728 = arith.muli %and3A_725, %mul3A_727 : vector<16xi32>
      %add3A_729 = arith.addi %mul3A_728, %iota3A : vector<16xi32>
      %broadcast_in_dim3A_730 = vector.broadcast %add3A_718 : i32 to vector<16xi32>
      %broadcast_in_dim3A_731 = vector.broadcast %add3A_720 : i32 to vector<16xi32>
      %gather3A_732 = arith.constant 1 : i32
      %gather3A_733 = arith.constant 0 : i32
      %gather3A_734 = arith.constant 0 : i32
      %gather3A_735 = tpu.memref_slice %arg9[%gather3A_732, %gather3A_733, %gather3A_734] : memref<2x128x128xf32, #tpu.memory_space<vmem>> -> memref<1x128x128xf32, #tpu.memory_space<vmem>>
      %gather3A_736 = tpu.memref_squeeze %gather3A_735 : memref<1x128x128xf32, #tpu.memory_space<vmem>> -> memref<128x128xf32, #tpu.memory_space<vmem>>
      %gather3A_737 = tpu.vector_load_idx %gather3A_736[%broadcast_in_dim3A_730, %add3A_729] : memref<128x128xf32, #tpu.memory_space<vmem>>[vector<16xi32>, vector<16xi32>], vector<16xf32>,
      tpu.vector_store_idx %arg11[%iota3A, %broadcast_in_dim3A_731], %gather3A_737 : memref<16x640xf32, #tpu.memory_space<vmem>>[vector<16xi32>, vector<16xi32>], vector<16xf32>,
      %gather3A_738 = arith.constant 1 : i32
      %gather3A_739 = arith.constant 0 : i32
      %gather3A_740 = arith.constant 0 : i32
      %gather3A_741 = tpu.memref_slice %arg10[%gather3A_738, %gather3A_739, %gather3A_740] : memref<2x128x128xf32, #tpu.memory_space<vmem>> -> memref<1x128x128xf32, #tpu.memory_space<vmem>>
      %gather3A_742 = tpu.memref_squeeze %gather3A_741 : memref<1x128x128xf32, #tpu.memory_space<vmem>> -> memref<128x128xf32, #tpu.memory_space<vmem>>
      %gather3A_743 = tpu.vector_load_idx %gather3A_742[%broadcast_in_dim3A_730, %add3A_729] : memref<128x128xf32, #tpu.memory_space<vmem>>[vector<16xi32>, vector<16xi32>], vector<16xf32>,
      tpu.vector_store_idx %arg12[%iota3A, %broadcast_in_dim3A_731], %gather3A_743 : memref<16x640xf32, #tpu.memory_space<vmem>>[vector<16xi32>, vector<16xi32>], vector<16xf32>,
      %scan3A_744 = arith.constant 4 : i32
      %scan3A_745 = arith.addi %scan3A_624, %scan3A_744 : i32
      %mul3A_746 = arith.constant 1 : i32
      %mul3A_747 = arith.muli %scan3A_745, %mul3A_746 : i32
      %add3A_748 = arith.constant 0 : i32
      %add3A_749 = arith.addi %add3A_748, %mul3A_747 : i32
      %add3A_750 = arith.constant 384 : i32
      %add3A_751 = arith.addi %add3A_750, %add3A_749 : i32
      %broadcast_in_dim3A_752 = vector.broadcast %add3A_751 : i32 to vector<16xi32>
      %gather3A_753 = tpu.vector_load_idx %arg7[%broadcast_in_dim3A_752] : memref<640xi32, #tpu.memory_space<vmem>>[vector<16xi32>], vector<16xi32>,
      %and3A_754 = arith.constant 7 : i32
      %and3A_755 = vector.broadcast %and3A_754 : i32 to vector<16xi32>
      %and3A_756 = arith.andi %gather3A_753, %and3A_755 : vector<16xi32>
      %mul3A_757 = arith.constant 16 : i32
      %mul3A_758 = vector.broadcast %mul3A_757 : i32 to vector<16xi32>
      %mul3A_759 = arith.muli %and3A_756, %mul3A_758 : vector<16xi32>
      %add3A_760 = arith.addi %mul3A_759, %iota3A : vector<16xi32>
      %broadcast_in_dim3A_761 = vector.broadcast %add3A_749 : i32 to vector<16xi32>
      %broadcast_in_dim3A_762 = vector.broadcast %add3A_751 : i32 to vector<16xi32>
      %gather3A_763 = arith.constant 1 : i32
      %gather3A_764 = arith.constant 0 : i32
      %gather3A_765 = arith.constant 0 : i32
      %gather3A_766 = tpu.memref_slice %arg9[%gather3A_763, %gather3A_764, %gather3A_765] : memref<2x128x128xf32, #tpu.memory_space<vmem>> -> memref<1x128x128xf32, #tpu.memory_space<vmem>>
      %gather3A_767 = tpu.memref_squeeze %gather3A_766 : memref<1x128x128xf32, #tpu.memory_space<vmem>> -> memref<128x128xf32, #tpu.memory_space<vmem>>
      %gather3A_768 = tpu.vector_load_idx %gather3A_767[%broadcast_in_dim3A_761, %add3A_760] : memref<128x128xf32, #tpu.memory_space<vmem>>[vector<16xi32>, vector<16xi32>], vector<16xf32>,
      tpu.vector_store_idx %arg11[%iota3A, %broadcast_in_dim3A_762], %gather3A_768 : memref<16x640xf32, #tpu.memory_space<vmem>>[vector<16xi32>, vector<16xi32>], vector<16xf32>,
      %gather3A_769 = arith.constant 1 : i32
      %gather3A_770 = arith.constant 0 : i32
      %gather3A_771 = arith.constant 0 : i32
      %gather3A_772 = tpu.memref_slice %arg10[%gather3A_769, %gather3A_770, %gather3A_771] : memref<2x128x128xf32, #tpu.memory_space<vmem>> -> memref<1x128x128xf32, #tpu.memory_space<vmem>>
      %gather3A_773 = tpu.memref_squeeze %gather3A_772 : memref<1x128x128xf32, #tpu.memory_space<vmem>> -> memref<128x128xf32, #tpu.memory_space<vmem>>
      %gather3A_774 = tpu.vector_load_idx %gather3A_773[%broadcast_in_dim3A_761, %add3A_760] : memref<128x128xf32, #tpu.memory_space<vmem>>[vector<16xi32>, vector<16xi32>], vector<16xf32>,
      tpu.vector_store_idx %arg12[%iota3A, %broadcast_in_dim3A_762], %gather3A_774 : memref<16x640xf32, #tpu.memory_space<vmem>>[vector<16xi32>, vector<16xi32>], vector<16xf32>,
      %scan3A_775 = arith.constant 5 : i32
      %scan3A_776 = arith.addi %scan3A_624, %scan3A_775 : i32
      %mul3A_777 = arith.constant 1 : i32
      %mul3A_778 = arith.muli %scan3A_776, %mul3A_777 : i32
      %add3A_779 = arith.constant 0 : i32
      %add3A_780 = arith.addi %add3A_779, %mul3A_778 : i32
      %add3A_781 = arith.constant 384 : i32
      %add3A_782 = arith.addi %add3A_781, %add3A_780 : i32
      %broadcast_in_dim3A_783 = vector.broadcast %add3A_782 : i32 to vector<16xi32>
      %gather3A_784 = tpu.vector_load_idx %arg7[%broadcast_in_dim3A_783] : memref<640xi32, #tpu.memory_space<vmem>>[vector<16xi32>], vector<16xi32>,
      %and3A_785 = arith.constant 7 : i32
      %and3A_786 = vector.broadcast %and3A_785 : i32 to vector<16xi32>
      %and3A_787 = arith.andi %gather3A_784, %and3A_786 : vector<16xi32>
      %mul3A_788 = arith.constant 16 : i32
      %mul3A_789 = vector.broadcast %mul3A_788 : i32 to vector<16xi32>
      %mul3A_790 = arith.muli %and3A_787, %mul3A_789 : vector<16xi32>
      %add3A_791 = arith.addi %mul3A_790, %iota3A : vector<16xi32>
      %broadcast_in_dim3A_792 = vector.broadcast %add3A_780 : i32 to vector<16xi32>
      %broadcast_in_dim3A_793 = vector.broadcast %add3A_782 : i32 to vector<16xi32>
      %gather3A_794 = arith.constant 1 : i32
      %gather3A_795 = arith.constant 0 : i32
      %gather3A_796 = arith.constant 0 : i32
      %gather3A_797 = tpu.memref_slice %arg9[%gather3A_794, %gather3A_795, %gather3A_796] : memref<2x128x128xf32, #tpu.memory_space<vmem>> -> memref<1x128x128xf32, #tpu.memory_space<vmem>>
      %gather3A_798 = tpu.memref_squeeze %gather3A_797 : memref<1x128x128xf32, #tpu.memory_space<vmem>> -> memref<128x128xf32, #tpu.memory_space<vmem>>
      %gather3A_799 = tpu.vector_load_idx %gather3A_798[%broadcast_in_dim3A_792, %add3A_791] : memref<128x128xf32, #tpu.memory_space<vmem>>[vector<16xi32>, vector<16xi32>], vector<16xf32>,
      tpu.vector_store_idx %arg11[%iota3A, %broadcast_in_dim3A_793], %gather3A_799 : memref<16x640xf32, #tpu.memory_space<vmem>>[vector<16xi32>, vector<16xi32>], vector<16xf32>,
      %gather3A_800 = arith.constant 1 : i32
      %gather3A_801 = arith.constant 0 : i32
      %gather3A_802 = arith.constant 0 : i32
      %gather3A_803 = tpu.memref_slice %arg10[%gather3A_800, %gather3A_801, %gather3A_802] : memref<2x128x128xf32, #tpu.memory_space<vmem>> -> memref<1x128x128xf32, #tpu.memory_space<vmem>>
      %gather3A_804 = tpu.memref_squeeze %gather3A_803 : memref<1x128x128xf32, #tpu.memory_space<vmem>> -> memref<128x128xf32, #tpu.memory_space<vmem>>
      %gather3A_805 = tpu.vector_load_idx %gather3A_804[%broadcast_in_dim3A_792, %add3A_791] : memref<128x128xf32, #tpu.memory_space<vmem>>[vector<16xi32>, vector<16xi32>], vector<16xf32>,
      tpu.vector_store_idx %arg12[%iota3A, %broadcast_in_dim3A_793], %gather3A_805 : memref<16x640xf32, #tpu.memory_space<vmem>>[vector<16xi32>, vector<16xi32>], vector<16xf32>,
      %scan3A_806 = arith.constant 6 : i32
      %scan3A_807 = arith.addi %scan3A_624, %scan3A_806 : i32
      %mul3A_808 = arith.constant 1 : i32
      %mul3A_809 = arith.muli %scan3A_807, %mul3A_808 : i32
      %add3A_810 = arith.constant 0 : i32
      %add3A_811 = arith.addi %add3A_810, %mul3A_809 : i32
      %add3A_812 = arith.constant 384 : i32
      %add3A_813 = arith.addi %add3A_812, %add3A_811 : i32
      %broadcast_in_dim3A_814 = vector.broadcast %add3A_813 : i32 to vector<16xi32>
      %gather3A_815 = tpu.vector_load_idx %arg7[%broadcast_in_dim3A_814] : memref<640xi32, #tpu.memory_space<vmem>>[vector<16xi32>], vector<16xi32>,
      %and3A_816 = arith.constant 7 : i32
      %and3A_817 = vector.broadcast %and3A_816 : i32 to vector<16xi32>
      %and3A_818 = arith.andi %gather3A_815, %and3A_817 : vector<16xi32>
      %mul3A_819 = arith.constant 16 : i32
      %mul3A_820 = vector.broadcast %mul3A_819 : i32 to vector<16xi32>
      %mul3A_821 = arith.muli %and3A_818, %mul3A_820 : vector<16xi32>
      %add3A_822 = arith.addi %mul3A_821, %iota3A : vector<16xi32>
      %broadcast_in_dim3A_823 = vector.broadcast %add3A_811 : i32 to vector<16xi32>
      %broadcast_in_dim3A_824 = vector.broadcast %add3A_813 : i32 to vector<16xi32>
      %gather3A_825 = arith.constant 1 : i32
      %gather3A_826 = arith.constant 0 : i32
      %gather3A_827 = arith.constant 0 : i32
      %gather3A_828 = tpu.memref_slice %arg9[%gather3A_825, %gather3A_826, %gather3A_827] : memref<2x128x128xf32, #tpu.memory_space<vmem>> -> memref<1x128x128xf32, #tpu.memory_space<vmem>>
      %gather3A_829 = tpu.memref_squeeze %gather3A_828 : memref<1x128x128xf32, #tpu.memory_space<vmem>> -> memref<128x128xf32, #tpu.memory_space<vmem>>
      %gather3A_830 = tpu.vector_load_idx %gather3A_829[%broadcast_in_dim3A_823, %add3A_822] : memref<128x128xf32, #tpu.memory_space<vmem>>[vector<16xi32>, vector<16xi32>], vector<16xf32>,
      tpu.vector_store_idx %arg11[%iota3A, %broadcast_in_dim3A_824], %gather3A_830 : memref<16x640xf32, #tpu.memory_space<vmem>>[vector<16xi32>, vector<16xi32>], vector<16xf32>,
      %gather3A_831 = arith.constant 1 : i32
      %gather3A_832 = arith.constant 0 : i32
      %gather3A_833 = arith.constant 0 : i32
      %gather3A_834 = tpu.memref_slice %arg10[%gather3A_831, %gather3A_832, %gather3A_833] : memref<2x128x128xf32, #tpu.memory_space<vmem>> -> memref<1x128x128xf32, #tpu.memory_space<vmem>>
      %gather3A_835 = tpu.memref_squeeze %gather3A_834 : memref<1x128x128xf32, #tpu.memory_space<vmem>> -> memref<128x128xf32, #tpu.memory_space<vmem>>
      %gather3A_836 = tpu.vector_load_idx %gather3A_835[%broadcast_in_dim3A_823, %add3A_822] : memref<128x128xf32, #tpu.memory_space<vmem>>[vector<16xi32>, vector<16xi32>], vector<16xf32>,
      tpu.vector_store_idx %arg12[%iota3A, %broadcast_in_dim3A_824], %gather3A_836 : memref<16x640xf32, #tpu.memory_space<vmem>>[vector<16xi32>, vector<16xi32>], vector<16xf32>,
      %scan3A_837 = arith.constant 7 : i32
      %scan3A_838 = arith.addi %scan3A_624, %scan3A_837 : i32
      %mul3A_839 = arith.constant 1 : i32
      %mul3A_840 = arith.muli %scan3A_838, %mul3A_839 : i32
      %add3A_841 = arith.constant 0 : i32
      %add3A_842 = arith.addi %add3A_841, %mul3A_840 : i32
      %add3A_843 = arith.constant 384 : i32
      %add3A_844 = arith.addi %add3A_843, %add3A_842 : i32
      %broadcast_in_dim3A_845 = vector.broadcast %add3A_844 : i32 to vector<16xi32>
      %gather3A_846 = tpu.vector_load_idx %arg7[%broadcast_in_dim3A_845] : memref<640xi32, #tpu.memory_space<vmem>>[vector<16xi32>], vector<16xi32>,
      %and3A_847 = arith.constant 7 : i32
      %and3A_848 = vector.broadcast %and3A_847 : i32 to vector<16xi32>
      %and3A_849 = arith.andi %gather3A_846, %and3A_848 : vector<16xi32>
      %mul3A_850 = arith.constant 16 : i32
      %mul3A_851 = vector.broadcast %mul3A_850 : i32 to vector<16xi32>
      %mul3A_852 = arith.muli %and3A_849, %mul3A_851 : vector<16xi32>
      %add3A_853 = arith.addi %mul3A_852, %iota3A : vector<16xi32>
      %broadcast_in_dim3A_854 = vector.broadcast %add3A_842 : i32 to vector<16xi32>
      %broadcast_in_dim3A_855 = vector.broadcast %add3A_844 : i32 to vector<16xi32>
      %gather3A_856 = arith.constant 1 : i32
      %gather3A_857 = arith.constant 0 : i32
      %gather3A_858 = arith.constant 0 : i32
      %gather3A_859 = tpu.memref_slice %arg9[%gather3A_856, %gather3A_857, %gather3A_858] : memref<2x128x128xf32, #tpu.memory_space<vmem>> -> memref<1x128x128xf32, #tpu.memory_space<vmem>>
      %gather3A_860 = tpu.memref_squeeze %gather3A_859 : memref<1x128x128xf32, #tpu.memory_space<vmem>> -> memref<128x128xf32, #tpu.memory_space<vmem>>
      %gather3A_861 = tpu.vector_load_idx %gather3A_860[%broadcast_in_dim3A_854, %add3A_853] : memref<128x128xf32, #tpu.memory_space<vmem>>[vector<16xi32>, vector<16xi32>], vector<16xf32>,
      tpu.vector_store_idx %arg11[%iota3A, %broadcast_in_dim3A_855], %gather3A_861 : memref<16x640xf32, #tpu.memory_space<vmem>>[vector<16xi32>, vector<16xi32>], vector<16xf32>,
      %gather3A_862 = arith.constant 1 : i32
      %gather3A_863 = arith.constant 0 : i32
      %gather3A_864 = arith.constant 0 : i32
      %gather3A_865 = tpu.memref_slice %arg10[%gather3A_862, %gather3A_863, %gather3A_864] : memref<2x128x128xf32, #tpu.memory_space<vmem>> -> memref<1x128x128xf32, #tpu.memory_space<vmem>>
      %gather3A_866 = tpu.memref_squeeze %gather3A_865 : memref<1x128x128xf32, #tpu.memory_space<vmem>> -> memref<128x128xf32, #tpu.memory_space<vmem>>
      %gather3A_867 = tpu.vector_load_idx %gather3A_866[%broadcast_in_dim3A_854, %add3A_853] : memref<128x128xf32, #tpu.memory_space<vmem>>[vector<16xi32>, vector<16xi32>], vector<16xf32>,
      tpu.vector_store_idx %arg12[%iota3A, %broadcast_in_dim3A_855], %gather3A_867 : memref<16x640xf32, #tpu.memory_space<vmem>>[vector<16xi32>, vector<16xi32>], vector<16xf32>,
    }
    %scan3A_590 = arith.constant 128 : i32
    %dma_wait3A_591 = arith.constant 4 : i32
    %dma_wait3A_592 = arith.constant 0 : i32
    %dma_wait3A_593 = arith.constant 0 : i32
    %dma_wait3A_594 = arith.constant 0 : i32
    %dma_wait3A_595 = tpu.memref_slice %arg9[%dma_wait3A_592, %dma_wait3A_593, %dma_wait3A_594] : memref<2x128x128xf32, #tpu.memory_space<vmem>> -> memref<1x128x128xf32, #tpu.memory_space<vmem>>
    %dma_wait3A_596 = tpu.memref_squeeze %dma_wait3A_595 : memref<1x128x128xf32, #tpu.memory_space<vmem>> -> memref<128x128xf32, #tpu.memory_space<vmem>>
    %dma_wait3A_597 = arith.constant 0 : i32
    %dma_wait3A_598 = tpu.memref_slice %arg8[%dma_wait3A_591, %dma_wait3A_597] : memref<5x128xi32, #tpu.memory_space<vmem>> -> memref<1x128xi32, #tpu.memory_space<vmem>>
    %dma_wait3A_599 = tpu.memref_squeeze %dma_wait3A_598 : memref<1x128xi32, #tpu.memory_space<vmem>> -> memref<128xi32, #tpu.memory_space<vmem>>
    %dma_wait3A_600 = arith.constant 0 : i32
    %dma_wait3A_601 = arith.constant 0 : i32
    %dma_wait3A_602 = tpu.memref_slice %arg3[%dma_wait3A_600, %dma_wait3A_601] : memref<125000x128xf32, #tpu.memory_space<hbm>> -> memref<125000x128xf32, #tpu.memory_space<hbm>>
    tpu.wait_indirect_dma semaphore(%arg13 : memref<!tpu.dma_semaphore, #tpu.memory_space<semaphore_mem>>) src(%dma_wait3A_602 : memref<125000x128xf32, #tpu.memory_space<hbm>>) dst(%dma_wait3A_596 : memref<128x128xf32, #tpu.memory_space<vmem>>)
    %dma_wait3A_603 = arith.constant 4 : i32
    %dma_wait3A_604 = arith.constant 0 : i32
    %dma_wait3A_605 = arith.constant 0 : i32
    %dma_wait3A_606 = arith.constant 0 : i32
    %dma_wait3A_607 = tpu.memref_slice %arg10[%dma_wait3A_604, %dma_wait3A_605, %dma_wait3A_606] : memref<2x128x128xf32, #tpu.memory_space<vmem>> -> memref<1x128x128xf32, #tpu.memory_space<vmem>>
    %dma_wait3A_608 = tpu.memref_squeeze %dma_wait3A_607 : memref<1x128x128xf32, #tpu.memory_space<vmem>> -> memref<128x128xf32, #tpu.memory_space<vmem>>
    %dma_wait3A_609 = arith.constant 0 : i32
    %dma_wait3A_610 = tpu.memref_slice %arg8[%dma_wait3A_603, %dma_wait3A_609] : memref<5x128xi32, #tpu.memory_space<vmem>> -> memref<1x128xi32, #tpu.memory_space<vmem>>
    %dma_wait3A_611 = tpu.memref_squeeze %dma_wait3A_610 : memref<1x128xi32, #tpu.memory_space<vmem>> -> memref<128xi32, #tpu.memory_space<vmem>>
    %dma_wait3A_612 = arith.constant 0 : i32
    %dma_wait3A_613 = arith.constant 0 : i32
    %dma_wait3A_614 = tpu.memref_slice %arg4[%dma_wait3A_612, %dma_wait3A_613] : memref<125000x128xf32, #tpu.memory_space<hbm>> -> memref<125000x128xf32, #tpu.memory_space<hbm>>
    tpu.wait_indirect_dma semaphore(%arg13 : memref<!tpu.dma_semaphore, #tpu.memory_space<semaphore_mem>>) src(%dma_wait3A_614 : memref<125000x128xf32, #tpu.memory_space<hbm>>) dst(%dma_wait3A_608 : memref<128x128xf32, #tpu.memory_space<vmem>>)
    %scan3A_615 = arith.constant 0 : i32
    %scan3A_616 = arith.constant 128 : i32
    %scan3A_617 = arith.addi %scan3A_615, %scan3A_616 : i32
    %scan3A_618 = arith.constant 8 : i32
    scf.for %scan3A_624 = %scan3A_615 to %scan3A_617 step %scan3A_618  : i32 {
      %mul3A_625 = arith.constant 1 : i32
      %mul3A_626 = arith.muli %scan3A_624, %mul3A_625 : i32
      %add3A_627 = arith.constant 0 : i32
      %add3A_628 = arith.addi %add3A_627, %mul3A_626 : i32
      %add3A_629 = arith.constant 512 : i32
      %add3A_630 = arith.addi %add3A_629, %add3A_628 : i32
      %broadcast_in_dim3A = vector.broadcast %add3A_630 : i32 to vector<16xi32>
      %gather3A = tpu.vector_load_idx %arg7[%broadcast_in_dim3A] : memref<640xi32, #tpu.memory_space<vmem>>[vector<16xi32>], vector<16xi32>,
      %and3A = arith.constant 7 : i32
      %and3A_631 = vector.broadcast %and3A : i32 to vector<16xi32>
      %and3A_632 = arith.andi %gather3A, %and3A_631 : vector<16xi32>
      %mul3A_633 = arith.constant 16 : i32
      %mul3A_634 = vector.broadcast %mul3A_633 : i32 to vector<16xi32>
      %mul3A_635 = arith.muli %and3A_632, %mul3A_634 : vector<16xi32>
      %add3A_636 = arith.addi %mul3A_635, %iota3A : vector<16xi32>
      %broadcast_in_dim3A_637 = vector.broadcast %add3A_628 : i32 to vector<16xi32>
      %broadcast_in_dim3A_638 = vector.broadcast %add3A_630 : i32 to vector<16xi32>
      %gather3A_639 = arith.constant 0 : i32
      %gather3A_640 = arith.constant 0 : i32
      %gather3A_641 = arith.constant 0 : i32
      %gather3A_642 = tpu.memref_slice %arg9[%gather3A_639, %gather3A_640, %gather3A_641] : memref<2x128x128xf32, #tpu.memory_space<vmem>> -> memref<1x128x128xf32, #tpu.memory_space<vmem>>
      %gather3A_643 = tpu.memref_squeeze %gather3A_642 : memref<1x128x128xf32, #tpu.memory_space<vmem>> -> memref<128x128xf32, #tpu.memory_space<vmem>>
      %gather3A_644 = tpu.vector_load_idx %gather3A_643[%broadcast_in_dim3A_637, %add3A_636] : memref<128x128xf32, #tpu.memory_space<vmem>>[vector<16xi32>, vector<16xi32>], vector<16xf32>,
      tpu.vector_store_idx %arg11[%iota3A, %broadcast_in_dim3A_638], %gather3A_644 : memref<16x640xf32, #tpu.memory_space<vmem>>[vector<16xi32>, vector<16xi32>], vector<16xf32>,
      %gather3A_645 = arith.constant 0 : i32
      %gather3A_646 = arith.constant 0 : i32
      %gather3A_647 = arith.constant 0 : i32
      %gather3A_648 = tpu.memref_slice %arg10[%gather3A_645, %gather3A_646, %gather3A_647] : memref<2x128x128xf32, #tpu.memory_space<vmem>> -> memref<1x128x128xf32, #tpu.memory_space<vmem>>
      %gather3A_649 = tpu.memref_squeeze %gather3A_648 : memref<1x128x128xf32, #tpu.memory_space<vmem>> -> memref<128x128xf32, #tpu.memory_space<vmem>>
      %gather3A_650 = tpu.vector_load_idx %gather3A_649[%broadcast_in_dim3A_637, %add3A_636] : memref<128x128xf32, #tpu.memory_space<vmem>>[vector<16xi32>, vector<16xi32>], vector<16xf32>,
      tpu.vector_store_idx %arg12[%iota3A, %broadcast_in_dim3A_638], %gather3A_650 : memref<16x640xf32, #tpu.memory_space<vmem>>[vector<16xi32>, vector<16xi32>], vector<16xf32>,
      %scan3A_651 = arith.constant 1 : i32
      %scan3A_652 = arith.addi %scan3A_624, %scan3A_651 : i32
      %mul3A_653 = arith.constant 1 : i32
      %mul3A_654 = arith.muli %scan3A_652, %mul3A_653 : i32
      %add3A_655 = arith.constant 0 : i32
      %add3A_656 = arith.addi %add3A_655, %mul3A_654 : i32
      %add3A_657 = arith.constant 512 : i32
      %add3A_658 = arith.addi %add3A_657, %add3A_656 : i32
      %broadcast_in_dim3A_659 = vector.broadcast %add3A_658 : i32 to vector<16xi32>
      %gather3A_660 = tpu.vector_load_idx %arg7[%broadcast_in_dim3A_659] : memref<640xi32, #tpu.memory_space<vmem>>[vector<16xi32>], vector<16xi32>,
      %and3A_661 = arith.constant 7 : i32
      %and3A_662 = vector.broadcast %and3A_661 : i32 to vector<16xi32>
      %and3A_663 = arith.andi %gather3A_660, %and3A_662 : vector<16xi32>
      %mul3A_664 = arith.constant 16 : i32
      %mul3A_665 = vector.broadcast %mul3A_664 : i32 to vector<16xi32>
      %mul3A_666 = arith.muli %and3A_663, %mul3A_665 : vector<16xi32>
      %add3A_667 = arith.addi %mul3A_666, %iota3A : vector<16xi32>
      %broadcast_in_dim3A_668 = vector.broadcast %add3A_656 : i32 to vector<16xi32>
      %broadcast_in_dim3A_669 = vector.broadcast %add3A_658 : i32 to vector<16xi32>
      %gather3A_670 = arith.constant 0 : i32
      %gather3A_671 = arith.constant 0 : i32
      %gather3A_672 = arith.constant 0 : i32
      %gather3A_673 = tpu.memref_slice %arg9[%gather3A_670, %gather3A_671, %gather3A_672] : memref<2x128x128xf32, #tpu.memory_space<vmem>> -> memref<1x128x128xf32, #tpu.memory_space<vmem>>
      %gather3A_674 = tpu.memref_squeeze %gather3A_673 : memref<1x128x128xf32, #tpu.memory_space<vmem>> -> memref<128x128xf32, #tpu.memory_space<vmem>>
      %gather3A_675 = tpu.vector_load_idx %gather3A_674[%broadcast_in_dim3A_668, %add3A_667] : memref<128x128xf32, #tpu.memory_space<vmem>>[vector<16xi32>, vector<16xi32>], vector<16xf32>,
      tpu.vector_store_idx %arg11[%iota3A, %broadcast_in_dim3A_669], %gather3A_675 : memref<16x640xf32, #tpu.memory_space<vmem>>[vector<16xi32>, vector<16xi32>], vector<16xf32>,
      %gather3A_676 = arith.constant 0 : i32
      %gather3A_677 = arith.constant 0 : i32
      %gather3A_678 = arith.constant 0 : i32
      %gather3A_679 = tpu.memref_slice %arg10[%gather3A_676, %gather3A_677, %gather3A_678] : memref<2x128x128xf32, #tpu.memory_space<vmem>> -> memref<1x128x128xf32, #tpu.memory_space<vmem>>
      %gather3A_680 = tpu.memref_squeeze %gather3A_679 : memref<1x128x128xf32, #tpu.memory_space<vmem>> -> memref<128x128xf32, #tpu.memory_space<vmem>>
      %gather3A_681 = tpu.vector_load_idx %gather3A_680[%broadcast_in_dim3A_668, %add3A_667] : memref<128x128xf32, #tpu.memory_space<vmem>>[vector<16xi32>, vector<16xi32>], vector<16xf32>,
      tpu.vector_store_idx %arg12[%iota3A, %broadcast_in_dim3A_669], %gather3A_681 : memref<16x640xf32, #tpu.memory_space<vmem>>[vector<16xi32>, vector<16xi32>], vector<16xf32>,
      %scan3A_682 = arith.constant 2 : i32
      %scan3A_683 = arith.addi %scan3A_624, %scan3A_682 : i32
      %mul3A_684 = arith.constant 1 : i32
      %mul3A_685 = arith.muli %scan3A_683, %mul3A_684 : i32
      %add3A_686 = arith.constant 0 : i32
      %add3A_687 = arith.addi %add3A_686, %mul3A_685 : i32
      %add3A_688 = arith.constant 512 : i32
      %add3A_689 = arith.addi %add3A_688, %add3A_687 : i32
      %broadcast_in_dim3A_690 = vector.broadcast %add3A_689 : i32 to vector<16xi32>
      %gather3A_691 = tpu.vector_load_idx %arg7[%broadcast_in_dim3A_690] : memref<640xi32, #tpu.memory_space<vmem>>[vector<16xi32>], vector<16xi32>,
      %and3A_692 = arith.constant 7 : i32
      %and3A_693 = vector.broadcast %and3A_692 : i32 to vector<16xi32>
      %and3A_694 = arith.andi %gather3A_691, %and3A_693 : vector<16xi32>
      %mul3A_695 = arith.constant 16 : i32
      %mul3A_696 = vector.broadcast %mul3A_695 : i32 to vector<16xi32>
      %mul3A_697 = arith.muli %and3A_694, %mul3A_696 : vector<16xi32>
      %add3A_698 = arith.addi %mul3A_697, %iota3A : vector<16xi32>
      %broadcast_in_dim3A_699 = vector.broadcast %add3A_687 : i32 to vector<16xi32>
      %broadcast_in_dim3A_700 = vector.broadcast %add3A_689 : i32 to vector<16xi32>
      %gather3A_701 = arith.constant 0 : i32
      %gather3A_702 = arith.constant 0 : i32
      %gather3A_703 = arith.constant 0 : i32
      %gather3A_704 = tpu.memref_slice %arg9[%gather3A_701, %gather3A_702, %gather3A_703] : memref<2x128x128xf32, #tpu.memory_space<vmem>> -> memref<1x128x128xf32, #tpu.memory_space<vmem>>
      %gather3A_705 = tpu.memref_squeeze %gather3A_704 : memref<1x128x128xf32, #tpu.memory_space<vmem>> -> memref<128x128xf32, #tpu.memory_space<vmem>>
      %gather3A_706 = tpu.vector_load_idx %gather3A_705[%broadcast_in_dim3A_699, %add3A_698] : memref<128x128xf32, #tpu.memory_space<vmem>>[vector<16xi32>, vector<16xi32>], vector<16xf32>,
      tpu.vector_store_idx %arg11[%iota3A, %broadcast_in_dim3A_700], %gather3A_706 : memref<16x640xf32, #tpu.memory_space<vmem>>[vector<16xi32>, vector<16xi32>], vector<16xf32>,
      %gather3A_707 = arith.constant 0 : i32
      %gather3A_708 = arith.constant 0 : i32
      %gather3A_709 = arith.constant 0 : i32
      %gather3A_710 = tpu.memref_slice %arg10[%gather3A_707, %gather3A_708, %gather3A_709] : memref<2x128x128xf32, #tpu.memory_space<vmem>> -> memref<1x128x128xf32, #tpu.memory_space<vmem>>
      %gather3A_711 = tpu.memref_squeeze %gather3A_710 : memref<1x128x128xf32, #tpu.memory_space<vmem>> -> memref<128x128xf32, #tpu.memory_space<vmem>>
      %gather3A_712 = tpu.vector_load_idx %gather3A_711[%broadcast_in_dim3A_699, %add3A_698] : memref<128x128xf32, #tpu.memory_space<vmem>>[vector<16xi32>, vector<16xi32>], vector<16xf32>,
      tpu.vector_store_idx %arg12[%iota3A, %broadcast_in_dim3A_700], %gather3A_712 : memref<16x640xf32, #tpu.memory_space<vmem>>[vector<16xi32>, vector<16xi32>], vector<16xf32>,
      %scan3A_713 = arith.constant 3 : i32
      %scan3A_714 = arith.addi %scan3A_624, %scan3A_713 : i32
      %mul3A_715 = arith.constant 1 : i32
      %mul3A_716 = arith.muli %scan3A_714, %mul3A_715 : i32
      %add3A_717 = arith.constant 0 : i32
      %add3A_718 = arith.addi %add3A_717, %mul3A_716 : i32
      %add3A_719 = arith.constant 512 : i32
      %add3A_720 = arith.addi %add3A_719, %add3A_718 : i32
      %broadcast_in_dim3A_721 = vector.broadcast %add3A_720 : i32 to vector<16xi32>
      %gather3A_722 = tpu.vector_load_idx %arg7[%broadcast_in_dim3A_721] : memref<640xi32, #tpu.memory_space<vmem>>[vector<16xi32>], vector<16xi32>,
      %and3A_723 = arith.constant 7 : i32
      %and3A_724 = vector.broadcast %and3A_723 : i32 to vector<16xi32>
      %and3A_725 = arith.andi %gather3A_722, %and3A_724 : vector<16xi32>
      %mul3A_726 = arith.constant 16 : i32
      %mul3A_727 = vector.broadcast %mul3A_726 : i32 to vector<16xi32>
      %mul3A_728 = arith.muli %and3A_725, %mul3A_727 : vector<16xi32>
      %add3A_729 = arith.addi %mul3A_728, %iota3A : vector<16xi32>
      %broadcast_in_dim3A_730 = vector.broadcast %add3A_718 : i32 to vector<16xi32>
      %broadcast_in_dim3A_731 = vector.broadcast %add3A_720 : i32 to vector<16xi32>
      %gather3A_732 = arith.constant 0 : i32
      %gather3A_733 = arith.constant 0 : i32
      %gather3A_734 = arith.constant 0 : i32
      %gather3A_735 = tpu.memref_slice %arg9[%gather3A_732, %gather3A_733, %gather3A_734] : memref<2x128x128xf32, #tpu.memory_space<vmem>> -> memref<1x128x128xf32, #tpu.memory_space<vmem>>
      %gather3A_736 = tpu.memref_squeeze %gather3A_735 : memref<1x128x128xf32, #tpu.memory_space<vmem>> -> memref<128x128xf32, #tpu.memory_space<vmem>>
      %gather3A_737 = tpu.vector_load_idx %gather3A_736[%broadcast_in_dim3A_730, %add3A_729] : memref<128x128xf32, #tpu.memory_space<vmem>>[vector<16xi32>, vector<16xi32>], vector<16xf32>,
      tpu.vector_store_idx %arg11[%iota3A, %broadcast_in_dim3A_731], %gather3A_737 : memref<16x640xf32, #tpu.memory_space<vmem>>[vector<16xi32>, vector<16xi32>], vector<16xf32>,
      %gather3A_738 = arith.constant 0 : i32
      %gather3A_739 = arith.constant 0 : i32
      %gather3A_740 = arith.constant 0 : i32
      %gather3A_741 = tpu.memref_slice %arg10[%gather3A_738, %gather3A_739, %gather3A_740] : memref<2x128x128xf32, #tpu.memory_space<vmem>> -> memref<1x128x128xf32, #tpu.memory_space<vmem>>
      %gather3A_742 = tpu.memref_squeeze %gather3A_741 : memref<1x128x128xf32, #tpu.memory_space<vmem>> -> memref<128x128xf32, #tpu.memory_space<vmem>>
      %gather3A_743 = tpu.vector_load_idx %gather3A_742[%broadcast_in_dim3A_730, %add3A_729] : memref<128x128xf32, #tpu.memory_space<vmem>>[vector<16xi32>, vector<16xi32>], vector<16xf32>,
      tpu.vector_store_idx %arg12[%iota3A, %broadcast_in_dim3A_731], %gather3A_743 : memref<16x640xf32, #tpu.memory_space<vmem>>[vector<16xi32>, vector<16xi32>], vector<16xf32>,
      %scan3A_744 = arith.constant 4 : i32
      %scan3A_745 = arith.addi %scan3A_624, %scan3A_744 : i32
      %mul3A_746 = arith.constant 1 : i32
      %mul3A_747 = arith.muli %scan3A_745, %mul3A_746 : i32
      %add3A_748 = arith.constant 0 : i32
      %add3A_749 = arith.addi %add3A_748, %mul3A_747 : i32
      %add3A_750 = arith.constant 512 : i32
      %add3A_751 = arith.addi %add3A_750, %add3A_749 : i32
      %broadcast_in_dim3A_752 = vector.broadcast %add3A_751 : i32 to vector<16xi32>
      %gather3A_753 = tpu.vector_load_idx %arg7[%broadcast_in_dim3A_752] : memref<640xi32, #tpu.memory_space<vmem>>[vector<16xi32>], vector<16xi32>,
      %and3A_754 = arith.constant 7 : i32
      %and3A_755 = vector.broadcast %and3A_754 : i32 to vector<16xi32>
      %and3A_756 = arith.andi %gather3A_753, %and3A_755 : vector<16xi32>
      %mul3A_757 = arith.constant 16 : i32
      %mul3A_758 = vector.broadcast %mul3A_757 : i32 to vector<16xi32>
      %mul3A_759 = arith.muli %and3A_756, %mul3A_758 : vector<16xi32>
      %add3A_760 = arith.addi %mul3A_759, %iota3A : vector<16xi32>
      %broadcast_in_dim3A_761 = vector.broadcast %add3A_749 : i32 to vector<16xi32>
      %broadcast_in_dim3A_762 = vector.broadcast %add3A_751 : i32 to vector<16xi32>
      %gather3A_763 = arith.constant 0 : i32
      %gather3A_764 = arith.constant 0 : i32
      %gather3A_765 = arith.constant 0 : i32
      %gather3A_766 = tpu.memref_slice %arg9[%gather3A_763, %gather3A_764, %gather3A_765] : memref<2x128x128xf32, #tpu.memory_space<vmem>> -> memref<1x128x128xf32, #tpu.memory_space<vmem>>
      %gather3A_767 = tpu.memref_squeeze %gather3A_766 : memref<1x128x128xf32, #tpu.memory_space<vmem>> -> memref<128x128xf32, #tpu.memory_space<vmem>>
      %gather3A_768 = tpu.vector_load_idx %gather3A_767[%broadcast_in_dim3A_761, %add3A_760] : memref<128x128xf32, #tpu.memory_space<vmem>>[vector<16xi32>, vector<16xi32>], vector<16xf32>,
      tpu.vector_store_idx %arg11[%iota3A, %broadcast_in_dim3A_762], %gather3A_768 : memref<16x640xf32, #tpu.memory_space<vmem>>[vector<16xi32>, vector<16xi32>], vector<16xf32>,
      %gather3A_769 = arith.constant 0 : i32
      %gather3A_770 = arith.constant 0 : i32
      %gather3A_771 = arith.constant 0 : i32
      %gather3A_772 = tpu.memref_slice %arg10[%gather3A_769, %gather3A_770, %gather3A_771] : memref<2x128x128xf32, #tpu.memory_space<vmem>> -> memref<1x128x128xf32, #tpu.memory_space<vmem>>
      %gather3A_773 = tpu.memref_squeeze %gather3A_772 : memref<1x128x128xf32, #tpu.memory_space<vmem>> -> memref<128x128xf32, #tpu.memory_space<vmem>>
      %gather3A_774 = tpu.vector_load_idx %gather3A_773[%broadcast_in_dim3A_761, %add3A_760] : memref<128x128xf32, #tpu.memory_space<vmem>>[vector<16xi32>, vector<16xi32>], vector<16xf32>,
      tpu.vector_store_idx %arg12[%iota3A, %broadcast_in_dim3A_762], %gather3A_774 : memref<16x640xf32, #tpu.memory_space<vmem>>[vector<16xi32>, vector<16xi32>], vector<16xf32>,
      %scan3A_775 = arith.constant 5 : i32
      %scan3A_776 = arith.addi %scan3A_624, %scan3A_775 : i32
      %mul3A_777 = arith.constant 1 : i32
      %mul3A_778 = arith.muli %scan3A_776, %mul3A_777 : i32
      %add3A_779 = arith.constant 0 : i32
      %add3A_780 = arith.addi %add3A_779, %mul3A_778 : i32
      %add3A_781 = arith.constant 512 : i32
      %add3A_782 = arith.addi %add3A_781, %add3A_780 : i32
      %broadcast_in_dim3A_783 = vector.broadcast %add3A_782 : i32 to vector<16xi32>
      %gather3A_784 = tpu.vector_load_idx %arg7[%broadcast_in_dim3A_783] : memref<640xi32, #tpu.memory_space<vmem>>[vector<16xi32>], vector<16xi32>,
      %and3A_785 = arith.constant 7 : i32
      %and3A_786 = vector.broadcast %and3A_785 : i32 to vector<16xi32>
      %and3A_787 = arith.andi %gather3A_784, %and3A_786 : vector<16xi32>
      %mul3A_788 = arith.constant 16 : i32
      %mul3A_789 = vector.broadcast %mul3A_788 : i32 to vector<16xi32>
      %mul3A_790 = arith.muli %and3A_787, %mul3A_789 : vector<16xi32>
      %add3A_791 = arith.addi %mul3A_790, %iota3A : vector<16xi32>
      %broadcast_in_dim3A_792 = vector.broadcast %add3A_780 : i32 to vector<16xi32>
      %broadcast_in_dim3A_793 = vector.broadcast %add3A_782 : i32 to vector<16xi32>
      %gather3A_794 = arith.constant 0 : i32
      %gather3A_795 = arith.constant 0 : i32
      %gather3A_796 = arith.constant 0 : i32
      %gather3A_797 = tpu.memref_slice %arg9[%gather3A_794, %gather3A_795, %gather3A_796] : memref<2x128x128xf32, #tpu.memory_space<vmem>> -> memref<1x128x128xf32, #tpu.memory_space<vmem>>
      %gather3A_798 = tpu.memref_squeeze %gather3A_797 : memref<1x128x128xf32, #tpu.memory_space<vmem>> -> memref<128x128xf32, #tpu.memory_space<vmem>>
      %gather3A_799 = tpu.vector_load_idx %gather3A_798[%broadcast_in_dim3A_792, %add3A_791] : memref<128x128xf32, #tpu.memory_space<vmem>>[vector<16xi32>, vector<16xi32>], vector<16xf32>,
      tpu.vector_store_idx %arg11[%iota3A, %broadcast_in_dim3A_793], %gather3A_799 : memref<16x640xf32, #tpu.memory_space<vmem>>[vector<16xi32>, vector<16xi32>], vector<16xf32>,
      %gather3A_800 = arith.constant 0 : i32
      %gather3A_801 = arith.constant 0 : i32
      %gather3A_802 = arith.constant 0 : i32
      %gather3A_803 = tpu.memref_slice %arg10[%gather3A_800, %gather3A_801, %gather3A_802] : memref<2x128x128xf32, #tpu.memory_space<vmem>> -> memref<1x128x128xf32, #tpu.memory_space<vmem>>
      %gather3A_804 = tpu.memref_squeeze %gather3A_803 : memref<1x128x128xf32, #tpu.memory_space<vmem>> -> memref<128x128xf32, #tpu.memory_space<vmem>>
      %gather3A_805 = tpu.vector_load_idx %gather3A_804[%broadcast_in_dim3A_792, %add3A_791] : memref<128x128xf32, #tpu.memory_space<vmem>>[vector<16xi32>, vector<16xi32>], vector<16xf32>,
      tpu.vector_store_idx %arg12[%iota3A, %broadcast_in_dim3A_793], %gather3A_805 : memref<16x640xf32, #tpu.memory_space<vmem>>[vector<16xi32>, vector<16xi32>], vector<16xf32>,
      %scan3A_806 = arith.constant 6 : i32
      %scan3A_807 = arith.addi %scan3A_624, %scan3A_806 : i32
      %mul3A_808 = arith.constant 1 : i32
      %mul3A_809 = arith.muli %scan3A_807, %mul3A_808 : i32
      %add3A_810 = arith.constant 0 : i32
      %add3A_811 = arith.addi %add3A_810, %mul3A_809 : i32
      %add3A_812 = arith.constant 512 : i32
      %add3A_813 = arith.addi %add3A_812, %add3A_811 : i32
      %broadcast_in_dim3A_814 = vector.broadcast %add3A_813 : i32 to vector<16xi32>
      %gather3A_815 = tpu.vector_load_idx %arg7[%broadcast_in_dim3A_814] : memref<640xi32, #tpu.memory_space<vmem>>[vector<16xi32>], vector<16xi32>,
      %and3A_816 = arith.constant 7 : i32
      %and3A_817 = vector.broadcast %and3A_816 : i32 to vector<16xi32>
      %and3A_818 = arith.andi %gather3A_815, %and3A_817 : vector<16xi32>
      %mul3A_819 = arith.constant 16 : i32
      %mul3A_820 = vector.broadcast %mul3A_819 : i32 to vector<16xi32>
      %mul3A_821 = arith.muli %and3A_818, %mul3A_820 : vector<16xi32>
      %add3A_822 = arith.addi %mul3A_821, %iota3A : vector<16xi32>
      %broadcast_in_dim3A_823 = vector.broadcast %add3A_811 : i32 to vector<16xi32>
      %broadcast_in_dim3A_824 = vector.broadcast %add3A_813 : i32 to vector<16xi32>
      %gather3A_825 = arith.constant 0 : i32
      %gather3A_826 = arith.constant 0 : i32
      %gather3A_827 = arith.constant 0 : i32
      %gather3A_828 = tpu.memref_slice %arg9[%gather3A_825, %gather3A_826, %gather3A_827] : memref<2x128x128xf32, #tpu.memory_space<vmem>> -> memref<1x128x128xf32, #tpu.memory_space<vmem>>
      %gather3A_829 = tpu.memref_squeeze %gather3A_828 : memref<1x128x128xf32, #tpu.memory_space<vmem>> -> memref<128x128xf32, #tpu.memory_space<vmem>>
      %gather3A_830 = tpu.vector_load_idx %gather3A_829[%broadcast_in_dim3A_823, %add3A_822] : memref<128x128xf32, #tpu.memory_space<vmem>>[vector<16xi32>, vector<16xi32>], vector<16xf32>,
      tpu.vector_store_idx %arg11[%iota3A, %broadcast_in_dim3A_824], %gather3A_830 : memref<16x640xf32, #tpu.memory_space<vmem>>[vector<16xi32>, vector<16xi32>], vector<16xf32>,
      %gather3A_831 = arith.constant 0 : i32
      %gather3A_832 = arith.constant 0 : i32
      %gather3A_833 = arith.constant 0 : i32
      %gather3A_834 = tpu.memref_slice %arg10[%gather3A_831, %gather3A_832, %gather3A_833] : memref<2x128x128xf32, #tpu.memory_space<vmem>> -> memref<1x128x128xf32, #tpu.memory_space<vmem>>
      %gather3A_835 = tpu.memref_squeeze %gather3A_834 : memref<1x128x128xf32, #tpu.memory_space<vmem>> -> memref<128x128xf32, #tpu.memory_space<vmem>>
      %gather3A_836 = tpu.vector_load_idx %gather3A_835[%broadcast_in_dim3A_823, %add3A_822] : memref<128x128xf32, #tpu.memory_space<vmem>>[vector<16xi32>, vector<16xi32>], vector<16xf32>,
      tpu.vector_store_idx %arg12[%iota3A, %broadcast_in_dim3A_824], %gather3A_836 : memref<16x640xf32, #tpu.memory_space<vmem>>[vector<16xi32>, vector<16xi32>], vector<16xf32>,
      %scan3A_837 = arith.constant 7 : i32
      %scan3A_838 = arith.addi %scan3A_624, %scan3A_837 : i32
      %mul3A_839 = arith.constant 1 : i32
      %mul3A_840 = arith.muli %scan3A_838, %mul3A_839 : i32
      %add3A_841 = arith.constant 0 : i32
      %add3A_842 = arith.addi %add3A_841, %mul3A_840 : i32
      %add3A_843 = arith.constant 512 : i32
      %add3A_844 = arith.addi %add3A_843, %add3A_842 : i32
      %broadcast_in_dim3A_845 = vector.broadcast %add3A_844 : i32 to vector<16xi32>
      %gather3A_846 = tpu.vector_load_idx %arg7[%broadcast_in_dim3A_845] : memref<640xi32, #tpu.memory_space<vmem>>[vector<16xi32>], vector<16xi32>,
      %and3A_847 = arith.constant 7 : i32
      %and3A_848 = vector.broadcast %and3A_847 : i32 to vector<16xi32>
      %and3A_849 = arith.andi %gather3A_846, %and3A_848 : vector<16xi32>
      %mul3A_850 = arith.constant 16 : i32
      %mul3A_851 = vector.broadcast %mul3A_850 : i32 to vector<16xi32>
      %mul3A_852 = arith.muli %and3A_849, %mul3A_851 : vector<16xi32>
      %add3A_853 = arith.addi %mul3A_852, %iota3A : vector<16xi32>
      %broadcast_in_dim3A_854 = vector.broadcast %add3A_842 : i32 to vector<16xi32>
      %broadcast_in_dim3A_855 = vector.broadcast %add3A_844 : i32 to vector<16xi32>
      %gather3A_856 = arith.constant 0 : i32
      %gather3A_857 = arith.constant 0 : i32
      %gather3A_858 = arith.constant 0 : i32
      %gather3A_859 = tpu.memref_slice %arg9[%gather3A_856, %gather3A_857, %gather3A_858] : memref<2x128x128xf32, #tpu.memory_space<vmem>> -> memref<1x128x128xf32, #tpu.memory_space<vmem>>
      %gather3A_860 = tpu.memref_squeeze %gather3A_859 : memref<1x128x128xf32, #tpu.memory_space<vmem>> -> memref<128x128xf32, #tpu.memory_space<vmem>>
      %gather3A_861 = tpu.vector_load_idx %gather3A_860[%broadcast_in_dim3A_854, %add3A_853] : memref<128x128xf32, #tpu.memory_space<vmem>>[vector<16xi32>, vector<16xi32>], vector<16xf32>,
      tpu.vector_store_idx %arg11[%iota3A, %broadcast_in_dim3A_855], %gather3A_861 : memref<16x640xf32, #tpu.memory_space<vmem>>[vector<16xi32>, vector<16xi32>], vector<16xf32>,
      %gather3A_862 = arith.constant 0 : i32
      %gather3A_863 = arith.constant 0 : i32
      %gather3A_864 = arith.constant 0 : i32
      %gather3A_865 = tpu.memref_slice %arg10[%gather3A_862, %gather3A_863, %gather3A_864] : memref<2x128x128xf32, #tpu.memory_space<vmem>> -> memref<1x128x128xf32, #tpu.memory_space<vmem>>
      %gather3A_866 = tpu.memref_squeeze %gather3A_865 : memref<1x128x128xf32, #tpu.memory_space<vmem>> -> memref<128x128xf32, #tpu.memory_space<vmem>>
      %gather3A_867 = tpu.vector_load_idx %gather3A_866[%broadcast_in_dim3A_854, %add3A_853] : memref<128x128xf32, #tpu.memory_space<vmem>>[vector<16xi32>, vector<16xi32>], vector<16xf32>,
      tpu.vector_store_idx %arg12[%iota3A, %broadcast_in_dim3A_855], %gather3A_867 : memref<16x640xf32, #tpu.memory_space<vmem>>[vector<16xi32>, vector<16xi32>], vector<16xf32>,
    }
    %scan3A_619 = arith.constant 128 : i32
    %mul3A_620 = arith.constant 640 : i32
    %mul3A_621 = arith.muli %add3A, %mul3A_620 : i32
    "tpu.region"() ({
      %run_scoped3A = tpu.sem_alloc : memref<!tpu.dma_semaphore, #tpu.memory_space<semaphore_mem>>
      %dma_start3A_624 = arith.constant 0 : i32
      %dma_start3A_625 = tpu.memref_slice %arg5[%dma_start3A_624, %mul3A_621] : memref<16x20480xf32, #tpu.memory_space<hbm>> -> memref<16x640xf32, #tpu.memory_space<hbm>>
      %dma_start3A_626 = arith.constant 0 : i32
      %dma_start3A_627 = tpu.memref_slice %arg5[%dma_start3A_626, %mul3A_621] : memref<16x20480xf32, #tpu.memory_space<hbm>> -> memref<16x640xf32, #tpu.memory_space<hbm>>
      tpu.enqueue_dma source(%arg11 : memref<16x640xf32, #tpu.memory_space<vmem>>) target(%dma_start3A_627 : memref<16x640xf32, #tpu.memory_space<hbm>>) target_semaphore(%run_scoped3A : memref<!tpu.dma_semaphore, #tpu.memory_space<semaphore_mem>>)
      %dma_wait3A_628 = arith.constant 0 : i32
      %dma_wait3A_629 = tpu.memref_slice %arg5[%dma_wait3A_628, %mul3A_621] : memref<16x20480xf32, #tpu.memory_space<hbm>> -> memref<16x640xf32, #tpu.memory_space<hbm>>
      %dma_wait3A_630 = arith.constant 0 : i32
      %dma_wait3A_631 = tpu.memref_slice %arg5[%dma_wait3A_630, %mul3A_621] : memref<16x20480xf32, #tpu.memory_space<hbm>> -> memref<16x640xf32, #tpu.memory_space<hbm>>
      tpu.wait_dma2 semaphore(%run_scoped3A : memref<!tpu.dma_semaphore, #tpu.memory_space<semaphore_mem>>) src(%arg11 : memref<16x640xf32, #tpu.memory_space<vmem>>) dst(%dma_wait3A_631 : memref<16x640xf32, #tpu.memory_space<hbm>>)
      tpu.yield
    }) : () -> ()
    %mul3A_622 = arith.constant 640 : i32
    %mul3A_623 = arith.muli %add3A, %mul3A_622 : i32
    "tpu.region"() ({
      %run_scoped3A = tpu.sem_alloc : memref<!tpu.dma_semaphore, #tpu.memory_space<semaphore_mem>>
      %dma_start3A_624 = arith.constant 0 : i32
      %dma_start3A_625 = tpu.memref_slice %arg6[%dma_start3A_624, %mul3A_623] : memref<16x20480xf32, #tpu.memory_space<hbm>> -> memref<16x640xf32, #tpu.memory_space<hbm>>
      %dma_start3A_626 = arith.constant 0 : i32
      %dma_start3A_627 = tpu.memref_slice %arg6[%dma_start3A_626, %mul3A_623] : memref<16x20480xf32, #tpu.memory_space<hbm>> -> memref<16x640xf32, #tpu.memory_space<hbm>>
      tpu.enqueue_dma source(%arg12 : memref<16x640xf32, #tpu.memory_space<vmem>>) target(%dma_start3A_627 : memref<16x640xf32, #tpu.memory_space<hbm>>) target_semaphore(%run_scoped3A : memref<!tpu.dma_semaphore, #tpu.memory_space<semaphore_mem>>)
      %dma_wait3A_628 = arith.constant 0 : i32
      %dma_wait3A_629 = tpu.memref_slice %arg6[%dma_wait3A_628, %mul3A_623] : memref<16x20480xf32, #tpu.memory_space<hbm>> -> memref<16x640xf32, #tpu.memory_space<hbm>>
      %dma_wait3A_630 = arith.constant 0 : i32
      %dma_wait3A_631 = tpu.memref_slice %arg6[%dma_wait3A_630, %mul3A_623] : memref<16x20480xf32, #tpu.memory_space<hbm>> -> memref<16x640xf32, #tpu.memory_space<hbm>>
      tpu.wait_dma2 semaphore(%run_scoped3A : memref<!tpu.dma_semaphore, #tpu.memory_space<semaphore_mem>>) src(%arg12 : memref<16x640xf32, #tpu.memory_space<vmem>>) dst(%dma_wait3A_631 : memref<16x640xf32, #tpu.memory_space<hbm>>)
      tpu.yield
    }) : () -> ()
    return
  }
}

module attributes {stable_mosaic.version = 14 : i64} {
  func.func @_dense_body(%arg0: i32, %arg1: i32, %arg2: memref<1x21x1024xf32, #tpu.memory_space<vmem>>, %arg3: memref<8x1x16x1024xf32, #tpu.memory_space<vmem>>, %arg4: memref<16x1x1x1024xf32, #tpu.memory_space<vmem>>, %arg5: memref<16x1x1x1024xf32, #tpu.memory_space<vmem>>, %arg6: memref<64x16xf32, #tpu.memory_space<vmem>>, %arg7: memref<64x21xf32, #tpu.memory_space<vmem>>, %arg8: memref<64x1xf32, #tpu.memory_space<vmem>>, %arg9: memref<1x64xf32, #tpu.memory_space<vmem>>, %arg10: memref<1x1xf32, #tpu.memory_space<vmem>>, %arg11: memref<8x1024xf32, #tpu.memory_space<vmem>>) attributes {dimension_semantics = [#tpu.dimension_semantics<arbitrary>, #tpu.dimension_semantics<arbitrary>], iteration_bounds = array<i64: 4, 5>, scalar_prefetch = 0 : i64, scratch_operands = 0 : i64, tpu.core_type = #tpu.core_type<tc>, window_params = [{transform_indices = @transform_0, window_bounds = array<i64: 1, 21, 1024>}, {transform_indices = @transform_1, window_bounds = array<i64: 8, 1, 16, 1024>}, {transform_indices = @transform_2, window_bounds = array<i64: 16, 1, 1, 1024>}, {transform_indices = @transform_3, window_bounds = array<i64: 16, 1, 1, 1024>}, {pipeline_mode = #tpu.pipeline_mode<synchronous>, transform_indices = @transform_4, window_bounds = array<i64: 64, 16>}, {pipeline_mode = #tpu.pipeline_mode<synchronous>, transform_indices = @transform_5, window_bounds = array<i64: 64, 21>}, {pipeline_mode = #tpu.pipeline_mode<synchronous>, transform_indices = @transform_6, window_bounds = array<i64: 64, 1>}, {pipeline_mode = #tpu.pipeline_mode<synchronous>, transform_indices = @transform_7, window_bounds = array<i64: 1, 64>}, {pipeline_mode = #tpu.pipeline_mode<synchronous>, transform_indices = @transform_8, window_bounds = array<i64: 1, 1>}, {transform_indices = @transform_9, window_bounds = array<i64: 8, 1024>}]} {
    %get3A = arith.constant 0 : index
    %get3A_0 = arith.constant 0 : index
    %get3A_1 = arith.constant 0 : index
    %get3A_2 = vector.load %arg2[%get3A, %get3A_0, %get3A_1] : memref<1x21x1024xf32, #tpu.memory_space<vmem>>, vector<1x21x1024xf32>
    %get3A_3 = vector.shape_cast %get3A_2 : vector<1x21x1024xf32> to vector<21x1024xf32>
    %get3A_4 = arith.constant 0 : index
    %get3A_5 = arith.constant 0 : index
    %get3A_6 = arith.constant 0 : index
    %get3A_7 = arith.constant 0 : index
    %get3A_8 = vector.load %arg4[%get3A_4, %get3A_5, %get3A_6, %get3A_7] : memref<16x1x1x1024xf32, #tpu.memory_space<vmem>>, vector<16x1x1x1024xf32>
    %get3A_9 = vector.shape_cast %get3A_8 : vector<16x1x1x1024xf32> to vector<16x1024xf32>
    %get3A_10 = arith.constant 0 : index
    %get3A_11 = arith.constant 0 : index
    %get3A_12 = arith.constant 0 : index
    %get3A_13 = arith.constant 0 : index
    %get3A_14 = vector.load %arg5[%get3A_10, %get3A_11, %get3A_12, %get3A_13] : memref<16x1x1x1024xf32, #tpu.memory_space<vmem>>, vector<16x1x1x1024xf32>
    %get3A_15 = vector.shape_cast %get3A_14 : vector<16x1x1x1024xf32> to vector<16x1024xf32>
    %exp3A = math.exp %get3A_15 : vector<16x1024xf32>
    %get3A_16 = arith.constant 0 : index
    %get3A_17 = arith.constant 0 : index
    %get3A_18 = vector.load %arg6[%get3A_16, %get3A_17] : memref<64x16xf32, #tpu.memory_space<vmem>>, vector<64x16xf32>
    %get3A_19 = arith.constant 0 : index
    %get3A_20 = arith.constant 0 : index
    %get3A_21 = vector.load %arg7[%get3A_19, %get3A_20] : memref<64x21xf32, #tpu.memory_space<vmem>>, vector<64x21xf32>
    %get3A_22 = arith.constant 0 : index
    %get3A_23 = arith.constant 0 : index
    %get3A_24 = vector.load %arg8[%get3A_22, %get3A_23] : memref<64x1xf32, #tpu.memory_space<vmem>>, vector<64x1xf32>
    %get3A_25 = arith.constant 0 : index
    %get3A_26 = arith.constant 0 : index
    %get3A_27 = vector.load %arg9[%get3A_25, %get3A_26] : memref<1x64xf32, #tpu.memory_space<vmem>>, vector<1x64xf32>
    %slice3A = vector.extract_strided_slice %get3A_3 {offsets = [17, 0], sizes = [1, 1024], strides = [1, 1]} : vector<21x1024xf32> to vector<1x1024xf32>
    %slice3A_28 = vector.extract_strided_slice %get3A_3 {offsets = [18, 0], sizes = [1, 1024], strides = [1, 1]} : vector<21x1024xf32> to vector<1x1024xf32>
    %slice3A_29 = vector.extract_strided_slice %get3A_3 {offsets = [19, 0], sizes = [1, 1024], strides = [1, 1]} : vector<21x1024xf32> to vector<1x1024xf32>
    %slice3A_30 = vector.extract_strided_slice %get3A_3 {offsets = [20, 0], sizes = [1, 1024], strides = [1, 1]} : vector<21x1024xf32> to vector<1x1024xf32>
    %mul3A = arith.mulf %slice3A, %slice3A : vector<1x1024xf32>
    %mul3A_31 = arith.mulf %slice3A_28, %slice3A_28 : vector<1x1024xf32>
    %add3A = arith.addf %mul3A, %mul3A_31 : vector<1x1024xf32>
    %mul3A_32 = arith.mulf %slice3A_29, %slice3A_29 : vector<1x1024xf32>
    %add3A_33 = arith.addf %add3A, %mul3A_32 : vector<1x1024xf32>
    %mul3A_34 = arith.mulf %slice3A_30, %slice3A_30 : vector<1x1024xf32>
    %add3A_35 = arith.addf %add3A_33, %mul3A_34 : vector<1x1024xf32>
    %div3A = arith.constant 2.000000e+00 : f32
    %div3A_36 = vector.broadcast %div3A : f32 to vector<1x1024xf32>
    %div3A_37 = arith.divf %div3A_36, %add3A_35 : vector<1x1024xf32>
    %mul3A_38 = arith.mulf %slice3A, %slice3A : vector<1x1024xf32>
    %mul3A_39 = arith.mulf %mul3A_38, %div3A_37 : vector<1x1024xf32>
    %mul3A_40 = arith.mulf %slice3A_28, %slice3A_28 : vector<1x1024xf32>
    %mul3A_41 = arith.mulf %mul3A_40, %div3A_37 : vector<1x1024xf32>
    %mul3A_42 = arith.mulf %slice3A_29, %slice3A_29 : vector<1x1024xf32>
    %mul3A_43 = arith.mulf %mul3A_42, %div3A_37 : vector<1x1024xf32>
    %mul3A_44 = arith.mulf %slice3A, %slice3A_28 : vector<1x1024xf32>
    %mul3A_45 = arith.mulf %mul3A_44, %div3A_37 : vector<1x1024xf32>
    %mul3A_46 = arith.mulf %slice3A, %slice3A_29 : vector<1x1024xf32>
    %mul3A_47 = arith.mulf %mul3A_46, %div3A_37 : vector<1x1024xf32>
    %mul3A_48 = arith.mulf %slice3A_28, %slice3A_29 : vector<1x1024xf32>
    %mul3A_49 = arith.mulf %mul3A_48, %div3A_37 : vector<1x1024xf32>
    %mul3A_50 = arith.mulf %slice3A, %slice3A_30 : vector<1x1024xf32>
    %mul3A_51 = arith.mulf %mul3A_50, %div3A_37 : vector<1x1024xf32>
    %mul3A_52 = arith.mulf %slice3A_28, %slice3A_30 : vector<1x1024xf32>
    %mul3A_53 = arith.mulf %mul3A_52, %div3A_37 : vector<1x1024xf32>
    %mul3A_54 = arith.mulf %slice3A_29, %slice3A_30 : vector<1x1024xf32>
    %mul3A_55 = arith.mulf %mul3A_54, %div3A_37 : vector<1x1024xf32>
    %sub3A = arith.constant 1.000000e+00 : f32
    %sub3A_56 = vector.broadcast %sub3A : f32 to vector<1x1024xf32>
    %sub3A_57 = arith.subf %sub3A_56, %mul3A_41 : vector<1x1024xf32>
    %sub3A_58 = arith.subf %sub3A_57, %mul3A_43 : vector<1x1024xf32>
    %sub3A_59 = arith.subf %mul3A_45, %mul3A_55 : vector<1x1024xf32>
    %add3A_60 = arith.addf %mul3A_47, %mul3A_53 : vector<1x1024xf32>
    %add3A_61 = arith.addf %mul3A_45, %mul3A_55 : vector<1x1024xf32>
    %sub3A_62 = arith.constant 1.000000e+00 : f32
    %sub3A_63 = vector.broadcast %sub3A_62 : f32 to vector<1x1024xf32>
    %sub3A_64 = arith.subf %sub3A_63, %mul3A_39 : vector<1x1024xf32>
    %sub3A_65 = arith.subf %sub3A_64, %mul3A_43 : vector<1x1024xf32>
    %sub3A_66 = arith.subf %mul3A_49, %mul3A_51 : vector<1x1024xf32>
    %sub3A_67 = arith.subf %mul3A_47, %mul3A_53 : vector<1x1024xf32>
    %add3A_68 = arith.addf %mul3A_49, %mul3A_51 : vector<1x1024xf32>
    %sub3A_69 = arith.constant 1.000000e+00 : f32
    %sub3A_70 = vector.broadcast %sub3A_69 : f32 to vector<1x1024xf32>
    %sub3A_71 = arith.subf %sub3A_70, %mul3A_39 : vector<1x1024xf32>
    %sub3A_72 = arith.subf %sub3A_71, %mul3A_41 : vector<1x1024xf32>
    %slice3A_73 = vector.extract_strided_slice %get3A_18 {offsets = [0, 13], sizes = [64, 1], strides = [1, 1]} : vector<64x16xf32> to vector<64x1xf32>
    %slice3A_74 = vector.extract_strided_slice %get3A_18 {offsets = [0, 14], sizes = [64, 1], strides = [1, 1]} : vector<64x16xf32> to vector<64x1xf32>
    %slice3A_75 = vector.extract_strided_slice %get3A_18 {offsets = [0, 15], sizes = [64, 1], strides = [1, 1]} : vector<64x16xf32> to vector<64x1xf32>
    %mul3A_76 = vector.broadcast %slice3A_73 : vector<64x1xf32> to vector<64x1024xf32>
    %mul3A_77 = vector.broadcast %sub3A_58 : vector<1x1024xf32> to vector<64x1024xf32>
    %mul3A_78 = arith.mulf %mul3A_76, %mul3A_77 : vector<64x1024xf32>
    %mul3A_79 = vector.broadcast %slice3A_74 : vector<64x1xf32> to vector<64x1024xf32>
    %mul3A_80 = vector.broadcast %add3A_61 : vector<1x1024xf32> to vector<64x1024xf32>
    %mul3A_81 = arith.mulf %mul3A_79, %mul3A_80 : vector<64x1024xf32>
    %add3A_82 = arith.addf %mul3A_78, %mul3A_81 : vector<64x1024xf32>
    %mul3A_83 = vector.broadcast %slice3A_75 : vector<64x1xf32> to vector<64x1024xf32>
    %mul3A_84 = vector.broadcast %sub3A_67 : vector<1x1024xf32> to vector<64x1024xf32>
    %mul3A_85 = arith.mulf %mul3A_83, %mul3A_84 : vector<64x1024xf32>
    %add3A_86 = arith.addf %add3A_82, %mul3A_85 : vector<64x1024xf32>
    %sub3A_87 = vector.broadcast %slice3A_73 : vector<64x1xf32> to vector<64x1024xf32>
    %sub3A_88 = arith.subf %add3A_86, %sub3A_87 : vector<64x1024xf32>
    %mul3A_89 = vector.broadcast %slice3A_73 : vector<64x1xf32> to vector<64x1024xf32>
    %mul3A_90 = vector.broadcast %sub3A_59 : vector<1x1024xf32> to vector<64x1024xf32>
    %mul3A_91 = arith.mulf %mul3A_89, %mul3A_90 : vector<64x1024xf32>
    %mul3A_92 = vector.broadcast %slice3A_74 : vector<64x1xf32> to vector<64x1024xf32>
    %mul3A_93 = vector.broadcast %sub3A_65 : vector<1x1024xf32> to vector<64x1024xf32>
    %mul3A_94 = arith.mulf %mul3A_92, %mul3A_93 : vector<64x1024xf32>
    %add3A_95 = arith.addf %mul3A_91, %mul3A_94 : vector<64x1024xf32>
    %mul3A_96 = vector.broadcast %slice3A_75 : vector<64x1xf32> to vector<64x1024xf32>
    %mul3A_97 = vector.broadcast %add3A_68 : vector<1x1024xf32> to vector<64x1024xf32>
    %mul3A_98 = arith.mulf %mul3A_96, %mul3A_97 : vector<64x1024xf32>
    %add3A_99 = arith.addf %add3A_95, %mul3A_98 : vector<64x1024xf32>
    %sub3A_100 = vector.broadcast %slice3A_74 : vector<64x1xf32> to vector<64x1024xf32>
    %sub3A_101 = arith.subf %add3A_99, %sub3A_100 : vector<64x1024xf32>
    %mul3A_102 = vector.broadcast %slice3A_73 : vector<64x1xf32> to vector<64x1024xf32>
    %mul3A_103 = vector.broadcast %add3A_60 : vector<1x1024xf32> to vector<64x1024xf32>
    %mul3A_104 = arith.mulf %mul3A_102, %mul3A_103 : vector<64x1024xf32>
    %mul3A_105 = vector.broadcast %slice3A_74 : vector<64x1xf32> to vector<64x1024xf32>
    %mul3A_106 = vector.broadcast %sub3A_66 : vector<1x1024xf32> to vector<64x1024xf32>
    %mul3A_107 = arith.mulf %mul3A_105, %mul3A_106 : vector<64x1024xf32>
    %add3A_108 = arith.addf %mul3A_104, %mul3A_107 : vector<64x1024xf32>
    %mul3A_109 = vector.broadcast %slice3A_75 : vector<64x1xf32> to vector<64x1024xf32>
    %mul3A_110 = vector.broadcast %sub3A_72 : vector<1x1024xf32> to vector<64x1024xf32>
    %mul3A_111 = arith.mulf %mul3A_109, %mul3A_110 : vector<64x1024xf32>
    %add3A_112 = arith.addf %add3A_108, %mul3A_111 : vector<64x1024xf32>
    %sub3A_113 = vector.broadcast %slice3A_75 : vector<64x1xf32> to vector<64x1024xf32>
    %sub3A_114 = arith.subf %add3A_112, %sub3A_113 : vector<64x1024xf32>
    %dot_general3A = arith.constant dense<0.000000e+00> : vector<64x1024xf32>
    %dot_general3A_115 = tpu.matmul %get3A_21, %get3A_3, %dot_general3A {dimension_numbers = #tpu.dot_dimension_numbers<[1], [0], [0], [1], [0, 0, 1, 1], [], []>, transpose_lhs_hint = false} : vector<64x21xf32>, vector<21x1024xf32>, vector<64x1024xf32> -> vector<64x1024xf32>
    %dot_general3A_116 = arith.constant dense<0.000000e+00> : vector<64x1024xf32>
    %dot_general3A_117 = tpu.matmul %get3A_18, %get3A_9, %dot_general3A_116 {dimension_numbers = #tpu.dot_dimension_numbers<[1], [0], [0], [1], [0, 0, 1, 1], [], []>, transpose_lhs_hint = false} : vector<64x16xf32>, vector<16x1024xf32>, vector<64x1024xf32> -> vector<64x1024xf32>
    %add3A_118 = arith.addf %dot_general3A_115, %dot_general3A_117 : vector<64x1024xf32>
    %add3A_119 = vector.broadcast %get3A_24 : vector<64x1xf32> to vector<64x1024xf32>
    %add3A_120 = arith.addf %add3A_118, %add3A_119 : vector<64x1024xf32>
    %slice3A_121 = vector.extract_strided_slice %get3A_9 {offsets = [13, 0], sizes = [1, 1024], strides = [1, 1]} : vector<16x1024xf32> to vector<1x1024xf32>
    %mul3A_122 = vector.broadcast %slice3A_121 : vector<1x1024xf32> to vector<64x1024xf32>
    %mul3A_123 = arith.mulf %mul3A_122, %sub3A_88 : vector<64x1024xf32>
    %add3A_124 = arith.addf %add3A_120, %mul3A_123 : vector<64x1024xf32>
    %slice3A_125 = vector.extract_strided_slice %get3A_9 {offsets = [14, 0], sizes = [1, 1024], strides = [1, 1]} : vector<16x1024xf32> to vector<1x1024xf32>
    %mul3A_126 = vector.broadcast %slice3A_125 : vector<1x1024xf32> to vector<64x1024xf32>
    %mul3A_127 = arith.mulf %mul3A_126, %sub3A_101 : vector<64x1024xf32>
    %add3A_128 = arith.addf %add3A_124, %mul3A_127 : vector<64x1024xf32>
    %slice3A_129 = vector.extract_strided_slice %get3A_9 {offsets = [15, 0], sizes = [1, 1024], strides = [1, 1]} : vector<16x1024xf32> to vector<1x1024xf32>
    %mul3A_130 = vector.broadcast %slice3A_129 : vector<1x1024xf32> to vector<64x1024xf32>
    %mul3A_131 = arith.mulf %mul3A_130, %sub3A_114 : vector<64x1024xf32>
    %add3A_132 = arith.addf %add3A_128, %mul3A_131 : vector<64x1024xf32>
    %get3A_133 = arith.constant 0 : index
    %get3A_134 = arith.constant 0 : index
    %get3A_135 = arith.constant 0 : index
    %get3A_136 = arith.constant 0 : index
    %get3A_137 = vector.load %arg3[%get3A_133, %get3A_134, %get3A_135, %get3A_136] : memref<8x1x16x1024xf32, #tpu.memory_space<vmem>>, vector<1x1x16x1024xf32>
    %get3A_138 = vector.shape_cast %get3A_137 : vector<1x1x16x1024xf32> to vector<16x1024xf32>
    %mul3A_139 = arith.mulf %get3A_138, %exp3A : vector<16x1024xf32>
    %dot_general3A_140 = arith.constant dense<0.000000e+00> : vector<64x1024xf32>
    %dot_general3A_141 = tpu.matmul %get3A_18, %mul3A_139, %dot_general3A_140 {dimension_numbers = #tpu.dot_dimension_numbers<[1], [0], [0], [1], [0, 0, 1, 1], [], []>, transpose_lhs_hint = false} : vector<64x16xf32>, vector<16x1024xf32>, vector<64x1024xf32> -> vector<64x1024xf32>
    %slice3A_142 = vector.extract_strided_slice %mul3A_139 {offsets = [13, 0], sizes = [1, 1024], strides = [1, 1]} : vector<16x1024xf32> to vector<1x1024xf32>
    %mul3A_143 = vector.broadcast %slice3A_142 : vector<1x1024xf32> to vector<64x1024xf32>
    %mul3A_144 = arith.mulf %mul3A_143, %sub3A_88 : vector<64x1024xf32>
    %add3A_145 = arith.addf %dot_general3A_141, %mul3A_144 : vector<64x1024xf32>
    %slice3A_146 = vector.extract_strided_slice %mul3A_139 {offsets = [14, 0], sizes = [1, 1024], strides = [1, 1]} : vector<16x1024xf32> to vector<1x1024xf32>
    %mul3A_147 = vector.broadcast %slice3A_146 : vector<1x1024xf32> to vector<64x1024xf32>
    %mul3A_148 = arith.mulf %mul3A_147, %sub3A_101 : vector<64x1024xf32>
    %add3A_149 = arith.addf %add3A_145, %mul3A_148 : vector<64x1024xf32>
    %slice3A_150 = vector.extract_strided_slice %mul3A_139 {offsets = [15, 0], sizes = [1, 1024], strides = [1, 1]} : vector<16x1024xf32> to vector<1x1024xf32>
    %mul3A_151 = vector.broadcast %slice3A_150 : vector<1x1024xf32> to vector<64x1024xf32>
    %mul3A_152 = arith.mulf %mul3A_151, %sub3A_114 : vector<64x1024xf32>
    %add3A_153 = arith.addf %add3A_149, %mul3A_152 : vector<64x1024xf32>
    %add3A_154 = arith.addf %add3A_153, %add3A_132 : vector<64x1024xf32>
    %max3A = arith.constant 0.000000e+00 : f32
    %max3A_155 = vector.broadcast %max3A : f32 to vector<64x1024xf32>
    %max3A_156 = arith.maximumf %add3A_154, %max3A_155 : vector<64x1024xf32>
    %dot_general3A_157 = arith.constant dense<0.000000e+00> : vector<1x1024xf32>
    %dot_general3A_158 = tpu.matmul %get3A_27, %max3A_156, %dot_general3A_157 {dimension_numbers = #tpu.dot_dimension_numbers<[1], [0], [0], [1], [0, 0, 1, 1], [], []>, transpose_lhs_hint = false} : vector<1x64xf32>, vector<64x1024xf32>, vector<1x1024xf32> -> vector<1x1024xf32>
    %get3A_159 = arith.constant 1 : index
    %get3A_160 = arith.constant 0 : index
    %get3A_161 = arith.constant 0 : index
    %get3A_162 = arith.constant 0 : index
    %get3A_163 = vector.load %arg3[%get3A_159, %get3A_160, %get3A_161, %get3A_162] : memref<8x1x16x1024xf32, #tpu.memory_space<vmem>>, vector<1x1x16x1024xf32>
    %get3A_164 = vector.shape_cast %get3A_163 : vector<1x1x16x1024xf32> to vector<16x1024xf32>
    %mul3A_165 = arith.mulf %get3A_164, %exp3A : vector<16x1024xf32>
    %dot_general3A_166 = arith.constant dense<0.000000e+00> : vector<64x1024xf32>
    %dot_general3A_167 = tpu.matmul %get3A_18, %mul3A_165, %dot_general3A_166 {dimension_numbers = #tpu.dot_dimension_numbers<[1], [0], [0], [1], [0, 0, 1, 1], [], []>, transpose_lhs_hint = false} : vector<64x16xf32>, vector<16x1024xf32>, vector<64x1024xf32> -> vector<64x1024xf32>
    %slice3A_168 = vector.extract_strided_slice %mul3A_165 {offsets = [13, 0], sizes = [1, 1024], strides = [1, 1]} : vector<16x1024xf32> to vector<1x1024xf32>
    %mul3A_169 = vector.broadcast %slice3A_168 : vector<1x1024xf32> to vector<64x1024xf32>
    %mul3A_170 = arith.mulf %mul3A_169, %sub3A_88 : vector<64x1024xf32>
    %add3A_171 = arith.addf %dot_general3A_167, %mul3A_170 : vector<64x1024xf32>
    %slice3A_172 = vector.extract_strided_slice %mul3A_165 {offsets = [14, 0], sizes = [1, 1024], strides = [1, 1]} : vector<16x1024xf32> to vector<1x1024xf32>
    %mul3A_173 = vector.broadcast %slice3A_172 : vector<1x1024xf32> to vector<64x1024xf32>
    %mul3A_174 = arith.mulf %mul3A_173, %sub3A_101 : vector<64x1024xf32>
    %add3A_175 = arith.addf %add3A_171, %mul3A_174 : vector<64x1024xf32>
    %slice3A_176 = vector.extract_strided_slice %mul3A_165 {offsets = [15, 0], sizes = [1, 1024], strides = [1, 1]} : vector<16x1024xf32> to vector<1x1024xf32>
    %mul3A_177 = vector.broadcast %slice3A_176 : vector<1x1024xf32> to vector<64x1024xf32>
    %mul3A_178 = arith.mulf %mul3A_177, %sub3A_114 : vector<64x1024xf32>
    %add3A_179 = arith.addf %add3A_175, %mul3A_178 : vector<64x1024xf32>
    %add3A_180 = arith.addf %add3A_179, %add3A_132 : vector<64x1024xf32>
    %max3A_181 = arith.constant 0.000000e+00 : f32
    %max3A_182 = vector.broadcast %max3A_181 : f32 to vector<64x1024xf32>
    %max3A_183 = arith.maximumf %add3A_180, %max3A_182 : vector<64x1024xf32>
    %dot_general3A_184 = arith.constant dense<0.000000e+00> : vector<1x1024xf32>
    %dot_general3A_185 = tpu.matmul %get3A_27, %max3A_183, %dot_general3A_184 {dimension_numbers = #tpu.dot_dimension_numbers<[1], [0], [0], [1], [0, 0, 1, 1], [], []>, transpose_lhs_hint = false} : vector<1x64xf32>, vector<64x1024xf32>, vector<1x1024xf32> -> vector<1x1024xf32>
    %get3A_186 = arith.constant 2 : index
    %get3A_187 = arith.constant 0 : index
    %get3A_188 = arith.constant 0 : index
    %get3A_189 = arith.constant 0 : index
    %get3A_190 = vector.load %arg3[%get3A_186, %get3A_187, %get3A_188, %get3A_189] : memref<8x1x16x1024xf32, #tpu.memory_space<vmem>>, vector<1x1x16x1024xf32>
    %get3A_191 = vector.shape_cast %get3A_190 : vector<1x1x16x1024xf32> to vector<16x1024xf32>
    %mul3A_192 = arith.mulf %get3A_191, %exp3A : vector<16x1024xf32>
    %dot_general3A_193 = arith.constant dense<0.000000e+00> : vector<64x1024xf32>
    %dot_general3A_194 = tpu.matmul %get3A_18, %mul3A_192, %dot_general3A_193 {dimension_numbers = #tpu.dot_dimension_numbers<[1], [0], [0], [1], [0, 0, 1, 1], [], []>, transpose_lhs_hint = false} : vector<64x16xf32>, vector<16x1024xf32>, vector<64x1024xf32> -> vector<64x1024xf32>
    %slice3A_195 = vector.extract_strided_slice %mul3A_192 {offsets = [13, 0], sizes = [1, 1024], strides = [1, 1]} : vector<16x1024xf32> to vector<1x1024xf32>
    %mul3A_196 = vector.broadcast %slice3A_195 : vector<1x1024xf32> to vector<64x1024xf32>
    %mul3A_197 = arith.mulf %mul3A_196, %sub3A_88 : vector<64x1024xf32>
    %add3A_198 = arith.addf %dot_general3A_194, %mul3A_197 : vector<64x1024xf32>
    %slice3A_199 = vector.extract_strided_slice %mul3A_192 {offsets = [14, 0], sizes = [1, 1024], strides = [1, 1]} : vector<16x1024xf32> to vector<1x1024xf32>
    %mul3A_200 = vector.broadcast %slice3A_199 : vector<1x1024xf32> to vector<64x1024xf32>
    %mul3A_201 = arith.mulf %mul3A_200, %sub3A_101 : vector<64x1024xf32>
    %add3A_202 = arith.addf %add3A_198, %mul3A_201 : vector<64x1024xf32>
    %slice3A_203 = vector.extract_strided_slice %mul3A_192 {offsets = [15, 0], sizes = [1, 1024], strides = [1, 1]} : vector<16x1024xf32> to vector<1x1024xf32>
    %mul3A_204 = vector.broadcast %slice3A_203 : vector<1x1024xf32> to vector<64x1024xf32>
    %mul3A_205 = arith.mulf %mul3A_204, %sub3A_114 : vector<64x1024xf32>
    %add3A_206 = arith.addf %add3A_202, %mul3A_205 : vector<64x1024xf32>
    %add3A_207 = arith.addf %add3A_206, %add3A_132 : vector<64x1024xf32>
    %max3A_208 = arith.constant 0.000000e+00 : f32
    %max3A_209 = vector.broadcast %max3A_208 : f32 to vector<64x1024xf32>
    %max3A_210 = arith.maximumf %add3A_207, %max3A_209 : vector<64x1024xf32>
    %dot_general3A_211 = arith.constant dense<0.000000e+00> : vector<1x1024xf32>
    %dot_general3A_212 = tpu.matmul %get3A_27, %max3A_210, %dot_general3A_211 {dimension_numbers = #tpu.dot_dimension_numbers<[1], [0], [0], [1], [0, 0, 1, 1], [], []>, transpose_lhs_hint = false} : vector<1x64xf32>, vector<64x1024xf32>, vector<1x1024xf32> -> vector<1x1024xf32>
    %get3A_213 = arith.constant 3 : index
    %get3A_214 = arith.constant 0 : index
    %get3A_215 = arith.constant 0 : index
    %get3A_216 = arith.constant 0 : index
    %get3A_217 = vector.load %arg3[%get3A_213, %get3A_214, %get3A_215, %get3A_216] : memref<8x1x16x1024xf32, #tpu.memory_space<vmem>>, vector<1x1x16x1024xf32>
    %get3A_218 = vector.shape_cast %get3A_217 : vector<1x1x16x1024xf32> to vector<16x1024xf32>
    %mul3A_219 = arith.mulf %get3A_218, %exp3A : vector<16x1024xf32>
    %dot_general3A_220 = arith.constant dense<0.000000e+00> : vector<64x1024xf32>
    %dot_general3A_221 = tpu.matmul %get3A_18, %mul3A_219, %dot_general3A_220 {dimension_numbers = #tpu.dot_dimension_numbers<[1], [0], [0], [1], [0, 0, 1, 1], [], []>, transpose_lhs_hint = false} : vector<64x16xf32>, vector<16x1024xf32>, vector<64x1024xf32> -> vector<64x1024xf32>
    %slice3A_222 = vector.extract_strided_slice %mul3A_219 {offsets = [13, 0], sizes = [1, 1024], strides = [1, 1]} : vector<16x1024xf32> to vector<1x1024xf32>
    %mul3A_223 = vector.broadcast %slice3A_222 : vector<1x1024xf32> to vector<64x1024xf32>
    %mul3A_224 = arith.mulf %mul3A_223, %sub3A_88 : vector<64x1024xf32>
    %add3A_225 = arith.addf %dot_general3A_221, %mul3A_224 : vector<64x1024xf32>
    %slice3A_226 = vector.extract_strided_slice %mul3A_219 {offsets = [14, 0], sizes = [1, 1024], strides = [1, 1]} : vector<16x1024xf32> to vector<1x1024xf32>
    %mul3A_227 = vector.broadcast %slice3A_226 : vector<1x1024xf32> to vector<64x1024xf32>
    %mul3A_228 = arith.mulf %mul3A_227, %sub3A_101 : vector<64x1024xf32>
    %add3A_229 = arith.addf %add3A_225, %mul3A_228 : vector<64x1024xf32>
    %slice3A_230 = vector.extract_strided_slice %mul3A_219 {offsets = [15, 0], sizes = [1, 1024], strides = [1, 1]} : vector<16x1024xf32> to vector<1x1024xf32>
    %mul3A_231 = vector.broadcast %slice3A_230 : vector<1x1024xf32> to vector<64x1024xf32>
    %mul3A_232 = arith.mulf %mul3A_231, %sub3A_114 : vector<64x1024xf32>
    %add3A_233 = arith.addf %add3A_229, %mul3A_232 : vector<64x1024xf32>
    %add3A_234 = arith.addf %add3A_233, %add3A_132 : vector<64x1024xf32>
    %max3A_235 = arith.constant 0.000000e+00 : f32
    %max3A_236 = vector.broadcast %max3A_235 : f32 to vector<64x1024xf32>
    %max3A_237 = arith.maximumf %add3A_234, %max3A_236 : vector<64x1024xf32>
    %dot_general3A_238 = arith.constant dense<0.000000e+00> : vector<1x1024xf32>
    %dot_general3A_239 = tpu.matmul %get3A_27, %max3A_237, %dot_general3A_238 {dimension_numbers = #tpu.dot_dimension_numbers<[1], [0], [0], [1], [0, 0, 1, 1], [], []>, transpose_lhs_hint = false} : vector<1x64xf32>, vector<64x1024xf32>, vector<1x1024xf32> -> vector<1x1024xf32>
    %get3A_240 = arith.constant 4 : index
    %get3A_241 = arith.constant 0 : index
    %get3A_242 = arith.constant 0 : index
    %get3A_243 = arith.constant 0 : index
    %get3A_244 = vector.load %arg3[%get3A_240, %get3A_241, %get3A_242, %get3A_243] : memref<8x1x16x1024xf32, #tpu.memory_space<vmem>>, vector<1x1x16x1024xf32>
    %get3A_245 = vector.shape_cast %get3A_244 : vector<1x1x16x1024xf32> to vector<16x1024xf32>
    %mul3A_246 = arith.mulf %get3A_245, %exp3A : vector<16x1024xf32>
    %dot_general3A_247 = arith.constant dense<0.000000e+00> : vector<64x1024xf32>
    %dot_general3A_248 = tpu.matmul %get3A_18, %mul3A_246, %dot_general3A_247 {dimension_numbers = #tpu.dot_dimension_numbers<[1], [0], [0], [1], [0, 0, 1, 1], [], []>, transpose_lhs_hint = false} : vector<64x16xf32>, vector<16x1024xf32>, vector<64x1024xf32> -> vector<64x1024xf32>
    %slice3A_249 = vector.extract_strided_slice %mul3A_246 {offsets = [13, 0], sizes = [1, 1024], strides = [1, 1]} : vector<16x1024xf32> to vector<1x1024xf32>
    %mul3A_250 = vector.broadcast %slice3A_249 : vector<1x1024xf32> to vector<64x1024xf32>
    %mul3A_251 = arith.mulf %mul3A_250, %sub3A_88 : vector<64x1024xf32>
    %add3A_252 = arith.addf %dot_general3A_248, %mul3A_251 : vector<64x1024xf32>
    %slice3A_253 = vector.extract_strided_slice %mul3A_246 {offsets = [14, 0], sizes = [1, 1024], strides = [1, 1]} : vector<16x1024xf32> to vector<1x1024xf32>
    %mul3A_254 = vector.broadcast %slice3A_253 : vector<1x1024xf32> to vector<64x1024xf32>
    %mul3A_255 = arith.mulf %mul3A_254, %sub3A_101 : vector<64x1024xf32>
    %add3A_256 = arith.addf %add3A_252, %mul3A_255 : vector<64x1024xf32>
    %slice3A_257 = vector.extract_strided_slice %mul3A_246 {offsets = [15, 0], sizes = [1, 1024], strides = [1, 1]} : vector<16x1024xf32> to vector<1x1024xf32>
    %mul3A_258 = vector.broadcast %slice3A_257 : vector<1x1024xf32> to vector<64x1024xf32>
    %mul3A_259 = arith.mulf %mul3A_258, %sub3A_114 : vector<64x1024xf32>
    %add3A_260 = arith.addf %add3A_256, %mul3A_259 : vector<64x1024xf32>
    %add3A_261 = arith.addf %add3A_260, %add3A_132 : vector<64x1024xf32>
    %max3A_262 = arith.constant 0.000000e+00 : f32
    %max3A_263 = vector.broadcast %max3A_262 : f32 to vector<64x1024xf32>
    %max3A_264 = arith.maximumf %add3A_261, %max3A_263 : vector<64x1024xf32>
    %dot_general3A_265 = arith.constant dense<0.000000e+00> : vector<1x1024xf32>
    %dot_general3A_266 = tpu.matmul %get3A_27, %max3A_264, %dot_general3A_265 {dimension_numbers = #tpu.dot_dimension_numbers<[1], [0], [0], [1], [0, 0, 1, 1], [], []>, transpose_lhs_hint = false} : vector<1x64xf32>, vector<64x1024xf32>, vector<1x1024xf32> -> vector<1x1024xf32>
    %get3A_267 = arith.constant 5 : index
    %get3A_268 = arith.constant 0 : index
    %get3A_269 = arith.constant 0 : index
    %get3A_270 = arith.constant 0 : index
    %get3A_271 = vector.load %arg3[%get3A_267, %get3A_268, %get3A_269, %get3A_270] : memref<8x1x16x1024xf32, #tpu.memory_space<vmem>>, vector<1x1x16x1024xf32>
    %get3A_272 = vector.shape_cast %get3A_271 : vector<1x1x16x1024xf32> to vector<16x1024xf32>
    %mul3A_273 = arith.mulf %get3A_272, %exp3A : vector<16x1024xf32>
    %dot_general3A_274 = arith.constant dense<0.000000e+00> : vector<64x1024xf32>
    %dot_general3A_275 = tpu.matmul %get3A_18, %mul3A_273, %dot_general3A_274 {dimension_numbers = #tpu.dot_dimension_numbers<[1], [0], [0], [1], [0, 0, 1, 1], [], []>, transpose_lhs_hint = false} : vector<64x16xf32>, vector<16x1024xf32>, vector<64x1024xf32> -> vector<64x1024xf32>
    %slice3A_276 = vector.extract_strided_slice %mul3A_273 {offsets = [13, 0], sizes = [1, 1024], strides = [1, 1]} : vector<16x1024xf32> to vector<1x1024xf32>
    %mul3A_277 = vector.broadcast %slice3A_276 : vector<1x1024xf32> to vector<64x1024xf32>
    %mul3A_278 = arith.mulf %mul3A_277, %sub3A_88 : vector<64x1024xf32>
    %add3A_279 = arith.addf %dot_general3A_275, %mul3A_278 : vector<64x1024xf32>
    %slice3A_280 = vector.extract_strided_slice %mul3A_273 {offsets = [14, 0], sizes = [1, 1024], strides = [1, 1]} : vector<16x1024xf32> to vector<1x1024xf32>
    %mul3A_281 = vector.broadcast %slice3A_280 : vector<1x1024xf32> to vector<64x1024xf32>
    %mul3A_282 = arith.mulf %mul3A_281, %sub3A_101 : vector<64x1024xf32>
    %add3A_283 = arith.addf %add3A_279, %mul3A_282 : vector<64x1024xf32>
    %slice3A_284 = vector.extract_strided_slice %mul3A_273 {offsets = [15, 0], sizes = [1, 1024], strides = [1, 1]} : vector<16x1024xf32> to vector<1x1024xf32>
    %mul3A_285 = vector.broadcast %slice3A_284 : vector<1x1024xf32> to vector<64x1024xf32>
    %mul3A_286 = arith.mulf %mul3A_285, %sub3A_114 : vector<64x1024xf32>
    %add3A_287 = arith.addf %add3A_283, %mul3A_286 : vector<64x1024xf32>
    %add3A_288 = arith.addf %add3A_287, %add3A_132 : vector<64x1024xf32>
    %max3A_289 = arith.constant 0.000000e+00 : f32
    %max3A_290 = vector.broadcast %max3A_289 : f32 to vector<64x1024xf32>
    %max3A_291 = arith.maximumf %add3A_288, %max3A_290 : vector<64x1024xf32>
    %dot_general3A_292 = arith.constant dense<0.000000e+00> : vector<1x1024xf32>
    %dot_general3A_293 = tpu.matmul %get3A_27, %max3A_291, %dot_general3A_292 {dimension_numbers = #tpu.dot_dimension_numbers<[1], [0], [0], [1], [0, 0, 1, 1], [], []>, transpose_lhs_hint = false} : vector<1x64xf32>, vector<64x1024xf32>, vector<1x1024xf32> -> vector<1x1024xf32>
    %get3A_294 = arith.constant 6 : index
    %get3A_295 = arith.constant 0 : index
    %get3A_296 = arith.constant 0 : index
    %get3A_297 = arith.constant 0 : index
    %get3A_298 = vector.load %arg3[%get3A_294, %get3A_295, %get3A_296, %get3A_297] : memref<8x1x16x1024xf32, #tpu.memory_space<vmem>>, vector<1x1x16x1024xf32>
    %get3A_299 = vector.shape_cast %get3A_298 : vector<1x1x16x1024xf32> to vector<16x1024xf32>
    %mul3A_300 = arith.mulf %get3A_299, %exp3A : vector<16x1024xf32>
    %dot_general3A_301 = arith.constant dense<0.000000e+00> : vector<64x1024xf32>
    %dot_general3A_302 = tpu.matmul %get3A_18, %mul3A_300, %dot_general3A_301 {dimension_numbers = #tpu.dot_dimension_numbers<[1], [0], [0], [1], [0, 0, 1, 1], [], []>, transpose_lhs_hint = false} : vector<64x16xf32>, vector<16x1024xf32>, vector<64x1024xf32> -> vector<64x1024xf32>
    %slice3A_303 = vector.extract_strided_slice %mul3A_300 {offsets = [13, 0], sizes = [1, 1024], strides = [1, 1]} : vector<16x1024xf32> to vector<1x1024xf32>
    %mul3A_304 = vector.broadcast %slice3A_303 : vector<1x1024xf32> to vector<64x1024xf32>
    %mul3A_305 = arith.mulf %mul3A_304, %sub3A_88 : vector<64x1024xf32>
    %add3A_306 = arith.addf %dot_general3A_302, %mul3A_305 : vector<64x1024xf32>
    %slice3A_307 = vector.extract_strided_slice %mul3A_300 {offsets = [14, 0], sizes = [1, 1024], strides = [1, 1]} : vector<16x1024xf32> to vector<1x1024xf32>
    %mul3A_308 = vector.broadcast %slice3A_307 : vector<1x1024xf32> to vector<64x1024xf32>
    %mul3A_309 = arith.mulf %mul3A_308, %sub3A_101 : vector<64x1024xf32>
    %add3A_310 = arith.addf %add3A_306, %mul3A_309 : vector<64x1024xf32>
    %slice3A_311 = vector.extract_strided_slice %mul3A_300 {offsets = [15, 0], sizes = [1, 1024], strides = [1, 1]} : vector<16x1024xf32> to vector<1x1024xf32>
    %mul3A_312 = vector.broadcast %slice3A_311 : vector<1x1024xf32> to vector<64x1024xf32>
    %mul3A_313 = arith.mulf %mul3A_312, %sub3A_114 : vector<64x1024xf32>
    %add3A_314 = arith.addf %add3A_310, %mul3A_313 : vector<64x1024xf32>
    %add3A_315 = arith.addf %add3A_314, %add3A_132 : vector<64x1024xf32>
    %max3A_316 = arith.constant 0.000000e+00 : f32
    %max3A_317 = vector.broadcast %max3A_316 : f32 to vector<64x1024xf32>
    %max3A_318 = arith.maximumf %add3A_315, %max3A_317 : vector<64x1024xf32>
    %dot_general3A_319 = arith.constant dense<0.000000e+00> : vector<1x1024xf32>
    %dot_general3A_320 = tpu.matmul %get3A_27, %max3A_318, %dot_general3A_319 {dimension_numbers = #tpu.dot_dimension_numbers<[1], [0], [0], [1], [0, 0, 1, 1], [], []>, transpose_lhs_hint = false} : vector<1x64xf32>, vector<64x1024xf32>, vector<1x1024xf32> -> vector<1x1024xf32>
    %get3A_321 = arith.constant 7 : index
    %get3A_322 = arith.constant 0 : index
    %get3A_323 = arith.constant 0 : index
    %get3A_324 = arith.constant 0 : index
    %get3A_325 = vector.load %arg3[%get3A_321, %get3A_322, %get3A_323, %get3A_324] : memref<8x1x16x1024xf32, #tpu.memory_space<vmem>>, vector<1x1x16x1024xf32>
    %get3A_326 = vector.shape_cast %get3A_325 : vector<1x1x16x1024xf32> to vector<16x1024xf32>
    %mul3A_327 = arith.mulf %get3A_326, %exp3A : vector<16x1024xf32>
    %dot_general3A_328 = arith.constant dense<0.000000e+00> : vector<64x1024xf32>
    %dot_general3A_329 = tpu.matmul %get3A_18, %mul3A_327, %dot_general3A_328 {dimension_numbers = #tpu.dot_dimension_numbers<[1], [0], [0], [1], [0, 0, 1, 1], [], []>, transpose_lhs_hint = false} : vector<64x16xf32>, vector<16x1024xf32>, vector<64x1024xf32> -> vector<64x1024xf32>
    %slice3A_330 = vector.extract_strided_slice %mul3A_327 {offsets = [13, 0], sizes = [1, 1024], strides = [1, 1]} : vector<16x1024xf32> to vector<1x1024xf32>
    %mul3A_331 = vector.broadcast %slice3A_330 : vector<1x1024xf32> to vector<64x1024xf32>
    %mul3A_332 = arith.mulf %mul3A_331, %sub3A_88 : vector<64x1024xf32>
    %add3A_333 = arith.addf %dot_general3A_329, %mul3A_332 : vector<64x1024xf32>
    %slice3A_334 = vector.extract_strided_slice %mul3A_327 {offsets = [14, 0], sizes = [1, 1024], strides = [1, 1]} : vector<16x1024xf32> to vector<1x1024xf32>
    %mul3A_335 = vector.broadcast %slice3A_334 : vector<1x1024xf32> to vector<64x1024xf32>
    %mul3A_336 = arith.mulf %mul3A_335, %sub3A_101 : vector<64x1024xf32>
    %add3A_337 = arith.addf %add3A_333, %mul3A_336 : vector<64x1024xf32>
    %slice3A_338 = vector.extract_strided_slice %mul3A_327 {offsets = [15, 0], sizes = [1, 1024], strides = [1, 1]} : vector<16x1024xf32> to vector<1x1024xf32>
    %mul3A_339 = vector.broadcast %slice3A_338 : vector<1x1024xf32> to vector<64x1024xf32>
    %mul3A_340 = arith.mulf %mul3A_339, %sub3A_114 : vector<64x1024xf32>
    %add3A_341 = arith.addf %add3A_337, %mul3A_340 : vector<64x1024xf32>
    %add3A_342 = arith.addf %add3A_341, %add3A_132 : vector<64x1024xf32>
    %max3A_343 = arith.constant 0.000000e+00 : f32
    %max3A_344 = vector.broadcast %max3A_343 : f32 to vector<64x1024xf32>
    %max3A_345 = arith.maximumf %add3A_342, %max3A_344 : vector<64x1024xf32>
    %dot_general3A_346 = arith.constant dense<0.000000e+00> : vector<1x1024xf32>
    %dot_general3A_347 = tpu.matmul %get3A_27, %max3A_345, %dot_general3A_346 {dimension_numbers = #tpu.dot_dimension_numbers<[1], [0], [0], [1], [0, 0, 1, 1], [], []>, transpose_lhs_hint = false} : vector<1x64xf32>, vector<64x1024xf32>, vector<1x1024xf32> -> vector<1x1024xf32>
    %concatenate3A = tpu.concatenate %dot_general3A_158, %dot_general3A_185, %dot_general3A_212, %dot_general3A_239, %dot_general3A_266, %dot_general3A_293, %dot_general3A_320, %dot_general3A_347 in 0 : vector<1x1024xf32>, vector<1x1024xf32>, vector<1x1024xf32>, vector<1x1024xf32>, vector<1x1024xf32>, vector<1x1024xf32>, vector<1x1024xf32>, vector<1x1024xf32> -> vector<8x1024xf32>
    %eq3A = arith.constant 0 : i32
    %eq3A_348 = arith.cmpi eq, %arg1, %eq3A : i32
    %convert_element_type3A = arith.extui %eq3A_348 : i1 to i32
    %cond3A = arith.constant 0 : i32
    %cond3A_349 = arith.cmpi ne, %convert_element_type3A, %cond3A : i32
    scf.if %cond3A_349 {
      %swap3A = arith.constant 0 : index
      %swap3A_359 = arith.constant 0 : index
      %swap3A_360 = vector.load %arg11[%swap3A, %swap3A_359] : memref<8x1024xf32, #tpu.memory_space<vmem>>, vector<8x1024xf32>
      tpu.vector_store %arg11[%swap3A, %swap3A_359], %concatenate3A {strides = array<i32>} : memref<8x1024xf32, #tpu.memory_space<vmem>>, vector<8x1024xf32>,
    } else {
    }
    %gt3A = arith.constant 0 : i32
    %gt3A_350 = arith.cmpi sgt, %arg1, %gt3A : i32
    %convert_element_type3A_351 = arith.extui %gt3A_350 : i1 to i32
    %cond3A_352 = arith.constant 0 : i32
    %cond3A_353 = arith.cmpi ne, %convert_element_type3A_351, %cond3A_352 : i32
    scf.if %cond3A_353 {
      %get3A_359 = arith.constant 0 : index
      %get3A_360 = arith.constant 0 : index
      %get3A_361 = vector.load %arg11[%get3A_359, %get3A_360] : memref<8x1024xf32, #tpu.memory_space<vmem>>, vector<8x1024xf32>
      %add3A_362 = arith.addf %get3A_361, %concatenate3A : vector<8x1024xf32>
      %swap3A = arith.constant 0 : index
      %swap3A_363 = arith.constant 0 : index
      %swap3A_364 = vector.load %arg11[%swap3A, %swap3A_363] : memref<8x1024xf32, #tpu.memory_space<vmem>>, vector<8x1024xf32>
      tpu.vector_store %arg11[%swap3A, %swap3A_363], %add3A_362 {strides = array<i32>} : memref<8x1024xf32, #tpu.memory_space<vmem>>, vector<8x1024xf32>,
    } else {
    }
    %eq3A_354 = arith.constant 4 : i32
    %eq3A_355 = arith.cmpi eq, %arg1, %eq3A_354 : i32
    %convert_element_type3A_356 = arith.extui %eq3A_355 : i1 to i32
    %cond3A_357 = arith.constant 0 : i32
    %cond3A_358 = arith.cmpi ne, %convert_element_type3A_356, %cond3A_357 : i32
    scf.if %cond3A_358 {
      %get3A_359 = arith.constant 0 : index
      %get3A_360 = arith.constant 0 : index
      %get3A_361 = vector.load %arg11[%get3A_359, %get3A_360] : memref<8x1024xf32, #tpu.memory_space<vmem>>, vector<8x1024xf32>
      %mul3A_362 = arith.constant 2.000000e-01 : f32
      %mul3A_363 = vector.broadcast %mul3A_362 : f32 to vector<8x1024xf32>
      %mul3A_364 = arith.mulf %get3A_361, %mul3A_363 : vector<8x1024xf32>
      %get3A_365 = arith.constant 0 : index
      %get3A_366 = arith.constant 0 : index
      %get3A_367 = vector.load %arg10[%get3A_365, %get3A_366] : memref<1x1xf32, #tpu.memory_space<vmem>>, vector<1x1xf32>
      %add3A_368 = vector.broadcast %get3A_367 : vector<1x1xf32> to vector<8x1024xf32>
      %add3A_369 = arith.addf %mul3A_364, %add3A_368 : vector<8x1024xf32>
      %logistic3A = arith.negf %add3A_369 : vector<8x1024xf32>
      %logistic3A_370 = math.exp %logistic3A : vector<8x1024xf32>
      %logistic3A_371 = arith.constant 1.000000e+00 : f32
      %logistic3A_372 = vector.broadcast %logistic3A_371 : f32 to vector<8x1024xf32>
      %logistic3A_373 = arith.addf %logistic3A_372, %logistic3A_370 : vector<8x1024xf32>
      %logistic3A_374 = arith.divf %logistic3A_372, %logistic3A_373 : vector<8x1024xf32>
      %swap3A = arith.constant 0 : index
      %swap3A_375 = arith.constant 0 : index
      %swap3A_376 = vector.load %arg11[%swap3A, %swap3A_375] : memref<8x1024xf32, #tpu.memory_space<vmem>>, vector<8x1024xf32>
      tpu.vector_store %arg11[%swap3A, %swap3A_375], %logistic3A_374 {strides = array<i32>} : memref<8x1024xf32, #tpu.memory_space<vmem>>, vector<8x1024xf32>,
    } else {
    }
    return
  }
  func.func @transform_0(%arg0: i32, %arg1: i32) -> (i32, i32, i32) {
    %c0_i32 = arith.constant 0 : i32
    %c0_i32_0 = arith.constant 0 : i32
    return %arg1, %c0_i32, %arg0 : i32, i32, i32
  }
  func.func @transform_1(%arg0: i32, %arg1: i32) -> (i32, i32, i32, i32) {
    %c0_i32 = arith.constant 0 : i32
    %c0_i32_0 = arith.constant 0 : i32
    %c0_i32_1 = arith.constant 0 : i32
    return %c0_i32, %arg1, %c0_i32_0, %arg0 : i32, i32, i32, i32
  }
  func.func @transform_2(%arg0: i32, %arg1: i32) -> (i32, i32, i32, i32) {
    %c0_i32 = arith.constant 0 : i32
    %c0_i32_0 = arith.constant 0 : i32
    %c0_i32_1 = arith.constant 0 : i32
    return %c0_i32, %arg1, %c0_i32_0, %arg0 : i32, i32, i32, i32
  }
  func.func @transform_3(%arg0: i32, %arg1: i32) -> (i32, i32, i32, i32) {
    %c0_i32 = arith.constant 0 : i32
    %c0_i32_0 = arith.constant 0 : i32
    %c0_i32_1 = arith.constant 0 : i32
    return %c0_i32, %arg1, %c0_i32_0, %arg0 : i32, i32, i32, i32
  }
  func.func @transform_4(%arg0: i32, %arg1: i32) -> (i32, i32) {
    %c0_i32 = arith.constant 0 : i32
    %c0_i32_0 = arith.constant 0 : i32
    %c0_i32_1 = arith.constant 0 : i32
    return %c0_i32, %c0_i32_0 : i32, i32
  }
  func.func @transform_5(%arg0: i32, %arg1: i32) -> (i32, i32) {
    %c0_i32 = arith.constant 0 : i32
    %c0_i32_0 = arith.constant 0 : i32
    %c0_i32_1 = arith.constant 0 : i32
    return %c0_i32, %c0_i32_0 : i32, i32
  }
  func.func @transform_6(%arg0: i32, %arg1: i32) -> (i32, i32) {
    %c0_i32 = arith.constant 0 : i32
    %c0_i32_0 = arith.constant 0 : i32
    %c0_i32_1 = arith.constant 0 : i32
    return %c0_i32, %c0_i32_0 : i32, i32
  }
  func.func @transform_7(%arg0: i32, %arg1: i32) -> (i32, i32) {
    %c0_i32 = arith.constant 0 : i32
    %c0_i32_0 = arith.constant 0 : i32
    %c0_i32_1 = arith.constant 0 : i32
    return %c0_i32, %c0_i32_0 : i32, i32
  }
  func.func @transform_8(%arg0: i32, %arg1: i32) -> (i32, i32) {
    %c0_i32 = arith.constant 0 : i32
    %c0_i32_0 = arith.constant 0 : i32
    %c0_i32_1 = arith.constant 0 : i32
    return %c0_i32, %c0_i32_0 : i32, i32
  }
  func.func @transform_9(%arg0: i32, %arg1: i32) -> (i32, i32) {
    %c0_i32 = arith.constant 0 : i32
    %c0_i32_0 = arith.constant 0 : i32
    return %c0_i32, %arg0 : i32, i32
  }
}

</mosaic_0001>

<sc_bundles>
// kernel: kernel.4.cloned.1.call-start
scs
__scs_entry_jumppad:
0x0: {  	(pc) =	sbr.rel $0x88, $3  }
0x1: {  	(tag) =	ssettag $0x0;
	lr =	simm.s32 $0x1  }
0x2: {  	[smem:$0x3F98] =	sst lr;
	_ =	strace $0xD0000000  }
0x3: {  	_ = 	snop  }
0x4: {  	_ = 	snop  }
0x5: {  	_ = 	snop  }
0x6: {  	_ = 	snop  }
0x7: {  	_ = 	snop  }
__scs_overlays_trampoline_lowered:
0x8: {  	[smem:$0x3FA7] =	sst s0  }
0x9: {  	[smem:$0x3FA8] =	sst s1  }
0xa: {  	[smem:$0x3FA9] =	sst s2  }
0xb: {  	[smem:$0x3FAA] =	sst s3  }
0xc: {  	[smem:$0x3FAB] =	sst s4  }
0xd: {  	[smem:$0x3FAC] =	sst s5  }
0xe: {  	[smem:$0x3FAD] =	sst s6  }
0xf: {  	[smem:$0x3FAE] =	sst s7  }
0x10: {  	[smem:$0x3FAF] =	sst s8  }
0x11: {  	[smem:$0x3FB0] =	sst s9;
	s0 =	simm.s32 @!p0 $0x0  }
0x12: {  	s1 =	sld [smem:$0x3F96];
	s0 =	simm.s32 @p0 $0x1  }
0x13: {  	[smem:$0x3FB1] =	sst s0;
	s0 =	simm.s32 @!p1 $0x0  }
0x14: {  	s2 =	sld [smem:$0x3F95];
	s0 =	simm.s32 @p1 $0x1  }
0x15: {  	[smem:$0x3FB2] =	sst s0;
	s0 =	simm.s32 @!p2 $0x0  }
0x16: {  	s3 =	sld [smem:$0x3FDB];
	s0 =	simm.s32 @p2 $0x1  }
0x17: {  	s4 =	simm.s32 $0x1BF5;
	[smem:$0x3FB4] =	sst s0  }
0x18: {  	s0 =	sld [smem:$0x3F97];
	_ =	swait.ge [sflag:s4], $0x0  }
0x19: {  	s7 =	sld [smem:$0x3F98]  }
0x1a: {  	s8 =	sadd.s32 $0xFFFFE003, lr  }
0x1b: {  	s9 =	sadd.s32 $0xFFFFFEF7, lr;
	s5 =	simm.s32 $0xFFFFFFFF;
	p2 =	slt.u32 s8, $0xFFFFF086  }
0x1c: {  	p1 =	slt.u32 s9, $0xF7A;
	s5 =	simm.s32 @!p2 $0x0  }
0x1d: {  	s5 =	simm.s32 @p1 $0x1;
	p0 =	seq.s32 s7, s2  }
0x1e: {  	s7 =	smul.u32 @!p0 $0xF7A, s2;
	p2 =	seq.s32 @!p0 s5, $0x0  }
0x1f: {  	s9 =	smul.u32 $0xF7A, s1;
	s8 =	simm.s32 @!p0 $0x1BF5;
	p2 =	por !p2, p0  }
0x20: {  	[sflag:s8] =	ssyncset.s32 @!p0 $0xFFFFF086;
	s6 =	sadd.s32 @!p0 s3, s7;
	s7 =	simm.s32 @!p0 $0x108  }
0x21: {  	s3 =	sadd.s32 s3, s9;
	s6 =	sadd.s32 @!p0 $0x88, s6;
	s7 =	simm.s32 @p2 $0x1082  }
0x22: {  	[simem:s7], [sflag:s8] =	dma.local @!p0 [hbm:s6], $0xF7A  }
0x23: {  	s9 =	sor.u32 $0xD0000000, s2;
	s6 =	simm.s32 $0x108;
	_ =	swait.ge @!p0 [sflag:s8], $0x0  }
0x24: {  	s3 =	sadd.s32 $0x88, s3;
	s6 =	simm.s32 @!p1 $0x1082;
	[sflag:s4] =	ssyncset.s32 $0xFFFFF086  }
0x25: {  	[simem:s6], [sflag:s4] =	dma.local [hbm:s3], $0xF7A  }
0x26: {  	[smem:$0x3F98] =	sst s1;
	(tag) =	ssettag s2;
	_ =	strace s9  }
0x27: {  	s1 =	sld [smem:$0x3FA8]  }
0x28: {  	s2 =	sld [smem:$0x3FA9]  }
0x29: {  	s4 =	sld [smem:$0x3FAB]  }
0x2a: {  	p0 =	seq.s32 s5, $0x0;
	s5 =	sld [smem:$0x3FAC]  }
0x2b: {  	s6 =	sld [smem:$0x3FAD]  }
0x2c: {  	s7 =	sld [smem:$0x3FAE]  }
0x2d: {  	s3 =	simm.s32 $0x108;
	s8 =	sld [smem:$0x3FAF]  }
0x2e: {  	s3 =	simm.s32 @!p0 $0x1082;
	s9 =	sld [smem:$0x3FB0]  }
0x2f: {  	lr =	sadd.s32 s0, s3;
	s0 =	sld [smem:$0x3FA7]  }
0x30: {  	s3 =	sld [smem:$0x3FAA]  }
0x31: {  	[smem:$0x3FB3] =	sst s10  }
0x32: {  	s10 =	sld [smem:$0x3FB1];
	_ =	sdelay $0x3  }
0x33: {  	p0 =	seq.s32 s10, $0x1;
	s10 =	sld [smem:$0x3FB3];
	_ =	sdelay $0x3  }
0x34: {  	[smem:$0x3FB3] =	sst s10  }
0x35: {  	s10 =	sld [smem:$0x3FB2];
	_ =	sdelay $0x3  }
0x36: {  	p1 =	seq.s32 s10, $0x1;
	s10 =	sld [smem:$0x3FB3];
	_ =	sdelay $0x3  }
0x37: {  	[smem:$0x3FB3] =	sst s10  }
0x38: {  	s10 =	sld [smem:$0x3FB4]  }
0x39: {  	_ = 	snop;
	(pc) =	sbr.ind lr, $3  }
0x3a: {  	_ = 	snop  }
0x3b: {  	_ = 	snop  }
0x3c: {  	p2 =	seq.s32 s10, $0x1;
	s10 =	sld [smem:$0x3FB3]  }
0x3d: {  	_ =	shalt  }
0x3e: {  	_ =	shalt  }
0x3f: {  	_ =	shalt  }
0x40: {  	_ =	shalt  }
0x41: {  	_ =	shalt  }
0x42: {  	_ =	shalt  }
0x43: {  	_ =	shalt  }
0x44: {  	_ =	shalt  }
0x45: {  	_ =	shalt  }
0x46: {  	_ =	shalt  }
0x47: {  	_ =	shalt  }
0x48: {  	_ =	shalt  }
0x49: {  	_ =	shalt  }
0x4a: {  	_ =	shalt  }
0x4b: {  	_ =	shalt  }
0x4c: {  	_ =	shalt  }
0x4d: {  	_ =	shalt  }
0x4e: {  	_ =	shalt  }
0x4f: {  	_ =	shalt  }
0x50: {  	_ =	shalt  }
0x51: {  	_ =	shalt  }
0x52: {  	_ =	shalt  }
0x53: {  	_ =	shalt  }
0x54: {  	_ =	shalt  }
0x55: {  	_ =	shalt  }
0x56: {  	_ =	shalt  }
0x57: {  	_ =	shalt  }
0x58: {  	_ =	shalt  }
0x59: {  	_ =	shalt  }
0x5a: {  	_ =	shalt  }
0x5b: {  	_ =	shalt  }
0x5c: {  	_ =	shalt  }
0x5d: {  	_ =	shalt  }
0x5e: {  	_ =	shalt  }
0x5f: {  	_ =	shalt  }
0x60: {  	_ =	shalt  }
0x61: {  	_ =	shalt  }
0x62: {  	_ =	shalt  }
0x63: {  	_ =	shalt  }
0x64: {  	_ =	shalt  }
0x65: {  	_ =	shalt  }
0x66: {  	_ =	shalt  }
0x67: {  	_ =	shalt  }
0x68: {  	_ =	shalt  }
0x69: {  	_ =	shalt  }
0x6a: {  	_ =	shalt  }
0x6b: {  	_ =	shalt  }
0x6c: {  	_ =	shalt  }
0x6d: {  	_ =	shalt  }
0x6e: {  	_ =	shalt  }
0x6f: {  	_ =	shalt  }
0x70: {  	_ =	shalt  }
0x71: {  	_ =	shalt  }
0x72: {  	_ =	shalt  }
0x73: {  	_ =	shalt  }
0x74: {  	_ =	shalt  }
0x75: {  	_ =	shalt  }
0x76: {  	_ =	shalt  }
0x77: {  	_ =	shalt  }
0x78: {  	_ =	shalt  }
0x79: {  	_ =	shalt  }
0x7a: {  	_ =	shalt  }
0x7b: {  	_ =	shalt  }
0x7c: {  	_ =	shalt  }
0x7d: {  	_ =	shalt  }
0x7e: {  	_ =	shalt  }
0x7f: {  	_ =	shalt  }
0x80: {  	_ =	shalt  }
0x81: {  	_ =	shalt  }
0x82: {  	_ =	shalt  }
0x83: {  	_ =	shalt  }
0x84: {  	_ =	shalt  }
0x85: {  	_ =	shalt  }
0x86: {  	_ =	shalt  }
0x87: {  	_ =	shalt  }
.Lfunc_end0:
.L_simem_size_0:
called_computation_lowered:
.L_overlay_start_0:
0x88: {  	s2 =	sld [smem:$0x3FD9]  }
0x89: {  	s3 =	sld [smem:$0x3FFE];
	_ =	sdelay $0x1  }
0x8a: {  	s1 =	srdreg.scid  }
0x8b: {  	s0 =	sand.u32 $0x1, s1  }
0x8c: {  	s17 =	sshll.u32 s0, $0xA;
	s2 =	sadd.s32 s3, s2  }
0x8d: {  	s2 =	sadd.s32 s2, s17  }
0x8e: {  	[smem:$0x3FBF] =	sst s2  }
0x8f: {  	_ = 	snop  }
0x90: {  	s2 =	sld [smem:$0x3FD0];
	(tm) =	ssettm $0x1  }
0x91: {  	s18 =	sld [smem:$0x3FFB];
	_ =	sdelay $0x3  }
0x92: {  	_ =	strace s18  }
0x93: {  	s3 =	sld [smem:$0x3FFC];
	_ =	sdelay $0x3  }
0x94: {  	_ =	strace s3  }
0x95: {  	s3 =	sld [smem:$0x3FFD];
	_ =	sdelay $0x3  }
0x96: {  	_ =	strace s3  }
0x97: {  	_ =	strace $0x8FFFFFFF  }
0x98: {  	s19 =	sld [smem:$0x3FDB];
	_ =	sdelay $0x1  }
0x99: {  	s4 =	simm.s32 $_scs_section_size  }
0x9a: {  	s5 =	simm.s32 $_size__tile_overlayer_lowered;
	s6 =	simm.s32 $_tile_overlayer_lowered  }
0x9b: {  	s22 =	simm.s32 $0x1BFF;
	s21 =	sshll.u32 s6, $0x1;
	s3 =	sadd.s32 s4, s19  }
0x9c: {  	s7 =	simm.s32 $0x0;
	s20 =	sshll.u32 s5, $0x1;
	s5 =	sadd.s32 s21, s3  }
0x9d: {  	[timem:s7], [sflag:s22] =	dma.local [hbm:s5], s20  }
0x9e: {  	_ =	swait.ge [sflag:s22], s20  }
0x9f: {  	s4 =	ssub.s32 $0x0, s20;
	[sflag:s22] =	ssyncset.done $0x0  }
0xa0: {  	[sflag:s22] =	ssyncadd.s32 s4;
	_ =	sdelay $0x1  }
0xa1: {  	s23 =	simm.s32 $0x1B8B  }
0xa2: {  	_ =	swait.ge [sflag:s23], $0x1  }
0xa3: {  	[sflag:s23] =	ssyncset.done $0x0  }
0xa4: {  	s25 =	simm.s32 $0x1B8E;
	s24 =	sld [smem:$0x3FFE];
	[sflag:s23] =	ssyncadd.s32 $0xFFFFFFFF  }
0xa5: {  	s26 =	simm.s32 $execute0_lowered;
	[smem:$0x3FD2] =	sst s25  }
0xa6: {  	s5 =	sshll.u32 s26, $0x1;
	_ =	strace $0x80000046;
	[dreg:$0x1] =	wrdreg $0xFFFFFFFF  }
0xa7: {  	s28 =	simm.s32 $_size_execute0_lowered;
	s3 =	sadd.s32 s3, s5;
	[dreg:$0x0] =	wrdreg $0x0  }
0xa8: {  	s5 =	sshll.u32 s28, $0x1;
	[dreg:$0x2] =	wrdreg s3  }
0xa9: {  	[dreg:$0x3] =	wrdreg s5  }
0xaa: {  	[dreg:$0x4] =	wrdreg $0xC0  }
0xab: {  	_ =	task [dreg:s7], $0x5FFFF  }
0xac: {  	[dreg:$0x1] =	wrdreg $0xFFFFFFFF  }
0xad: {  	[dreg:$0x0] =	wrdreg $0x60  }
0xae: {  	[dreg:$0x2] =	wrdreg s2  }
0xaf: {  	[dreg:$0x3] =	wrdreg s24  }
0xb0: {  	[dreg:$0x4] =	wrdreg $0x9  }
0xb1: {  	_ =	task.clear_ibuf [dreg:s7], $0x5FFFF;
	_ =	strace $0x90000046  }
0xb2: {  	s29 =	simm.s32 $0x9;
	_ =	strace $0x80000048  }
0xb3: {  	_ =	swait.ge [sflag:s29], $0x1  }
0xb4: {  	[sflag:s29] =	ssyncadd.s32 $0xFFFFFFFF  }
0xb5: {  	_ =	strace $0x90000048  }
0xb6: {  	_ =	sfence  }
0xb7: {  	s30 =	sld [smem:$0x0];
	_ =	sdelay $0x2  }
0xb8: {  	s31 =	sshll.u32 s1, $0xD;
	s1 =	sshrl.u32 s1, $0x2  }
0xb9: {  	s3 =	sand.u32 $0x4000, s31;
	s1 =	sadd.s32 s1, s30  }
0xba: {  	s0 =	sor.u32 s3, s0;
	s1 =	sshll.u32 s1, $0x11  }
0xbb: {  	s0 =	sor.u32 s1, s0  }
0xbc: {  	s0 =	sadd.s32 $0x8F2B, s0  }
0xbd: {  	[sflag:s0] =	ssyncadd.remote.s32 $0x1  }
0xbe: {  	_ =	sfence.sel $0xFFFF  }
0xbf: {  	[dreg:$0x0] =	wrdreg $0xFFFFFFFF;
	(pc) =	sbr.abs _section_cstart, $3  }
0xc0: {  	[dreg:$0x1] =	wrdreg $0xFFFFFFFF  }
0xc1: {  	_ =	task.clear_ibuf [dreg:s7], $0x2FFFF;
	_ =	strace $0x9FFFFFFF  }
0xc2: {  	(tm) =	ssettm $0x7FFFFFFF  }
0xc3: {  	_ =	shalt  }
tec
execute0_lowered:
.L_overlay_start_1:
0x0: {  	(tag) =	ssettag $0x1  }
0x1: {  	v0 =	vimm.s32 $0x1780;
	vm14 =	vcmask $0x300;
	v1 =	vimm.s32 $0x1B80  }
0x2: {  	vm13 =	vcmask $0x704;
	vm12 =	vcmask $0xB08;
	vm11 =	vcmask $0xF0C  }
0x3: {  	vm10 =	vcmask $0x1310;
	v0 =	vsel vm14, $0x0, v0;
	v1 =	vsel vm14, $0x400, v1  }
0x4: {  	vm9 =	vcmask $0x1714;
	v0 =	vsel vm13, $0x80, v0;
	v1 =	vsel vm13, $0x480, v1  }
0x5: {  	vm8 =	vcmask $0x1B18;
	v0 =	vsel vm12, $0x100, v0;
	v1 =	vsel vm12, $0x500, v1  }
0x6: {  	vm7 =	vcmask $0x1F1C;
	v0 =	vsel vm11, $0x180, v0;
	v1 =	vsel vm11, $0x580, v1  }
0x7: {  	vm6 =	vcmask $0x2320;
	v0 =	vsel vm10, $0x200, v0;
	v1 =	vsel vm10, $0x600, v1  }
0x8: {  	vm5 =	vcmask $0x2724;
	v0 =	vsel vm9, $0x280, v0;
	v1 =	vsel vm9, $0x680, v1  }
0x9: {  	vm4 =	vcmask $0x2B28;
	v0 =	vsel vm8, $0x300, v0;
	v1 =	vsel vm8, $0x700, v1  }
0xa: {  	vm3 =	vcmask $0x2F2C;
	v0 =	vsel vm7, $0x380, v0;
	v1 =	vsel vm7, $0x780, v1  }
0xb: {  	vm2 =	vcmask $0x3330;
	v0 =	vsel vm6, $0x1400, v0;
	v1 =	vsel vm6, $0x1800, v1  }
0xc: {  	vm0 =	vcmask $0x3734;
	v0 =	vsel vm5, $0x1480, v0;
	v1 =	vsel vm5, $0x1880, v1  }
0xd: {  	vm1 =	vcmask $0x3B38;
	v0 =	vsel vm4, $0x1500, v0;
	v1 =	vsel vm4, $0x1900, v1  }
0xe: {  	v4 =	vimm.s32 $0x2380;
	v0 =	vsel vm3, $0x1580, v0;
	v1 =	vsel vm3, $0x1980, v1  }
0xf: {  	v5 =	vimm.s32 $0x2780;
	v0 =	vsel vm2, $0x1600, v0;
	v1 =	vsel vm2, $0x1A00, v1  }
0x10: {  	s5 =	rddreg [dreg:$0x0];
	v4 =	vsel vm14, $0xC00, v4;
	v2 =	vsel vm0, $0x1680, v0;
	v3 =	vsel vm0, $0x1A80, v1  }
0x11: {  	s6 =	rddreg [dreg:$0x1];
	v1 =	vsel vm1, $0x1700, v2;
	v2 =	vsel vm1, $0x1B00, v3;
	v3 =	vimm.s32 $0x1F80  }
0x12: {  	s0 =	rddreg [dreg:$0x2];
	v5 =	vsel vm14, $0x1000, v5;
	v4 =	vsel vm13, $0xC80, v4;
	v3 =	vsel vm14, $0x800, v3  }
0x13: {  	s2 =	simm.s32 $0x0;
	s3 =	srdreg.scid;
	s1 =	stileid.u32;
	v5 =	vsel vm13, $0x1080, v5;
	v4 =	vsel vm12, $0xD00, v4;
	v3 =	vsel vm13, $0x880, v3  }
0x14: {  	s12 =	simm.s32 $0x280;
	s13 =	simm.s32 $0x680;
	s14 =	simm.s32 $0x8680;
	v5 =	vsel vm12, $0x1100, v5;
	v4 =	vsel vm11, $0xD80, v4;
	v3 =	vsel vm12, $0x900, v3  }
0x15: {  	s15 =	simm.s32 $0x300;
	s16 =	simm.s32 $0x4680;
	s17 =	simm.s32 $0xC680;
	v5 =	vsel vm11, $0x1180, v5;
	v4 =	vsel vm10, $0xE00, v4;
	v3 =	vsel vm11, $0x980, v3  }
0x16: {  	s18 =	simm.s32 $0x1;
	s19 =	simm.s32 $0x10680;
	s20 =	simm.s32 $0x12E80;
	v5 =	vsel vm10, $0x1200, v5;
	v4 =	vsel vm9, $0xE80, v4;
	v3 =	vsel vm10, $0xA00, v3  }
0x17: {  	s21 =	simm.s32 $0x380;
	s22 =	simm.s32 $0x480;
	s23 =	simm.s32 $0x1400;
	v5 =	vsel vm9, $0x1280, v5;
	v4 =	vsel vm8, $0xF00, v4;
	v3 =	vsel vm9, $0xA80, v3  }
0x18: {  	s24 =	simm.s32 $0x28000;
	s25 =	simm.s32 $0x0;
	[smem:$0x7FF] =	sst s2;
	v5 =	vsel vm8, $0x1300, v5;
	v4 =	vsel vm7, $0xF80, v4;
	v3 =	vsel vm8, $0xB00, v3  }
0x19: {  	s4 =	sand.u32 $0x1, s3;
	s29 =	sshll.u32 s1, $0x1;
	s3 =	sadd.s32 $0xF43E00, s6;
	v5 =	vsel vm7, $0x1380, v5;
	v4 =	vsel vm6, $0x2000, v4;
	v3 =	vsel vm7, $0xB80, v3  }
0x1a: {  	s8 =	sshrl.u32 s1, $0x2;
	_ =	strace $0x80000047;
	s7 =	sor.u32 s4, s29;
	v5 =	vsel vm6, $0x2400, v5;
	v4 =	vsel vm5, $0x2080, v4;
	v3 =	vsel vm6, $0x1C00, v3  }
0x1b: {  	s8 =	smul.u32 $0x1400, s8;
	s10 =	ssub.s32 $0x2, s4;
	s4 =	sadd.s32 $0x112C400, s6;
	v5 =	vsel vm5, $0x2480, v5;
	v4 =	vsel vm4, $0x2100, v4;
	v3 =	vsel vm5, $0x1C80, v3  }
0x1c: {  	s9 =	sshll.u32 s7, $0x7;
	s7 =	smul.u32 $0x280, s7;
	s11 =	sshrl.u32 s10, $0x1;
	v5 =	vsel vm4, $0x2500, v5;
	v4 =	vsel vm3, $0x2180, v4;
	v3 =	vsel vm4, $0x1D00, v3  }
0x1d: {  	s9 =	sand.u32 $0x380, s9;
	s30 =	ssub.s32 s10, s11;
	s10 =	simm.s32 $0x400;
	v5 =	vsel vm3, $0x2580, v5;
	v4 =	vsel vm2, $0x2200, v4;
	v3 =	vsel vm3, $0x1D80, v3  }
0x1e: {  	s11 =	simm.s32 $0x2;
	s8 =	sor.u32 s8, s9;
	s7 =	sadd.s32 s7, s6;
	v5 =	vsel vm2, $0x2600, v5;
	v0 =	vlaneseq.u32;
	v3 =	vsel vm2, $0x1E00, v3  }
0x1f: {  	s9 =	simm.s32 $0x80;
	s31 =	sshrl.u32 s8, $0x3;
	s6 =	sadd.s32 $0x1A00, s7;
	v4 =	vsel vm0, $0x2280, v4;
	v5 =	vsel vm0, $0x2680, v5;
	v3 =	vsel vm0, $0x1E80, v3  }
0x20: {  	s7 =	sadd.s32 $0xBA00, s7;
	s8 =	smax.u32 s30, $0x1;
	s5 =	sadd.s32 s5, s31;
	v4 =	vsel vm1, $0x2300, v4;
	v5 =	vsel vm1, $0x2700, v5;
	v3 =	vsel vm1, $0x1F00, v3  }
.LBB2_1:
0x21: {  	[tilespmem:s2], [sflag:$0x2] =	stream.strided.gather [hbm4b:s5+s9], $0x280, s10, s9, $0x38;
	[tilespmem:$0x15680] =	vst v63  }
0x22: {  	_ =	swait.ge [sflag:s11], $0x280  }
0x23: {  	[sflag:s11] =	ssyncset.done $0x0  }
0x24: {  	[sflag:s11] =	ssyncadd.s32 $0xFFFFFD80  }
0x25: {  	v6 =	vld [tilespmem:$0x0]  }
0x26: {  	v7 =	vld [tilespmem:$0x10]  }
0x27: {  	v8 =	vld [tilespmem:$0x20]  }
0x28: {  	v9 =	vld [tilespmem:$0x30]  }
0x29: {  	v10 =	vld [tilespmem:$0x40]  }
0x2a: {  	v11 =	vld [tilespmem:$0x50];
	v6 =	vshra.s32 v6, $0x3  }
0x2b: {  	[tilespmem:$0x280] =	vst v6;
	v6 =	vshra.s32 v7, $0x3;
	v7 =	vld [tilespmem:$0x60]  }
0x2c: {  	v37 =	vld [tilespmem:$0x70];
	[tilespmem:$0x290] =	vst v6;
	v6 =	vshra.s32 v8, $0x3  }
0x2d: {  	v38 =	vld [tilespmem:$0x80];
	[tilespmem:$0x2A0] =	vst v6;
	v6 =	vshra.s32 v9, $0x3  }
0x2e: {  	v39 =	vld [tilespmem:$0x90];
	[tilespmem:$0x2B0] =	vst v6;
	v6 =	vshra.s32 v10, $0x3  }
0x2f: {  	v40 =	vld [tilespmem:$0xA0];
	[tilespmem:$0x2C0] =	vst v6;
	v6 =	vshra.s32 v11, $0x3  }
0x30: {  	[tilespmem:$0x2D0] =	vst v6;
	v6 =	vshra.s32 v7, $0x3;
	v7 =	vld [tilespmem:$0xB0]  }
0x31: {  	v41 =	vld [tilespmem:$0xC0];
	[tilespmem:$0x2E0] =	vst v6;
	v6 =	vshra.s32 v37, $0x3  }
0x32: {  	v42 =	vld [tilespmem:$0xD0];
	[tilespmem:$0x2F0] =	vst v6;
	v6 =	vshra.s32 v38, $0x3  }
0x33: {  	v43 =	vld [tilespmem:$0xE0];
	[tilespmem:$0x300] =	vst v6;
	v6 =	vshra.s32 v39, $0x3  }
0x34: {  	v44 =	vld [tilespmem:$0xF0];
	[tilespmem:$0x310] =	vst v6;
	v6 =	vshra.s32 v40, $0x3  }
0x35: {  	[tilespmem:$0x320] =	vst v6;
	v6 =	vshra.s32 v7, $0x3;
	v7 =	vld [tilespmem:$0x100]  }
0x36: {  	v45 =	vld [tilespmem:$0x110];
	[tilespmem:$0x330] =	vst v6;
	v6 =	vshra.s32 v41, $0x3  }
0x37: {  	v46 =	vld [tilespmem:$0x120];
	[tilespmem:$0x340] =	vst v6;
	v6 =	vshra.s32 v42, $0x3  }
0x38: {  	v47 =	vld [tilespmem:$0x130];
	[tilespmem:$0x350] =	vst v6;
	v6 =	vshra.s32 v43, $0x3  }
0x39: {  	v48 =	vld [tilespmem:$0x140];
	[tilespmem:$0x360] =	vst v6;
	v6 =	vshra.s32 v44, $0x3  }
0x3a: {  	[tilespmem:$0x370] =	vst v6;
	v6 =	vshra.s32 v7, $0x3;
	v7 =	vld [tilespmem:$0x150]  }
0x3b: {  	v49 =	vld [tilespmem:$0x160];
	[tilespmem:$0x380] =	vst v6;
	v6 =	vshra.s32 v45, $0x3  }
0x3c: {  	v50 =	vld [tilespmem:$0x170];
	[tilespmem:$0x390] =	vst v6;
	v6 =	vshra.s32 v46, $0x3  }
0x3d: {  	v51 =	vld [tilespmem:$0x180];
	[tilespmem:$0x3A0] =	vst v6;
	v6 =	vshra.s32 v47, $0x3  }
0x3e: {  	v52 =	vld [tilespmem:$0x190];
	[tilespmem:$0x3B0] =	vst v6;
	v6 =	vshra.s32 v48, $0x3  }
0x3f: {  	[tilespmem:$0x3C0] =	vst v6;
	v6 =	vshra.s32 v7, $0x3;
	v7 =	vld [tilespmem:$0x1A0]  }
0x40: {  	v53 =	vld [tilespmem:$0x1B0];
	[tilespmem:$0x3D0] =	vst v6;
	v6 =	vshra.s32 v49, $0x3  }
0x41: {  	v54 =	vld [tilespmem:$0x1C0];
	[tilespmem:$0x3E0] =	vst v6;
	v6 =	vshra.s32 v50, $0x3  }
0x42: {  	v55 =	vld [tilespmem:$0x1D0];
	[tilespmem:$0x3F0] =	vst v6;
	v6 =	vshra.s32 v51, $0x3  }
0x43: {  	v56 =	vld [tilespmem:$0x1E0];
	[tilespmem:$0x400] =	vst v6;
	v6 =	vshra.s32 v52, $0x3  }
0x44: {  	[tilespmem:$0x410] =	vst v6;
	v6 =	vshra.s32 v7, $0x3;
	v7 =	vld [tilespmem:$0x1F0]  }
0x45: {  	v57 =	vld [tilespmem:$0x200];
	[tilespmem:$0x420] =	vst v6;
	v6 =	vshra.s32 v53, $0x3  }
0x46: {  	v58 =	vld [tilespmem:$0x210];
	[tilespmem:$0x430] =	vst v6;
	v6 =	vshra.s32 v54, $0x3  }
0x47: {  	v59 =	vld [tilespmem:$0x220];
	[tilespmem:$0x440] =	vst v6;
	v6 =	vshra.s32 v55, $0x3  }
0x48: {  	v60 =	vld [tilespmem:$0x230];
	[tilespmem:$0x450] =	vst v6;
	v6 =	vshra.s32 v56, $0x3  }
0x49: {  	[tilespmem:$0x460] =	vst v6;
	v6 =	vshra.s32 v7, $0x3;
	v7 =	vld [tilespmem:$0x240]  }
0x4a: {  	v61 =	vld [tilespmem:$0x250];
	[tilespmem:$0x470] =	vst v6;
	v6 =	vshra.s32 v57, $0x3  }
0x4b: {  	v62 =	vld [tilespmem:$0x260];
	[tilespmem:$0x480] =	vst v6;
	v6 =	vshra.s32 v58, $0x3  }
0x4c: {  	v63 =	vld [tilespmem:$0x270];
	[tilespmem:$0x490] =	vst v6;
	v6 =	vshra.s32 v59, $0x3  }
0x4d: {  	[tilespmem:$0x4A0] =	vst v6;
	v6 =	vshra.s32 v60, $0x3  }
0x4e: {  	[tilespmem:$0x4B0] =	vst v6;
	v6 =	vshra.s32 v7, $0x3  }
0x4f: {  	[tilespmem:$0x4C0] =	vst v6;
	v6 =	vshra.s32 v61, $0x3  }
0x50: {  	[tilespmem:$0x4D0] =	vst v6;
	v6 =	vshra.s32 v62, $0x3  }
0x51: {  	[tilespmem:$0x4E0] =	vst v6;
	v6 =	vshra.s32 v63, $0x3  }
0x52: {  	[tilespmem:$0x4F0] =	vst v6  }
0x53: {  	[tilespmem:s13], [sflag:$0x1] =	stream.indirect.gather [hbm4b:s3+s9], $0x80, s12, s9, $0xb8;
	[tilespmem:$0x15680] =	vst v63  }
0x54: {  	_ = 	snop  }
0x55: {  	[tilespmem:s14], [sflag:$0x1] =	stream.indirect.gather [hbm4b:s4+s9], $0x80, s12, s9, $0xb8;
	[tilespmem:$0x15680] =	vst v63  }
0x56: {  	_ = 	snop  }
0x57: {  	[tilespmem:s16], [sflag:$0x1] =	stream.indirect.gather [hbm4b:s3+s9], $0x80, s15, s9, $0xb8;
	[tilespmem:$0x15680] =	vst v63  }
0x58: {  	_ = 	snop  }
0x59: {  	[tilespmem:s17], [sflag:$0x1] =	stream.indirect.gather [hbm4b:s4+s9], $0x80, s15, s9, $0xb8;
	[tilespmem:$0x15680] =	vst v63  }
0x5a: {  	_ =	swait.ge [sflag:s18], $0x4000  }
0x5b: {  	[sflag:s18] =	ssyncset.done $0x0  }
0x5c: {  	[sflag:s18] =	ssyncadd.s32 $0xFFFFC000  }
0x5d: {  	_ =	swait.ge [sflag:s18], $0x4000  }
0x5e: {  	[sflag:s18] =	ssyncset.done $0x0  }
0x5f: {  	s26 =	simm.s32 $0x0;
	[sflag:s18] =	ssyncadd.s32 $0xFFFFC000  }
.LBB2_2:
0x60: {  	v6 =	vmov s26;
	_ =	sdelay $0x4  }
0x61: {  	v7 =	vld.idx.msk [tilespmem:v6+s2+$0x0], $0xffff;
	_ =	sdelay $0x4  }
0x62: {  	v7 =	vshll.u32 v7, $0x4  }
0x63: {  	v6 =	vshll.u32 v6, $0x7;
	v7 =	vand.u32 $0x70, v7  }
0x64: {  	v6 =	vor.u32 v6, v7  }
0x65: {  	v6 =	vor.u32 v0, v6;
	_ =	sdelay $0x4  }
0x66: {  	v8 =	vor.u32 s26, v1;
	v7 =	vld.idx.msk [tilespmem:v6+s13+$0x0], $0xffff;
	_ =	sdelay $0x4  }
0x67: {  	[tilespmem:v8+s19+$0x0] =	vst.idx.msk $0xffff, v7  }
0x68: {  	s28 =	sadd.s32 $0x1, s26;
	v6 =	vld.idx.msk [tilespmem:v6+s14+$0x0], $0xffff  }
0x69: {  	v7 =	vmov s28;
	_ =	sdelay $0x3  }
0x6a: {  	[tilespmem:v8+s20+$0x0] =	vst.idx.msk $0xffff, v6  }
0x6b: {  	v6 =	vld.idx.msk [tilespmem:v7+s2+$0x0], $0xffff;
	_ =	sdelay $0x4  }
0x6c: {  	v6 =	vshll.u32 v6, $0x4  }
0x6d: {  	v7 =	vshll.u32 v7, $0x7;
	v6 =	vand.u32 $0x70, v6  }
0x6e: {  	v6 =	vor.u32 v7, v6  }
0x6f: {  	v6 =	vor.u32 v0, v6;
	_ =	sdelay $0x4  }
0x70: {  	v57 =	vor.u32 s28, v1;
	v7 =	vld.idx.msk [tilespmem:v6+s13+$0x0], $0xffff;
	_ =	sdelay $0x4  }
0x71: {  	[tilespmem:v57+s19+$0x0] =	vst.idx.msk $0xffff, v7  }
0x72: {  	s29 =	sadd.s32 $0x2, s26;
	v6 =	vld.idx.msk [tilespmem:v6+s14+$0x0], $0xffff  }
0x73: {  	v7 =	vmov s29;
	_ =	sdelay $0x3  }
0x74: {  	[tilespmem:v57+s20+$0x0] =	vst.idx.msk $0xffff, v6  }
0x75: {  	v6 =	vld.idx.msk [tilespmem:v7+s2+$0x0], $0xffff;
	_ =	sdelay $0x4  }
0x76: {  	v6 =	vshll.u32 v6, $0x4  }
0x77: {  	v7 =	vshll.u32 v7, $0x7;
	v6 =	vand.u32 $0x70, v6  }
0x78: {  	v6 =	vor.u32 v7, v6  }
0x79: {  	v6 =	vor.u32 v0, v6;
	_ =	sdelay $0x4  }
0x7a: {  	v58 =	vor.u32 s29, v1;
	v7 =	vld.idx.msk [tilespmem:v6+s13+$0x0], $0xffff;
	_ =	sdelay $0x4  }
0x7b: {  	[tilespmem:v58+s19+$0x0] =	vst.idx.msk $0xffff, v7  }
0x7c: {  	s30 =	sadd.s32 $0x3, s26;
	v6 =	vld.idx.msk [tilespmem:v6+s14+$0x0], $0xffff  }
0x7d: {  	v7 =	vmov s30;
	_ =	sdelay $0x3  }
0x7e: {  	[tilespmem:v58+s20+$0x0] =	vst.idx.msk $0xffff, v6  }
0x7f: {  	v6 =	vld.idx.msk [tilespmem:v7+s2+$0x0], $0xffff;
	_ =	sdelay $0x4  }
0x80: {  	v6 =	vshll.u32 v6, $0x4  }
0x81: {  	v7 =	vshll.u32 v7, $0x7;
	v6 =	vand.u32 $0x70, v6  }
0x82: {  	v6 =	vor.u32 v7, v6  }
0x83: {  	v6 =	vor.u32 v0, v6;
	_ =	sdelay $0x4  }
0x84: {  	v59 =	vor.u32 s30, v1;
	v7 =	vld.idx.msk [tilespmem:v6+s13+$0x0], $0xffff;
	_ =	sdelay $0x4  }
0x85: {  	[tilespmem:v59+s19+$0x0] =	vst.idx.msk $0xffff, v7  }
0x86: {  	s31 =	sadd.s32 $0x4, s26;
	v6 =	vld.idx.msk [tilespmem:v6+s14+$0x0], $0xffff  }
0x87: {  	v7 =	vmov s31;
	_ =	sdelay $0x3  }
0x88: {  	[tilespmem:v59+s20+$0x0] =	vst.idx.msk $0xffff, v6  }
0x89: {  	v6 =	vld.idx.msk [tilespmem:v7+s2+$0x0], $0xffff;
	_ =	sdelay $0x4  }
0x8a: {  	v6 =	vshll.u32 v6, $0x4  }
0x8b: {  	v7 =	vshll.u32 v7, $0x7;
	v6 =	vand.u32 $0x70, v6  }
0x8c: {  	v6 =	vor.u32 v7, v6  }
0x8d: {  	v6 =	vor.u32 v0, v6;
	_ =	sdelay $0x4  }
0x8e: {  	v60 =	vor.u32 s31, v1;
	v7 =	vld.idx.msk [tilespmem:v6+s13+$0x0], $0xffff;
	_ =	sdelay $0x4  }
0x8f: {  	[tilespmem:v60+s19+$0x0] =	vst.idx.msk $0xffff, v7  }
0x90: {  	s29 =	sadd.s32 $0x5, s26;
	v6 =	vld.idx.msk [tilespmem:v6+s14+$0x0], $0xffff  }
0x91: {  	v7 =	vmov s29;
	_ =	sdelay $0x3  }
0x92: {  	[tilespmem:v60+s20+$0x0] =	vst.idx.msk $0xffff, v6  }
0x93: {  	v6 =	vld.idx.msk [tilespmem:v7+s2+$0x0], $0xffff;
	_ =	sdelay $0x4  }
0x94: {  	v6 =	vshll.u32 v6, $0x4  }
0x95: {  	v7 =	vshll.u32 v7, $0x7;
	v6 =	vand.u32 $0x70, v6  }
0x96: {  	v6 =	vor.u32 v7, v6  }
0x97: {  	v6 =	vor.u32 v0, v6;
	_ =	sdelay $0x4  }
0x98: {  	v61 =	vor.u32 s29, v1;
	v7 =	vld.idx.msk [tilespmem:v6+s13+$0x0], $0xffff;
	_ =	sdelay $0x4  }
0x99: {  	[tilespmem:v61+s19+$0x0] =	vst.idx.msk $0xffff, v7  }
0x9a: {  	s30 =	sadd.s32 $0x6, s26;
	v6 =	vld.idx.msk [tilespmem:v6+s14+$0x0], $0xffff  }
0x9b: {  	v7 =	vmov s30;
	_ =	sdelay $0x3  }
0x9c: {  	[tilespmem:v61+s20+$0x0] =	vst.idx.msk $0xffff, v6  }
0x9d: {  	v6 =	vld.idx.msk [tilespmem:v7+s2+$0x0], $0xffff;
	_ =	sdelay $0x4  }
0x9e: {  	v6 =	vshll.u32 v6, $0x4  }
0x9f: {  	v7 =	vshll.u32 v7, $0x7;
	v6 =	vand.u32 $0x70, v6  }
0xa0: {  	v6 =	vor.u32 v7, v6  }
0xa1: {  	v6 =	vor.u32 v0, v6;
	_ =	sdelay $0x4  }
0xa2: {  	v62 =	vor.u32 s30, v1;
	v7 =	vld.idx.msk [tilespmem:v6+s13+$0x0], $0xffff;
	_ =	sdelay $0x4  }
0xa3: {  	[tilespmem:v62+s19+$0x0] =	vst.idx.msk $0xffff, v7  }
0xa4: {  	s31 =	sadd.s32 $0x7, s26;
	v6 =	vld.idx.msk [tilespmem:v6+s14+$0x0], $0xffff  }
0xa5: {  	v7 =	vmov s31;
	_ =	sdelay $0x3  }
0xa6: {  	[tilespmem:v62+s20+$0x0] =	vst.idx.msk $0xffff, v6  }
0xa7: {  	v6 =	vld.idx.msk [tilespmem:v7+s2+$0x0], $0xffff;
	_ =	sdelay $0x4  }
0xa8: {  	v6 =	vshll.u32 v6, $0x4  }
0xa9: {  	v7 =	vshll.u32 v7, $0x7;
	v6 =	vand.u32 $0x70, v6  }
0xaa: {  	v6 =	vor.u32 v7, v6  }
0xab: {  	v6 =	vor.u32 v0, v6;
	_ =	sdelay $0x4  }
0xac: {  	v63 =	vor.u32 s31, v1;
	v7 =	vld.idx.msk [tilespmem:v6+s13+$0x0], $0xffff;
	_ =	sdelay $0x4  }
0xad: {  	[tilespmem:v63+s19+$0x0] =	vst.idx.msk $0xffff, v7  }
0xae: {  	p0 =	slt.u32 s26, $0x78;
	v6 =	vld.idx.msk [tilespmem:v6+s14+$0x0], $0xffff  }
.Ltmp0:
0xaf: {  	_ = 	snop;
	(pc) =	sbr.rel @p0 .LBB2_2-.Ltmp0, $2  }
0xb0: {  	_ =	sdelay $0x2  }
0xb1: {  	s26 =	sadd.s32 $0x8, s26;
	[tilespmem:v63+s20+$0x0] =	vst.idx.msk $0xffff, v6  }
0xb2: {  	[tilespmem:s13], [sflag:$0x1] =	stream.indirect.gather [hbm4b:s3+s9], $0x80, s21, s9, $0xb8;
	[tilespmem:$0x15680] =	vst v63  }
0xb3: {  	_ = 	snop  }
0xb4: {  	[tilespmem:s14], [sflag:$0x1] =	stream.indirect.gather [hbm4b:s4+s9], $0x80, s21, s9, $0xb8;
	[tilespmem:$0x15680] =	vst v63  }
0xb5: {  	_ =	swait.ge [sflag:s18], $0x4000  }
0xb6: {  	[sflag:s18] =	ssyncset.done $0x0  }
0xb7: {  	[sflag:s18] =	ssyncadd.s32 $0xFFFFC000  }
0xb8: {  	_ =	swait.ge [sflag:s18], $0x4000  }
0xb9: {  	[sflag:s18] =	ssyncset.done $0x0  }
0xba: {  	s28 =	simm.s32 $0xFFFFFFF8;
	[sflag:s18] =	ssyncadd.s32 $0xFFFFC000  }
.LBB2_4:
0xbb: {  	s26 =	sadd.s32 $0x88, s28  }
0xbc: {  	v6 =	vmov s26;
	_ =	sdelay $0x4  }
0xbd: {  	v7 =	vld.idx.msk [tilespmem:v6+s2+$0x0], $0xffff;
	_ =	sdelay $0x4  }
0xbe: {  	s26 =	sadd.s32 $0x8, s28;
	v7 =	vshll.u32 v7, $0x4  }
0xbf: {  	s29 =	sshll.u32 s26, $0x7;
	v7 =	vand.u32 $0x70, v7  }
0xc0: {  	v7 =	vor.u32 s29, v7  }
0xc1: {  	v7 =	vor.u32 v0, v7;
	_ =	sdelay $0x3  }
0xc2: {  	v6 =	vand.u32 $0x78, v6  }
0xc3: {  	v6 =	vor.u32 v2, v6;
	v8 =	vld.idx.msk [tilespmem:v7+s16+$0x0], $0xffff;
	_ =	sdelay $0x4  }
0xc4: {  	[tilespmem:v6+s19+$0x0] =	vst.idx.msk $0xffff, v8  }
0xc5: {  	s30 =	sadd.s32 $0x89, s28;
	v7 =	vld.idx.msk [tilespmem:v7+s17+$0x0], $0xffff  }
0xc6: {  	v50 =	vmov s30;
	_ =	sdelay $0x3  }
0xc7: {  	[tilespmem:v6+s20+$0x0] =	vst.idx.msk $0xffff, v7  }
0xc8: {  	v6 =	vld.idx.msk [tilespmem:v50+s2+$0x0], $0xffff;
	_ =	sdelay $0x4  }
0xc9: {  	s29 =	sshll.u32 s28, $0x7;
	v6 =	vshll.u32 v6, $0x4  }
0xca: {  	s30 =	sadd.s32 $0x480, s29;
	v6 =	vand.u32 $0x70, v6  }
0xcb: {  	v6 =	vor.u32 s30, v6  }
0xcc: {  	v6 =	vor.u32 v0, v6;
	_ =	sdelay $0x3  }
0xcd: {  	v7 =	vand.u32 $0x79, v50  }
0xce: {  	v7 =	vor.u32 v2, v7;
	v51 =	vld.idx.msk [tilespmem:v6+s16+$0x0], $0xffff;
	_ =	sdelay $0x4  }
0xcf: {  	[tilespmem:v7+s19+$0x0] =	vst.idx.msk $0xffff, v51  }
0xd0: {  	s31 =	sadd.s32 $0x8A, s28;
	v6 =	vld.idx.msk [tilespmem:v6+s17+$0x0], $0xffff  }
0xd1: {  	v52 =	vmov s31;
	_ =	sdelay $0x3  }
0xd2: {  	[tilespmem:v7+s20+$0x0] =	vst.idx.msk $0xffff, v6  }
0xd3: {  	v6 =	vld.idx.msk [tilespmem:v52+s2+$0x0], $0xffff;
	_ =	sdelay $0x4  }
0xd4: {  	v6 =	vshll.u32 v6, $0x4  }
0xd5: {  	s31 =	sadd.s32 $0x500, s29;
	v6 =	vand.u32 $0x70, v6  }
0xd6: {  	v6 =	vor.u32 s31, v6  }
0xd7: {  	v6 =	vor.u32 v0, v6;
	_ =	sdelay $0x3  }
0xd8: {  	v7 =	vand.u32 $0x7A, v52  }
0xd9: {  	v7 =	vor.u32 v2, v7;
	v53 =	vld.idx.msk [tilespmem:v6+s16+$0x0], $0xffff;
	_ =	sdelay $0x4  }
0xda: {  	[tilespmem:v7+s19+$0x0] =	vst.idx.msk $0xffff, v53  }
0xdb: {  	s31 =	sadd.s32 $0x8B, s28;
	v6 =	vld.idx.msk [tilespmem:v6+s17+$0x0], $0xffff  }
0xdc: {  	v54 =	vmov s31;
	_ =	sdelay $0x3  }
0xdd: {  	[tilespmem:v7+s20+$0x0] =	vst.idx.msk $0xffff, v6  }
0xde: {  	v6 =	vld.idx.msk [tilespmem:v54+s2+$0x0], $0xffff;
	_ =	sdelay $0x4  }
0xdf: {  	v6 =	vshll.u32 v6, $0x4  }
0xe0: {  	s31 =	sadd.s32 $0x580, s29;
	v6 =	vand.u32 $0x70, v6  }
0xe1: {  	v6 =	vor.u32 s31, v6  }
0xe2: {  	v6 =	vor.u32 v0, v6;
	_ =	sdelay $0x3  }
0xe3: {  	v7 =	vand.u32 $0x7B, v54  }
0xe4: {  	v7 =	vor.u32 v2, v7;
	v55 =	vld.idx.msk [tilespmem:v6+s16+$0x0], $0xffff;
	_ =	sdelay $0x4  }
0xe5: {  	[tilespmem:v7+s19+$0x0] =	vst.idx.msk $0xffff, v55  }
0xe6: {  	s31 =	sadd.s32 $0x8C, s28;
	v6 =	vld.idx.msk [tilespmem:v6+s17+$0x0], $0xffff  }
0xe7: {  	v56 =	vmov s31;
	_ =	sdelay $0x3  }
0xe8: {  	[tilespmem:v7+s20+$0x0] =	vst.idx.msk $0xffff, v6  }
0xe9: {  	v6 =	vld.idx.msk [tilespmem:v56+s2+$0x0], $0xffff;
	_ =	sdelay $0x4  }
0xea: {  	v6 =	vshll.u32 v6, $0x4  }
0xeb: {  	s31 =	sadd.s32 $0x600, s29;
	v6 =	vand.u32 $0x70, v6  }
0xec: {  	v6 =	vor.u32 s31, v6  }
0xed: {  	v6 =	vor.u32 v0, v6;
	_ =	sdelay $0x3  }
0xee: {  	v7 =	vand.u32 $0x7C, v56  }
0xef: {  	v7 =	vor.u32 v2, v7;
	v57 =	vld.idx.msk [tilespmem:v6+s16+$0x0], $0xffff;
	_ =	sdelay $0x4  }
0xf0: {  	[tilespmem:v7+s19+$0x0] =	vst.idx.msk $0xffff, v57  }
0xf1: {  	s31 =	sadd.s32 $0x8D, s28;
	v6 =	vld.idx.msk [tilespmem:v6+s17+$0x0], $0xffff  }
0xf2: {  	v58 =	vmov s31;
	_ =	sdelay $0x3  }
0xf3: {  	[tilespmem:v7+s20+$0x0] =	vst.idx.msk $0xffff, v6  }
0xf4: {  	v6 =	vld.idx.msk [tilespmem:v58+s2+$0x0], $0xffff;
	_ =	sdelay $0x4  }
0xf5: {  	v6 =	vshll.u32 v6, $0x4  }
0xf6: {  	s31 =	sadd.s32 $0x680, s29;
	v6 =	vand.u32 $0x70, v6  }
0xf7: {  	v6 =	vor.u32 s31, v6  }
0xf8: {  	v6 =	vor.u32 v0, v6;
	_ =	sdelay $0x3  }
0xf9: {  	v7 =	vand.u32 $0x7D, v58  }
0xfa: {  	v7 =	vor.u32 v2, v7;
	v59 =	vld.idx.msk [tilespmem:v6+s16+$0x0], $0xffff;
	_ =	sdelay $0x4  }
0xfb: {  	[tilespmem:v7+s19+$0x0] =	vst.idx.msk $0xffff, v59  }
0xfc: {  	s31 =	sadd.s32 $0x8E, s28;
	v6 =	vld.idx.msk [tilespmem:v6+s17+$0x0], $0xffff  }
0xfd: {  	v60 =	vmov s31;
	_ =	sdelay $0x3  }
0xfe: {  	[tilespmem:v7+s20+$0x0] =	vst.idx.msk $0xffff, v6  }
0xff: {  	v6 =	vld.idx.msk [tilespmem:v60+s2+$0x0], $0xffff;
	_ =	sdelay $0x4  }
0x100: {  	v6 =	vshll.u32 v6, $0x4  }
0x101: {  	s31 =	sadd.s32 $0x700, s29;
	v6 =	vand.u32 $0x70, v6  }
0x102: {  	v6 =	vor.u32 s31, v6  }
0x103: {  	v6 =	vor.u32 v0, v6;
	_ =	sdelay $0x3  }
0x104: {  	v7 =	vand.u32 $0x7E, v60  }
0x105: {  	v7 =	vor.u32 v2, v7;
	v61 =	vld.idx.msk [tilespmem:v6+s16+$0x0], $0xffff;
	_ =	sdelay $0x4  }
0x106: {  	[tilespmem:v7+s19+$0x0] =	vst.idx.msk $0xffff, v61  }
0x107: {  	s28 =	sadd.s32 $0x8F, s28;
	v6 =	vld.idx.msk [tilespmem:v6+s17+$0x0], $0xffff  }
0x108: {  	v62 =	vmov s28;
	_ =	sdelay $0x3  }
0x109: {  	[tilespmem:v7+s20+$0x0] =	vst.idx.msk $0xffff, v6  }
0x10a: {  	v6 =	vld.idx.msk [tilespmem:v62+s2+$0x0], $0xffff;
	_ =	sdelay $0x4  }
0x10b: {  	v6 =	vshll.u32 v6, $0x4  }
0x10c: {  	s28 =	sadd.s32 $0x780, s29;
	v6 =	vand.u32 $0x70, v6  }
0x10d: {  	v6 =	vor.u32 s28, v6  }
0x10e: {  	v6 =	vor.u32 v0, v6;
	_ =	sdelay $0x3  }
0x10f: {  	v7 =	vand.u32 $0x7F, v62  }
0x110: {  	v7 =	vor.u32 v2, v7;
	v63 =	vld.idx.msk [tilespmem:v6+s16+$0x0], $0xffff;
	_ =	sdelay $0x4  }
0x111: {  	[tilespmem:v7+s19+$0x0] =	vst.idx.msk $0xffff, v63  }
0x112: {  	p0 =	slt.u32 s26, $0x78;
	v6 =	vld.idx.msk [tilespmem:v6+s17+$0x0], $0xffff  }
.Ltmp1:
0x113: {  	_ = 	snop;
	(pc) =	sbr.rel @p0 .LBB2_4-.Ltmp1, $2  }
0x114: {  	_ =	sdelay $0x2  }
0x115: {  	s28 =	smov.u32 s26;
	[tilespmem:v7+s20+$0x0] =	vst.idx.msk $0xffff, v6  }
0x116: {  	[tilespmem:s16], [sflag:$0x1] =	stream.indirect.gather [hbm4b:s3+s9], $0x80, s10, s9, $0xb8;
	[tilespmem:$0x15680] =	vst v63  }
0x117: {  	_ = 	snop  }
0x118: {  	[tilespmem:s17], [sflag:$0x1] =	stream.indirect.gather [hbm4b:s4+s9], $0x80, s10, s9, $0xb8;
	[tilespmem:$0x15680] =	vst v63  }
0x119: {  	_ =	swait.ge [sflag:s18], $0x4000  }
0x11a: {  	[sflag:s18] =	ssyncset.done $0x0  }
0x11b: {  	[sflag:s18] =	ssyncadd.s32 $0xFFFFC000  }
0x11c: {  	_ =	swait.ge [sflag:s18], $0x4000  }
0x11d: {  	[sflag:s18] =	ssyncset.done $0x0  }
0x11e: {  	s28 =	simm.s32 $0xFFFFFFF8;
	[sflag:s18] =	ssyncadd.s32 $0xFFFFC000  }
.LBB2_6:
0x11f: {  	s26 =	sadd.s32 $0x108, s28  }
0x120: {  	v6 =	vmov s26;
	_ =	sdelay $0x4  }
0x121: {  	v7 =	vld.idx.msk [tilespmem:v6+s2+$0x0], $0xffff;
	_ =	sdelay $0x4  }
0x122: {  	s26 =	sadd.s32 $0x8, s28;
	v7 =	vshll.u32 v7, $0x4  }
0x123: {  	s29 =	sshll.u32 s26, $0x7;
	v7 =	vand.u32 $0x70, v7  }
0x124: {  	v7 =	vor.u32 s29, v7  }
0x125: {  	v7 =	vor.u32 v0, v7;
	_ =	sdelay $0x3  }
0x126: {  	v6 =	vand.u32 $0x78, v6  }
0x127: {  	v6 =	vor.u32 v3, v6;
	v8 =	vld.idx.msk [tilespmem:v7+s13+$0x0], $0xffff;
	_ =	sdelay $0x4  }
0x128: {  	[tilespmem:v6+s19+$0x0] =	vst.idx.msk $0xffff, v8  }
0x129: {  	s30 =	sadd.s32 $0x109, s28;
	v7 =	vld.idx.msk [tilespmem:v7+s14+$0x0], $0xffff  }
0x12a: {  	v50 =	vmov s30;
	_ =	sdelay $0x3  }
0x12b: {  	[tilespmem:v6+s20+$0x0] =	vst.idx.msk $0xffff, v7  }
0x12c: {  	v6 =	vld.idx.msk [tilespmem:v50+s2+$0x0], $0xffff;
	_ =	sdelay $0x4  }
0x12d: {  	s29 =	sshll.u32 s28, $0x7;
	v6 =	vshll.u32 v6, $0x4  }
0x12e: {  	s30 =	sadd.s32 $0x480, s29;
	v6 =	vand.u32 $0x70, v6  }
0x12f: {  	v6 =	vor.u32 s30, v6  }
0x130: {  	v6 =	vor.u32 v0, v6;
	_ =	sdelay $0x3  }
0x131: {  	v7 =	vand.u32 $0x79, v50  }
0x132: {  	v7 =	vor.u32 v3, v7;
	v51 =	vld.idx.msk [tilespmem:v6+s13+$0x0], $0xffff;
	_ =	sdelay $0x4  }
0x133: {  	[tilespmem:v7+s19+$0x0] =	vst.idx.msk $0xffff, v51  }
0x134: {  	s31 =	sadd.s32 $0x10A, s28;
	v6 =	vld.idx.msk [tilespmem:v6+s14+$0x0], $0xffff  }
0x135: {  	v52 =	vmov s31;
	_ =	sdelay $0x3  }
0x136: {  	[tilespmem:v7+s20+$0x0] =	vst.idx.msk $0xffff, v6  }
0x137: {  	v6 =	vld.idx.msk [tilespmem:v52+s2+$0x0], $0xffff;
	_ =	sdelay $0x4  }
0x138: {  	v6 =	vshll.u32 v6, $0x4  }
0x139: {  	s31 =	sadd.s32 $0x500, s29;
	v6 =	vand.u32 $0x70, v6  }
0x13a: {  	v6 =	vor.u32 s31, v6  }
0x13b: {  	v6 =	vor.u32 v0, v6;
	_ =	sdelay $0x3  }
0x13c: {  	v7 =	vand.u32 $0x7A, v52  }
0x13d: {  	v7 =	vor.u32 v3, v7;
	v53 =	vld.idx.msk [tilespmem:v6+s13+$0x0], $0xffff;
	_ =	sdelay $0x4  }
0x13e: {  	[tilespmem:v7+s19+$0x0] =	vst.idx.msk $0xffff, v53  }
0x13f: {  	s31 =	sadd.s32 $0x10B, s28;
	v6 =	vld.idx.msk [tilespmem:v6+s14+$0x0], $0xffff  }
0x140: {  	v54 =	vmov s31;
	_ =	sdelay $0x3  }
0x141: {  	[tilespmem:v7+s20+$0x0] =	vst.idx.msk $0xffff, v6  }
0x142: {  	v6 =	vld.idx.msk [tilespmem:v54+s2+$0x0], $0xffff;
	_ =	sdelay $0x4  }
0x143: {  	v6 =	vshll.u32 v6, $0x4  }
0x144: {  	s31 =	sadd.s32 $0x580, s29;
	v6 =	vand.u32 $0x70, v6  }
0x145: {  	v6 =	vor.u32 s31, v6  }
0x146: {  	v6 =	vor.u32 v0, v6;
	_ =	sdelay $0x3  }
0x147: {  	v7 =	vand.u32 $0x7B, v54  }
0x148: {  	v7 =	vor.u32 v3, v7;
	v55 =	vld.idx.msk [tilespmem:v6+s13+$0x0], $0xffff;
	_ =	sdelay $0x4  }
0x149: {  	[tilespmem:v7+s19+$0x0] =	vst.idx.msk $0xffff, v55  }
0x14a: {  	s31 =	sadd.s32 $0x10C, s28;
	v6 =	vld.idx.msk [tilespmem:v6+s14+$0x0], $0xffff  }
0x14b: {  	v56 =	vmov s31;
	_ =	sdelay $0x3  }
0x14c: {  	[tilespmem:v7+s20+$0x0] =	vst.idx.msk $0xffff, v6  }
0x14d: {  	v6 =	vld.idx.msk [tilespmem:v56+s2+$0x0], $0xffff;
	_ =	sdelay $0x4  }
0x14e: {  	v6 =	vshll.u32 v6, $0x4  }
0x14f: {  	s31 =	sadd.s32 $0x600, s29;
	v6 =	vand.u32 $0x70, v6  }
0x150: {  	v6 =	vor.u32 s31, v6  }
0x151: {  	v6 =	vor.u32 v0, v6;
	_ =	sdelay $0x3  }
0x152: {  	v7 =	vand.u32 $0x7C, v56  }
0x153: {  	v7 =	vor.u32 v3, v7;
	v57 =	vld.idx.msk [tilespmem:v6+s13+$0x0], $0xffff;
	_ =	sdelay $0x4  }
0x154: {  	[tilespmem:v7+s19+$0x0] =	vst.idx.msk $0xffff, v57  }
0x155: {  	s31 =	sadd.s32 $0x10D, s28;
	v6 =	vld.idx.msk [tilespmem:v6+s14+$0x0], $0xffff  }
0x156: {  	v58 =	vmov s31;
	_ =	sdelay $0x3  }
0x157: {  	[tilespmem:v7+s20+$0x0] =	vst.idx.msk $0xffff, v6  }
0x158: {  	v6 =	vld.idx.msk [tilespmem:v58+s2+$0x0], $0xffff;
	_ =	sdelay $0x4  }
0x159: {  	v6 =	vshll.u32 v6, $0x4  }
0x15a: {  	s31 =	sadd.s32 $0x680, s29;
	v6 =	vand.u32 $0x70, v6  }
0x15b: {  	v6 =	vor.u32 s31, v6  }
0x15c: {  	v6 =	vor.u32 v0, v6;
	_ =	sdelay $0x3  }
0x15d: {  	v7 =	vand.u32 $0x7D, v58  }
0x15e: {  	v7 =	vor.u32 v3, v7;
	v59 =	vld.idx.msk [tilespmem:v6+s13+$0x0], $0xffff;
	_ =	sdelay $0x4  }
0x15f: {  	[tilespmem:v7+s19+$0x0] =	vst.idx.msk $0xffff, v59  }
0x160: {  	s31 =	sadd.s32 $0x10E, s28;
	v6 =	vld.idx.msk [tilespmem:v6+s14+$0x0], $0xffff  }
0x161: {  	v60 =	vmov s31;
	_ =	sdelay $0x3  }
0x162: {  	[tilespmem:v7+s20+$0x0] =	vst.idx.msk $0xffff, v6  }
0x163: {  	v6 =	vld.idx.msk [tilespmem:v60+s2+$0x0], $0xffff;
	_ =	sdelay $0x4  }
0x164: {  	v6 =	vshll.u32 v6, $0x4  }
0x165: {  	s31 =	sadd.s32 $0x700, s29;
	v6 =	vand.u32 $0x70, v6  }
0x166: {  	v6 =	vor.u32 s31, v6  }
0x167: {  	v6 =	vor.u32 v0, v6;
	_ =	sdelay $0x3  }
0x168: {  	v7 =	vand.u32 $0x7E, v60  }
0x169: {  	v7 =	vor.u32 v3, v7;
	v61 =	vld.idx.msk [tilespmem:v6+s13+$0x0], $0xffff;
	_ =	sdelay $0x4  }
0x16a: {  	[tilespmem:v7+s19+$0x0] =	vst.idx.msk $0xffff, v61  }
0x16b: {  	s28 =	sadd.s32 $0x10F, s28;
	v6 =	vld.idx.msk [tilespmem:v6+s14+$0x0], $0xffff  }
0x16c: {  	v62 =	vmov s28;
	_ =	sdelay $0x3  }
0x16d: {  	[tilespmem:v7+s20+$0x0] =	vst.idx.msk $0xffff, v6  }
0x16e: {  	v6 =	vld.idx.msk [tilespmem:v62+s2+$0x0], $0xffff;
	_ =	sdelay $0x4  }
0x16f: {  	v6 =	vshll.u32 v6, $0x4  }
0x170: {  	s28 =	sadd.s32 $0x780, s29;
	v6 =	vand.u32 $0x70, v6  }
0x171: {  	v6 =	vor.u32 s28, v6  }
0x172: {  	v6 =	vor.u32 v0, v6;
	_ =	sdelay $0x3  }
0x173: {  	v7 =	vand.u32 $0x7F, v62  }
0x174: {  	v7 =	vor.u32 v3, v7;
	v63 =	vld.idx.msk [tilespmem:v6+s13+$0x0], $0xffff;
	_ =	sdelay $0x4  }
0x175: {  	[tilespmem:v7+s19+$0x0] =	vst.idx.msk $0xffff, v63  }
0x176: {  	p0 =	slt.u32 s26, $0x78;
	v6 =	vld.idx.msk [tilespmem:v6+s14+$0x0], $0xffff  }
.Ltmp2:
0x177: {  	_ = 	snop;
	(pc) =	sbr.rel @p0 .LBB2_6-.Ltmp2, $2  }
0x178: {  	_ =	sdelay $0x2  }
0x179: {  	s28 =	smov.u32 s26;
	[tilespmem:v7+s20+$0x0] =	vst.idx.msk $0xffff, v6  }
0x17a: {  	[tilespmem:s13], [sflag:$0x1] =	stream.indirect.gather [hbm4b:s3+s9], $0x80, s22, s9, $0xb8;
	[tilespmem:$0x15680] =	vst v63  }
0x17b: {  	_ = 	snop  }
0x17c: {  	[tilespmem:s14], [sflag:$0x1] =	stream.indirect.gather [hbm4b:s4+s9], $0x80, s22, s9, $0xb8;
	[tilespmem:$0x15680] =	vst v63  }
0x17d: {  	_ =	swait.ge [sflag:s18], $0x4000  }
0x17e: {  	[sflag:s18] =	ssyncset.done $0x0  }
0x17f: {  	[sflag:s18] =	ssyncadd.s32 $0xFFFFC000  }
0x180: {  	_ =	swait.ge [sflag:s18], $0x4000  }
0x181: {  	[sflag:s18] =	ssyncset.done $0x0  }
0x182: {  	s28 =	simm.s32 $0xFFFFFFF8;
	[sflag:s18] =	ssyncadd.s32 $0xFFFFC000  }
.LBB2_8:
0x183: {  	s26 =	sadd.s32 $0x188, s28  }
0x184: {  	v6 =	vmov s26;
	_ =	sdelay $0x4  }
0x185: {  	v7 =	vld.idx.msk [tilespmem:v6+s2+$0x0], $0xffff;
	_ =	sdelay $0x4  }
0x186: {  	s26 =	sadd.s32 $0x8, s28;
	v7 =	vshll.u32 v7, $0x4  }
0x187: {  	s29 =	sshll.u32 s26, $0x7;
	v7 =	vand.u32 $0x70, v7  }
0x188: {  	v7 =	vor.u32 s29, v7  }
0x189: {  	v7 =	vor.u32 v0, v7;
	_ =	sdelay $0x3  }
0x18a: {  	v6 =	vand.u32 $0x78, v6  }
0x18b: {  	v6 =	vor.u32 v4, v6;
	v8 =	vld.idx.msk [tilespmem:v7+s16+$0x0], $0xffff;
	_ =	sdelay $0x4  }
0x18c: {  	[tilespmem:v6+s19+$0x0] =	vst.idx.msk $0xffff, v8  }
0x18d: {  	s30 =	sadd.s32 $0x189, s28;
	v7 =	vld.idx.msk [tilespmem:v7+s17+$0x0], $0xffff  }
0x18e: {  	v50 =	vmov s30;
	_ =	sdelay $0x3  }
0x18f: {  	[tilespmem:v6+s20+$0x0] =	vst.idx.msk $0xffff, v7  }
0x190: {  	v6 =	vld.idx.msk [tilespmem:v50+s2+$0x0], $0xffff;
	_ =	sdelay $0x4  }
0x191: {  	s29 =	sshll.u32 s28, $0x7;
	v6 =	vshll.u32 v6, $0x4  }
0x192: {  	s30 =	sadd.s32 $0x480, s29;
	v6 =	vand.u32 $0x70, v6  }
0x193: {  	v6 =	vor.u32 s30, v6  }
0x194: {  	v6 =	vor.u32 v0, v6;
	_ =	sdelay $0x3  }
0x195: {  	v7 =	vand.u32 $0x79, v50  }
0x196: {  	v7 =	vor.u32 v4, v7;
	v51 =	vld.idx.msk [tilespmem:v6+s16+$0x0], $0xffff;
	_ =	sdelay $0x4  }
0x197: {  	[tilespmem:v7+s19+$0x0] =	vst.idx.msk $0xffff, v51  }
0x198: {  	s31 =	sadd.s32 $0x18A, s28;
	v6 =	vld.idx.msk [tilespmem:v6+s17+$0x0], $0xffff  }
0x199: {  	v52 =	vmov s31;
	_ =	sdelay $0x3  }
0x19a: {  	[tilespmem:v7+s20+$0x0] =	vst.idx.msk $0xffff, v6  }
0x19b: {  	v6 =	vld.idx.msk [tilespmem:v52+s2+$0x0], $0xffff;
	_ =	sdelay $0x4  }
0x19c: {  	v6 =	vshll.u32 v6, $0x4  }
0x19d: {  	s31 =	sadd.s32 $0x500, s29;
	v6 =	vand.u32 $0x70, v6  }
0x19e: {  	v6 =	vor.u32 s31, v6  }
0x19f: {  	v6 =	vor.u32 v0, v6;
	_ =	sdelay $0x3  }
0x1a0: {  	v7 =	vand.u32 $0x7A, v52  }
0x1a1: {  	v7 =	vor.u32 v4, v7;
	v53 =	vld.idx.msk [tilespmem:v6+s16+$0x0], $0xffff;
	_ =	sdelay $0x4  }
0x1a2: {  	[tilespmem:v7+s19+$0x0] =	vst.idx.msk $0xffff, v53  }
0x1a3: {  	s31 =	sadd.s32 $0x18B, s28;
	v6 =	vld.idx.msk [tilespmem:v6+s17+$0x0], $0xffff  }
0x1a4: {  	v54 =	vmov s31;
	_ =	sdelay $0x3  }
0x1a5: {  	[tilespmem:v7+s20+$0x0] =	vst.idx.msk $0xffff, v6  }
0x1a6: {  	v6 =	vld.idx.msk [tilespmem:v54+s2+$0x0], $0xffff;
	_ =	sdelay $0x4  }
0x1a7: {  	v6 =	vshll.u32 v6, $0x4  }
0x1a8: {  	s31 =	sadd.s32 $0x580, s29;
	v6 =	vand.u32 $0x70, v6  }
0x1a9: {  	v6 =	vor.u32 s31, v6  }
0x1aa: {  	v6 =	vor.u32 v0, v6;
	_ =	sdelay $0x3  }
0x1ab: {  	v7 =	vand.u32 $0x7B, v54  }
0x1ac: {  	v7 =	vor.u32 v4, v7;
	v55 =	vld.idx.msk [tilespmem:v6+s16+$0x0], $0xffff;
	_ =	sdelay $0x4  }
0x1ad: {  	[tilespmem:v7+s19+$0x0] =	vst.idx.msk $0xffff, v55  }
0x1ae: {  	s31 =	sadd.s32 $0x18C, s28;
	v6 =	vld.idx.msk [tilespmem:v6+s17+$0x0], $0xffff  }
0x1af: {  	v56 =	vmov s31;
	_ =	sdelay $0x3  }
0x1b0: {  	[tilespmem:v7+s20+$0x0] =	vst.idx.msk $0xffff, v6  }
0x1b1: {  	v6 =	vld.idx.msk [tilespmem:v56+s2+$0x0], $0xffff;
	_ =	sdelay $0x4  }
0x1b2: {  	v6 =	vshll.u32 v6, $0x4  }
0x1b3: {  	s31 =	sadd.s32 $0x600, s29;
	v6 =	vand.u32 $0x70, v6  }
0x1b4: {  	v6 =	vor.u32 s31, v6  }
0x1b5: {  	v6 =	vor.u32 v0, v6;
	_ =	sdelay $0x3  }
0x1b6: {  	v7 =	vand.u32 $0x7C, v56  }
0x1b7: {  	v7 =	vor.u32 v4, v7;
	v57 =	vld.idx.msk [tilespmem:v6+s16+$0x0], $0xffff;
	_ =	sdelay $0x4  }
0x1b8: {  	[tilespmem:v7+s19+$0x0] =	vst.idx.msk $0xffff, v57  }
0x1b9: {  	s31 =	sadd.s32 $0x18D, s28;
	v6 =	vld.idx.msk [tilespmem:v6+s17+$0x0], $0xffff  }
0x1ba: {  	v58 =	vmov s31;
	_ =	sdelay $0x3  }
0x1bb: {  	[tilespmem:v7+s20+$0x0] =	vst.idx.msk $0xffff, v6  }
0x1bc: {  	v6 =	vld.idx.msk [tilespmem:v58+s2+$0x0], $0xffff;
	_ =	sdelay $0x4  }
0x1bd: {  	v6 =	vshll.u32 v6, $0x4  }
0x1be: {  	s31 =	sadd.s32 $0x680, s29;
	v6 =	vand.u32 $0x70, v6  }
0x1bf: {  	v6 =	vor.u32 s31, v6  }
0x1c0: {  	v6 =	vor.u32 v0, v6;
	_ =	sdelay $0x3  }
0x1c1: {  	v7 =	vand.u32 $0x7D, v58  }
0x1c2: {  	v7 =	vor.u32 v4, v7;
	v59 =	vld.idx.msk [tilespmem:v6+s16+$0x0], $0xffff;
	_ =	sdelay $0x4  }
0x1c3: {  	[tilespmem:v7+s19+$0x0] =	vst.idx.msk $0xffff, v59  }
0x1c4: {  	s31 =	sadd.s32 $0x18E, s28;
	v6 =	vld.idx.msk [tilespmem:v6+s17+$0x0], $0xffff  }
0x1c5: {  	v60 =	vmov s31;
	_ =	sdelay $0x3  }
0x1c6: {  	[tilespmem:v7+s20+$0x0] =	vst.idx.msk $0xffff, v6  }
0x1c7: {  	v6 =	vld.idx.msk [tilespmem:v60+s2+$0x0], $0xffff;
	_ =	sdelay $0x4  }
0x1c8: {  	v6 =	vshll.u32 v6, $0x4  }
0x1c9: {  	s31 =	sadd.s32 $0x700, s29;
	v6 =	vand.u32 $0x70, v6  }
0x1ca: {  	v6 =	vor.u32 s31, v6  }
0x1cb: {  	v6 =	vor.u32 v0, v6;
	_ =	sdelay $0x3  }
0x1cc: {  	v7 =	vand.u32 $0x7E, v60  }
0x1cd: {  	v7 =	vor.u32 v4, v7;
	v61 =	vld.idx.msk [tilespmem:v6+s16+$0x0], $0xffff;
	_ =	sdelay $0x4  }
0x1ce: {  	[tilespmem:v7+s19+$0x0] =	vst.idx.msk $0xffff, v61  }
0x1cf: {  	s28 =	sadd.s32 $0x18F, s28;
	v6 =	vld.idx.msk [tilespmem:v6+s17+$0x0], $0xffff  }
0x1d0: {  	v62 =	vmov s28;
	_ =	sdelay $0x3  }
0x1d1: {  	[tilespmem:v7+s20+$0x0] =	vst.idx.msk $0xffff, v6  }
0x1d2: {  	v6 =	vld.idx.msk [tilespmem:v62+s2+$0x0], $0xffff;
	_ =	sdelay $0x4  }
0x1d3: {  	v6 =	vshll.u32 v6, $0x4  }
0x1d4: {  	s28 =	sadd.s32 $0x780, s29;
	v6 =	vand.u32 $0x70, v6  }
0x1d5: {  	v6 =	vor.u32 s28, v6  }
0x1d6: {  	v6 =	vor.u32 v0, v6;
	_ =	sdelay $0x3  }
0x1d7: {  	v7 =	vand.u32 $0x7F, v62  }
0x1d8: {  	v7 =	vor.u32 v4, v7;
	v63 =	vld.idx.msk [tilespmem:v6+s16+$0x0], $0xffff;
	_ =	sdelay $0x4  }
0x1d9: {  	[tilespmem:v7+s19+$0x0] =	vst.idx.msk $0xffff, v63  }
0x1da: {  	p0 =	slt.u32 s26, $0x78;
	v6 =	vld.idx.msk [tilespmem:v6+s17+$0x0], $0xffff  }
.Ltmp3:
0x1db: {  	_ = 	snop;
	(pc) =	sbr.rel @p0 .LBB2_8-.Ltmp3, $2  }
0x1dc: {  	_ =	sdelay $0x2  }
0x1dd: {  	s28 =	smov.u32 s26;
	[tilespmem:v7+s20+$0x0] =	vst.idx.msk $0xffff, v6  }
0x1de: {  	_ =	swait.ge [sflag:s18], $0x4000  }
0x1df: {  	[sflag:s18] =	ssyncset.done $0x0  }
0x1e0: {  	[sflag:s18] =	ssyncadd.s32 $0xFFFFC000  }
0x1e1: {  	_ =	swait.ge [sflag:s18], $0x4000  }
0x1e2: {  	[sflag:s18] =	ssyncset.done $0x0  }
0x1e3: {  	s28 =	simm.s32 $0xFFFFFFF8;
	[sflag:s18] =	ssyncadd.s32 $0xFFFFC000  }
.LBB2_10:
0x1e4: {  	s26 =	sadd.s32 $0x208, s28  }
0x1e5: {  	v6 =	vmov s26;
	_ =	sdelay $0x4  }
0x1e6: {  	v7 =	vld.idx.msk [tilespmem:v6+s2+$0x0], $0xffff;
	_ =	sdelay $0x4  }
0x1e7: {  	s26 =	sadd.s32 $0x8, s28;
	v7 =	vshll.u32 v7, $0x4  }
0x1e8: {  	s29 =	sshll.u32 s26, $0x7;
	v7 =	vand.u32 $0x70, v7  }
0x1e9: {  	v7 =	vor.u32 s29, v7  }
0x1ea: {  	v7 =	vor.u32 v0, v7;
	_ =	sdelay $0x3  }
0x1eb: {  	v6 =	vand.u32 $0x78, v6  }
0x1ec: {  	v6 =	vor.u32 v5, v6;
	v8 =	vld.idx.msk [tilespmem:v7+s13+$0x0], $0xffff;
	_ =	sdelay $0x4  }
0x1ed: {  	[tilespmem:v6+s19+$0x0] =	vst.idx.msk $0xffff, v8  }
0x1ee: {  	s30 =	sadd.s32 $0x209, s28;
	v7 =	vld.idx.msk [tilespmem:v7+s14+$0x0], $0xffff  }
0x1ef: {  	v50 =	vmov s30;
	_ =	sdelay $0x3  }
0x1f0: {  	[tilespmem:v6+s20+$0x0] =	vst.idx.msk $0xffff, v7  }
0x1f1: {  	v6 =	vld.idx.msk [tilespmem:v50+s2+$0x0], $0xffff;
	_ =	sdelay $0x4  }
0x1f2: {  	s29 =	sshll.u32 s28, $0x7;
	v6 =	vshll.u32 v6, $0x4  }
0x1f3: {  	s30 =	sadd.s32 $0x480, s29;
	v6 =	vand.u32 $0x70, v6  }
0x1f4: {  	v6 =	vor.u32 s30, v6  }
0x1f5: {  	v6 =	vor.u32 v0, v6;
	_ =	sdelay $0x3  }
0x1f6: {  	v7 =	vand.u32 $0x79, v50  }
0x1f7: {  	v7 =	vor.u32 v5, v7;
	v51 =	vld.idx.msk [tilespmem:v6+s13+$0x0], $0xffff;
	_ =	sdelay $0x4  }
0x1f8: {  	[tilespmem:v7+s19+$0x0] =	vst.idx.msk $0xffff, v51  }
0x1f9: {  	s31 =	sadd.s32 $0x20A, s28;
	v6 =	vld.idx.msk [tilespmem:v6+s14+$0x0], $0xffff  }
0x1fa: {  	v52 =	vmov s31;
	_ =	sdelay $0x3  }
0x1fb: {  	[tilespmem:v7+s20+$0x0] =	vst.idx.msk $0xffff, v6  }
0x1fc: {  	v6 =	vld.idx.msk [tilespmem:v52+s2+$0x0], $0xffff;
	_ =	sdelay $0x4  }
0x1fd: {  	v6 =	vshll.u32 v6, $0x4  }
0x1fe: {  	s31 =	sadd.s32 $0x500, s29;
	v6 =	vand.u32 $0x70, v6  }
0x1ff: {  	v6 =	vor.u32 s31, v6  }
0x200: {  	v6 =	vor.u32 v0, v6;
	_ =	sdelay $0x3  }
0x201: {  	v7 =	vand.u32 $0x7A, v52  }
0x202: {  	v7 =	vor.u32 v5, v7;
	v53 =	vld.idx.msk [tilespmem:v6+s13+$0x0], $0xffff;
	_ =	sdelay $0x4  }
0x203: {  	[tilespmem:v7+s19+$0x0] =	vst.idx.msk $0xffff, v53  }
0x204: {  	s31 =	sadd.s32 $0x20B, s28;
	v6 =	vld.idx.msk [tilespmem:v6+s14+$0x0], $0xffff  }
0x205: {  	v54 =	vmov s31;
	_ =	sdelay $0x3  }
0x206: {  	[tilespmem:v7+s20+$0x0] =	vst.idx.msk $0xffff, v6  }
0x207: {  	v6 =	vld.idx.msk [tilespmem:v54+s2+$0x0], $0xffff;
	_ =	sdelay $0x4  }
0x208: {  	v6 =	vshll.u32 v6, $0x4  }
0x209: {  	s31 =	sadd.s32 $0x580, s29;
	v6 =	vand.u32 $0x70, v6  }
0x20a: {  	v6 =	vor.u32 s31, v6  }
0x20b: {  	v6 =	vor.u32 v0, v6;
	_ =	sdelay $0x3  }
0x20c: {  	v7 =	vand.u32 $0x7B, v54  }
0x20d: {  	v7 =	vor.u32 v5, v7;
	v55 =	vld.idx.msk [tilespmem:v6+s13+$0x0], $0xffff;
	_ =	sdelay $0x4  }
0x20e: {  	[tilespmem:v7+s19+$0x0] =	vst.idx.msk $0xffff, v55  }
0x20f: {  	s31 =	sadd.s32 $0x20C, s28;
	v6 =	vld.idx.msk [tilespmem:v6+s14+$0x0], $0xffff  }
0x210: {  	v56 =	vmov s31;
	_ =	sdelay $0x3  }
0x211: {  	[tilespmem:v7+s20+$0x0] =	vst.idx.msk $0xffff, v6  }
0x212: {  	v6 =	vld.idx.msk [tilespmem:v56+s2+$0x0], $0xffff;
	_ =	sdelay $0x4  }
0x213: {  	v6 =	vshll.u32 v6, $0x4  }
0x214: {  	s31 =	sadd.s32 $0x600, s29;
	v6 =	vand.u32 $0x70, v6  }
0x215: {  	v6 =	vor.u32 s31, v6  }
0x216: {  	v6 =	vor.u32 v0, v6;
	_ =	sdelay $0x3  }
0x217: {  	v7 =	vand.u32 $0x7C, v56  }
0x218: {  	v7 =	vor.u32 v5, v7;
	v57 =	vld.idx.msk [tilespmem:v6+s13+$0x0], $0xffff;
	_ =	sdelay $0x4  }
0x219: {  	[tilespmem:v7+s19+$0x0] =	vst.idx.msk $0xffff, v57  }
0x21a: {  	s31 =	sadd.s32 $0x20D, s28;
	v6 =	vld.idx.msk [tilespmem:v6+s14+$0x0], $0xffff  }
0x21b: {  	v58 =	vmov s31;
	_ =	sdelay $0x3  }
0x21c: {  	[tilespmem:v7+s20+$0x0] =	vst.idx.msk $0xffff, v6  }
0x21d: {  	v6 =	vld.idx.msk [tilespmem:v58+s2+$0x0], $0xffff;
	_ =	sdelay $0x4  }
0x21e: {  	v6 =	vshll.u32 v6, $0x4  }
0x21f: {  	s31 =	sadd.s32 $0x680, s29;
	v6 =	vand.u32 $0x70, v6  }
0x220: {  	v6 =	vor.u32 s31, v6  }
0x221: {  	v6 =	vor.u32 v0, v6;
	_ =	sdelay $0x3  }
0x222: {  	v7 =	vand.u32 $0x7D, v58  }
0x223: {  	v7 =	vor.u32 v5, v7;
	v59 =	vld.idx.msk [tilespmem:v6+s13+$0x0], $0xffff;
	_ =	sdelay $0x4  }
0x224: {  	[tilespmem:v7+s19+$0x0] =	vst.idx.msk $0xffff, v59  }
0x225: {  	s31 =	sadd.s32 $0x20E, s28;
	v6 =	vld.idx.msk [tilespmem:v6+s14+$0x0], $0xffff  }
0x226: {  	v60 =	vmov s31;
	_ =	sdelay $0x3  }
0x227: {  	[tilespmem:v7+s20+$0x0] =	vst.idx.msk $0xffff, v6  }
0x228: {  	v6 =	vld.idx.msk [tilespmem:v60+s2+$0x0], $0xffff;
	_ =	sdelay $0x4  }
0x229: {  	v6 =	vshll.u32 v6, $0x4  }
0x22a: {  	s31 =	sadd.s32 $0x700, s29;
	v6 =	vand.u32 $0x70, v6  }
0x22b: {  	v6 =	vor.u32 s31, v6  }
0x22c: {  	v6 =	vor.u32 v0, v6;
	_ =	sdelay $0x3  }
0x22d: {  	v7 =	vand.u32 $0x7E, v60  }
0x22e: {  	v7 =	vor.u32 v5, v7;
	v61 =	vld.idx.msk [tilespmem:v6+s13+$0x0], $0xffff;
	_ =	sdelay $0x4  }
0x22f: {  	[tilespmem:v7+s19+$0x0] =	vst.idx.msk $0xffff, v61  }
0x230: {  	s28 =	sadd.s32 $0x20F, s28;
	v6 =	vld.idx.msk [tilespmem:v6+s14+$0x0], $0xffff  }
0x231: {  	v62 =	vmov s28;
	_ =	sdelay $0x3  }
0x232: {  	[tilespmem:v7+s20+$0x0] =	vst.idx.msk $0xffff, v6  }
0x233: {  	v6 =	vld.idx.msk [tilespmem:v62+s2+$0x0], $0xffff;
	_ =	sdelay $0x4  }
0x234: {  	v6 =	vshll.u32 v6, $0x4  }
0x235: {  	s28 =	sadd.s32 $0x780, s29;
	v6 =	vand.u32 $0x70, v6  }
0x236: {  	v6 =	vor.u32 s28, v6  }
0x237: {  	v6 =	vor.u32 v0, v6;
	_ =	sdelay $0x3  }
0x238: {  	v7 =	vand.u32 $0x7F, v62  }
0x239: {  	v7 =	vor.u32 v5, v7;
	v63 =	vld.idx.msk [tilespmem:v6+s13+$0x0], $0xffff;
	_ =	sdelay $0x4  }
0x23a: {  	[tilespmem:v7+s19+$0x0] =	vst.idx.msk $0xffff, v63  }
0x23b: {  	p0 =	slt.u32 s26, $0x78;
	v6 =	vld.idx.msk [tilespmem:v6+s14+$0x0], $0xffff  }
.Ltmp4:
0x23c: {  	_ = 	snop;
	(pc) =	sbr.rel @p0 .LBB2_10-.Ltmp4, $2  }
0x23d: {  	_ =	sdelay $0x2  }
0x23e: {  	s28 =	smov.u32 s26;
	[tilespmem:v7+s20+$0x0] =	vst.idx.msk $0xffff, v6  }
0x23f: {  	[hbm4b:s6+s23] =	stream.strided.scatter [tilespmem:s19], [sflag:$0x2], $0x2800, s24, s23, $0x38;
	[tilespmem:$0x15680] =	vst v63  }
0x240: {  	s25 =	sadd.s32 $0x1, s25;
	_ =	swait.ge [sflag:s11], $0x2800  }
0x241: {  	p0 =	sne.s32 s25, s8;
	[sflag:s11] =	ssyncset.done $0x0  }
.Ltmp5:
0x242: {  	[sflag:s11] =	ssyncadd.s32 $0xFFFFD800;
	(pc) =	sbr.rel @p0 .LBB2_1-.Ltmp5, $4  }
0x243: {  	[hbm4b:s7+s23] =	stream.strided.scatter [tilespmem:s20], [sflag:$0x2], $0x2800, s24, s23, $0x38;
	[tilespmem:$0x15680] =	vst v63  }
0x244: {  	_ =	swait.ge [sflag:s11], $0x2800  }
0x245: {  	[sflag:s11] =	ssyncset.done $0x0  }
0x246: {  	[sflag:s11] =	ssyncadd.s32 $0xFFFFD800  }
0x247: {  	_ =	sfence.sel $0x180000  }
0x248: {  	[bflag:$0x0] =	sbarrier.arrive $0xFFFF  }
0x249: {  	p0 =	sne.s32 s1, $0x0;
	_ =	strace $0x90000047  }
0x24a: {  	s0 =	sadd.s32 @!p0 $0x100000, s0;
	[bflag:$0x2] =	sbarrier.arrive $0xFFFF  }
0x24b: {  	[sflag:s0] =	ssyncadd.tile.s32 @!p0 $0x1;
	_ =	shalt  }
.Lfunc_end2:
_tile_overlayer_lowered:
.L_overlay_start_2:
0x24c: {  	(tag) =	ssettag $0x2  }
0x24d: {  	s0 =	rddreg [dreg:$0x0];
	s2 =	stileid.u32  }
0x24e: {  	s1 =	rddreg [dreg:$0x1];
	p0 =	sne.s32 s2, $0x0  }
0x24f: {  	s3 =	rddreg [dreg:$0x2];
	[bflag:$0x3] =	sbarrier.arrive $0xFFFF;
	s2 =	simm.s32 @!p0 $0x1C02  }
0x250: {  	[timem:s3], [sflag:s2] =	dma.local @!p0 [hbm:s0], s1  }
0x251: {  	s0 =	simm.s32 @!p0 $0x2  }
0x252: {  	_ =	swait.ge @!p0 [sflag:s0], s1  }
0x253: {  	s1 =	ssub.s32 @!p0 $0x0, s1;
	[sflag:s0] =	ssyncset.done @!p0 $0x0  }
0x254: {  	[sflag:s0] =	ssyncadd.s32 @!p0 s1  }
0x255: {  	[bflag:$0x3] =	sbarrier.arrive $0xFFFF  }
0x256: {  	_ =	shalt  }

</sc_bundles>
